<compile_context>
chip_gen: v7x
topology: tpu7x:2x2x1
jax: 0.10.2.dev20260603
libtpu: 0.0.44.dev20260713+nightly
codegen_flags: <defaults>
</compile_context>

<pallas_src>
import functools

import jax
import jax.numpy as jnp
from jax import lax
from jax.experimental import pallas as pl
from jax.experimental.pallas import tpu as pltpu
from jax.experimental.pallas import tpu_sc as plsc

N = 10000
NP = 10240
E = 160000
NC, NS, L = 2, 16, 16
NW = NC * NS
CHUNK = 128
NCH = 40
EPT = NCH * CHUNK
EP = NW * EPT
RPT = NP // NS
HALF = EPT // 2

_mesh = plsc.VectorSubcoreMesh(
    core_axis_name="c", subcore_axis_name="s", num_cores=NC, num_subcores=NS
)
_sc_params = pltpu.CompilerParams(use_tc_tiling_on_sc=False,
                                  needs_layout_passes=False)


def _rsqrt16(x):
    i = plsc.bitcast(x, jnp.int32)
    i = jnp.full((L,), 0x5F3759DF, jnp.int32) - lax.shift_right_logical(i, 1)
    y = plsc.bitcast(i, jnp.float32)
    for _ in range(2):
        y = y * (1.5 - 0.5 * x * y * y)
    r = 1.0 - x * y * y
    return y * (1.0 + r * (0.5 + 0.375 * r))


def _zero_into(zbuf, agg_sh, s):
    @plsc.parallel_loop(0, RPT, unroll=8)
    def zbody(i):
        zbuf[i] = jnp.zeros((L,), jnp.float32)

    pltpu.sync_copy(zbuf.at[pl.ds(0, RPT)], agg_sh.at[pl.ds(s * RPT, RPT)])


def _readout(obuf, agg_sh, out_hbm, c, s):
    pltpu.sync_copy(agg_sh.at[pl.ds(s * RPT, RPT)], obuf)
    pltpu.sync_copy(obuf, out_hbm.at[c, pl.ds(s * RPT, RPT)])


def _edge_sweep(row_v, col_v, gbufa, gbufb, h_sh, agg_sh, gsema, gsemb, ssem):
    pltpu.async_copy(h_sh.at[row_v.at[pl.ds(0, HALF)]], gbufa, gsema)
    pltpu.async_copy(h_sh.at[row_v.at[pl.ds(HALF, HALF)]], gbufb, gsemb)
    pltpu.make_async_copy(h_sh.at[row_v.at[pl.ds(0, HALF)]], gbufa,
                          gsema).wait()

    def firea(j, carry):
        pltpu.async_copy(gbufa.at[pl.ds(j * CHUNK, CHUNK)],
                         agg_sh.at[col_v.at[j]], ssem, add=True)
        return carry

    lax.fori_loop(0, NCH // 2, firea, 0)
    pltpu.make_async_copy(h_sh.at[row_v.at[pl.ds(HALF, HALF)]], gbufb,
                          gsemb).wait()

    def fireb(j, carry):
        pltpu.async_copy(gbufb.at[pl.ds((j - NCH // 2) * CHUNK, CHUNK)],
                         agg_sh.at[col_v.at[j]], ssem, add=True)
        return carry

    lax.fori_loop(NCH // 2, NCH, fireb, 0)

    def drain(j, carry):
        pltpu.make_async_copy(gbufa.at[pl.ds(0, CHUNK)],
                              agg_sh.at[col_v.at[j]], ssem).wait()
        return carry

    lax.fori_loop(0, NCH, drain, 0)


def _sc_deg_body(ones_hbm, col_hbm, out_hbm, col_v, ones_v, obuf, deg_sh,
                 ssem):
    c = lax.axis_index("c")
    s = lax.axis_index("s")
    wid = c * NS + s
    pltpu.sync_copy(col_hbm.at[wid], col_v)
    pltpu.sync_copy(ones_hbm, ones_v)

    @plsc.parallel_loop(0, RPT // L, unroll=8)
    def zbody(i):
        obuf[pl.ds(i * L, L)] = jnp.zeros((L,), jnp.float32)

    pltpu.sync_copy(obuf, deg_sh.at[pl.ds(s * RPT, RPT)])
    plsc.subcore_barrier()

    def fire(j, carry):
        pltpu.async_copy(ones_v, deg_sh.at[col_v.at[j]], ssem, add=True)
        return carry

    lax.fori_loop(0, NCH, fire, 0)

    def drain(j, carry):
        pltpu.make_async_copy(ones_v, deg_sh.at[col_v.at[j]], ssem).wait()
        return carry

    lax.fori_loop(0, NCH, drain, 0)
    plsc.subcore_barrier()
    pltpu.sync_copy(deg_sh.at[pl.ds(s * RPT, RPT)], obuf)
    pltpu.sync_copy(obuf, out_hbm.at[c, pl.ds(s * RPT, RPT)])


_sc_deg = functools.partial(
    pl.kernel,
    out_type=jax.ShapeDtypeStruct((NC, NP), jnp.float32),
    mesh=_mesh,
    compiler_params=_sc_params,
    scratch_types=[
        pltpu.VMEM((NCH, CHUNK), jnp.int32),
        pltpu.VMEM((CHUNK,), jnp.float32),
        pltpu.VMEM((RPT,), jnp.float32),
        pltpu.VMEM_SHARED((NP,), jnp.float32),
        pltpu.SemaphoreType.DMA,
    ],
)(_sc_deg_body)


def _sc_agg1_body(h1_hbm, dp_hbm, row_hbm, col_hbm, p_hbm, h1s_hbm, dv_hbm,
                  row_v, col_v, gbufa, gbufb, obuf, dbuf, h_sh, agg_sh,
                  gsema, gsemb, ssem):
    c = lax.axis_index("c")
    s = lax.axis_index("s")
    wid = c * NS + s
    pltpu.sync_copy(row_hbm.at[wid], row_v)
    pltpu.sync_copy(col_hbm.at[wid], col_v)
    sl = pl.ds(s * RPT, RPT)
    pltpu.async_copy(h1_hbm.at[sl], gbufa.at[pl.ds(0, RPT)], gsema)
    pltpu.async_copy(dp_hbm.at[0, sl], dbuf.at[pl.ds(0, RPT)], gsema)
    pltpu.async_copy(dp_hbm.at[1, sl], dbuf.at[pl.ds(RPT, RPT)], gsema)
    _zero_into(gbufb, agg_sh, s)
    pltpu.make_async_copy(h1_hbm.at[sl], gbufa.at[pl.ds(0, RPT)],
                          gsema).wait()
    pltpu.make_async_copy(dp_hbm.at[0, sl], dbuf.at[pl.ds(0, RPT)],
                          gsema).wait()
    pltpu.make_async_copy(dp_hbm.at[1, sl], dbuf.at[pl.ds(RPT, RPT)],
                          gsema).wait()

    @plsc.parallel_loop(0, RPT // L, unroll=2)
    def stage(g):
        dvec = dbuf[pl.ds(g * L, L)] + dbuf[pl.ds(RPT + g * L, L)] + 1.0
        dinv16 = _rsqrt16(dvec)
        for k in range(L):
            i = g * L + k
            d = jnp.broadcast_to(dinv16[k], (L,))
            obuf[i] = d * gbufa[i]
            gbufa[RPT + i] = d
    pltpu.sync_copy(obuf, h_sh.at[sl])

    @pl.when(c == 0)
    def _():
        pltpu.sync_copy(obuf, h1s_hbm.at[sl])
        pltpu.sync_copy(gbufa.at[pl.ds(RPT, RPT)], dv_hbm.at[sl])

    plsc.subcore_barrier()
    _edge_sweep(row_v, col_v, gbufa, gbufb, h_sh, agg_sh, gsema, gsemb, ssem)
    plsc.subcore_barrier()
    _readout(obuf, agg_sh, p_hbm, c, s)


def _sc_agg2_body(p_hbm, h1s_hbm, dv_hbm, b1_hbm, row_hbm, col_hbm,
                  q_hbm, u_hbm, row_v, col_v, gbufa, gbufb, obuf, bv,
                  h_sh, agg_sh, gsema, gsemb, ssem):
    c = lax.axis_index("c")
    s = lax.axis_index("s")
    wid = c * NS + s
    pltpu.sync_copy(row_hbm.at[wid], row_v)
    pltpu.sync_copy(col_hbm.at[wid], col_v)
    pltpu.sync_copy(b1_hbm, bv)
    sl = pl.ds(s * RPT, RPT)
    pltpu.async_copy(p_hbm.at[0, sl], gbufa.at[pl.ds(0, RPT)], gsema)
    pltpu.async_copy(p_hbm.at[1, sl], gbufa.at[pl.ds(RPT, RPT)], gsema)
    pltpu.async_copy(h1s_hbm.at[sl], gbufa.at[pl.ds(2 * RPT, RPT)], gsema)
    pltpu.async_copy(dv_hbm.at[sl], gbufa.at[pl.ds(3 * RPT, RPT)], gsema)
    _zero_into(gbufb, agg_sh, s)
    for _ in range(4):
        pltpu.make_async_copy(p_hbm.at[0, sl], gbufa.at[pl.ds(0, RPT)],
                              gsema).wait()
    bval = bv[...]

    @plsc.parallel_loop(0, RPT, unroll=8)
    def stage(i):
        d = gbufa[3 * RPT + i]
        t = (gbufa[i] + gbufa[RPT + i] + gbufa[2 * RPT + i]) * d + bval
        obuf[i] = jnp.maximum(t, 0.0) * d
    pltpu.sync_copy(obuf, h_sh.at[sl])

    @pl.when(c == 0)
    def _():
        pltpu.sync_copy(obuf, u_hbm.at[sl])

    plsc.subcore_barrier()
    _edge_sweep(row_v, col_v, gbufa, gbufb, h_sh, agg_sh, gsema, gsemb, ssem)
    plsc.subcore_barrier()
    _readout(obuf, agg_sh, q_hbm, c, s)


_agg_scratch = [
    pltpu.VMEM((EPT,), jnp.int32),
    pltpu.VMEM((NCH, CHUNK), jnp.int32),
    pltpu.VMEM((HALF, L), jnp.float32),
    pltpu.VMEM((HALF, L), jnp.float32),
    pltpu.VMEM((RPT, L), jnp.float32),
    pltpu.VMEM_SHARED((NP, L), jnp.float32),
    pltpu.VMEM_SHARED((NP, L), jnp.float32),
    pltpu.SemaphoreType.DMA,
    pltpu.SemaphoreType.DMA,
    pltpu.SemaphoreType.DMA,
]

_sc_agg1 = functools.partial(
    pl.kernel,
    out_type=(
        jax.ShapeDtypeStruct((NC, NP, L), jnp.float32),
        jax.ShapeDtypeStruct((NP, L), jnp.float32),
        jax.ShapeDtypeStruct((NP, L), jnp.float32),
    ),
    mesh=_mesh,
    compiler_params=_sc_params,
    scratch_types=_agg_scratch[:5] + [
        pltpu.VMEM((2 * RPT,), jnp.float32),
    ] + _agg_scratch[5:],
)(_sc_agg1_body)

_sc_agg2 = functools.partial(
    pl.kernel,
    out_type=(
        jax.ShapeDtypeStruct((NC, NP, L), jnp.float32),
        jax.ShapeDtypeStruct((NP, L), jnp.float32),
    ),
    mesh=_mesh,
    compiler_params=_sc_params,
    scratch_types=_agg_scratch[:4] + [
        pltpu.VMEM((RPT, L), jnp.float32),
        pltpu.VMEM((L,), jnp.float32),
    ] + _agg_scratch[5:],
)(_sc_agg2_body)


BN = 2000
GRID = N // BN


def _mm_body(x_ref, w_ref, o_ref):
    o_ref[...] = jnp.dot(x_ref[...], w_ref[...],
                         preferred_element_type=jnp.float32)


_tc_mm = pl.pallas_call(
    _mm_body,
    grid=(GRID,),
    in_specs=[
        pl.BlockSpec((BN, 256), lambda i: (i, 0)),
        pl.BlockSpec((256, L), lambda i: (0, 0)),
    ],
    out_specs=pl.BlockSpec((BN, L), lambda i: (i, 0)),
    out_shape=jax.ShapeDtypeStruct((N, L), jnp.float32),
)


def _tc3_body(q_ref, u_ref, d_ref, w_ref, b_ref, o_ref):
    agg = q_ref[0] + q_ref[1] + u_ref[...]
    t = jnp.dot(agg * d_ref[...], w_ref[...],
                preferred_element_type=jnp.float32)
    t = t + b_ref[...]
    m = jnp.max(t, axis=1, keepdims=True)
    e = t - m
    o_ref[...] = e - jnp.log(jnp.sum(jnp.exp(e), axis=1, keepdims=True))


_tc3 = pl.pallas_call(
    _tc3_body,
    grid=(GRID,),
    in_specs=[
        pl.BlockSpec((NC, BN, L), lambda i: (0, i, 0)),
        pl.BlockSpec((BN, L), lambda i: (i, 0)),
        pl.BlockSpec((BN, L), lambda i: (i, 0)),
        pl.BlockSpec((L, 64), lambda i: (0, 0)),
        pl.BlockSpec((1, 64), lambda i: (0, 0)),
    ],
    out_specs=pl.BlockSpec((BN, 64), lambda i: (i, 0)),
    out_shape=jax.ShapeDtypeStruct((N, 64), jnp.float32),
)


def kernel(x, edge_index, W1, b1, W2, b2):
    spread = N + (jnp.arange(EP - E, dtype=jnp.int32) % (NP - N))
    row3 = jnp.concatenate([edge_index[0], spread]).reshape(NW, EPT)
    col3 = jnp.concatenate([edge_index[1], spread]).reshape(NW, NCH, CHUNK)
    ones_src = jnp.ones((CHUNK,), jnp.float32)

    dpart = _sc_deg(ones_src, col3)
    h1 = _tc_mm(x, W1)
    h1p = jnp.pad(h1, ((0, NP - N), (0, 0)))
    p, h1s, dv = _sc_agg1(h1p, dpart, row3, col3)
    q, u = _sc_agg2(p, h1s, dv, b1, row3, col3)
    return _tc3(q, u, dv, W2, b2.reshape(1, 64))

# --- scband reference (transcript-rebuilt; emitter-appended) ---
"""Pipeline reference for scband-gnn-15118284881997 (READ-ONLY COPY).

The authoritative reference and input builder live on the scoring server;
editing this copy changes nothing except your own understanding.
"""

import jax, jax.numpy as jnp
import numpy as np


def gcn_conv(x, edge_index, W, b):
    N = x.shape[0]
    loop = jnp.arange(N, dtype=edge_index.dtype)
    row = jnp.concatenate([edge_index[0], loop])
    col = jnp.concatenate([edge_index[1], loop])
    ew = jnp.ones(row.shape[0], dtype=x.dtype)
    deg = jnp.zeros((N,), dtype=x.dtype).at[col].add(ew)
    dinv = jnp.where(deg > 0, 1.0 / jnp.sqrt(deg), 0.0)
    norm = dinv[row] * ew * dinv[col]
    h = x @ W
    msgs = h[row] * norm[:, None]
    out = jnp.zeros((N, W.shape[1]), dtype=x.dtype).at[col].add(msgs)
    return out + b


def setup_inputs(seed: int = 0) -> dict:
    key = jax.random.key(seed)
    k1, k2, k3, k4, k5, k6 = jax.random.split(key, 6)
    N, E, Din, H, Dout = 10000, 160000, 256, 16, 64
    x = jax.random.normal(k1, (N, Din), dtype=jnp.float32)
    edge_index = jax.random.randint(k2, (2, E), 0, N, dtype=jnp.int32)
    W1 = jax.random.normal(k3, (Din, H), dtype=jnp.float32) * (1.0 / np.sqrt(Din))
    b1 = jnp.zeros((H,), dtype=jnp.float32)
    W2 = jax.random.normal(k4, (H, Dout), dtype=jnp.float32) * (1.0 / np.sqrt(H))
    b2 = jnp.zeros((Dout,), dtype=jnp.float32)
    return {"x": x, "edge_index": edge_index, "W1": W1, "b1": b1, "W2": W2, "b2": b2}


def reference(x, edge_index, W1, b1, W2, b2):
    h = gcn_conv(x, edge_index, W1, b1)
    h = jax.nn.relu(h)
    h = gcn_conv(h, edge_index, W2, b2)
    return jax.nn.log_softmax(h, axis=1)

if __name__ == "__main__":
    import jax
    _d = setup_inputs()
    print(jax.jit(kernel)(*tuple(_d.values())))

</pallas_src>

<mosaic_0001>
#map = affine_map<(d0, d1) -> (0)>
#map1 = affine_map<(d0, d1) -> (0, 0, 0)>
#map2 = affine_map<(d0, d1) -> (0, 0)>
module attributes {stable_mosaic.version = 14 : i64} {
  func.func @_sc_deg_body(%arg0: i32, %arg1: i32, %arg2: memref<128xf32, #tpu.memory_space<hbm>>, %arg3: memref<32x40x128xi32, #tpu.memory_space<hbm>>, %arg4: memref<2x10240xf32, #tpu.memory_space<hbm>>, %arg5: memref<40x128xi32, #tpu.memory_space<vmem>>, %arg6: memref<128xf32, #tpu.memory_space<vmem>>, %arg7: memref<640xf32, #tpu.memory_space<vmem>>, %arg8: memref<10240xf32, #tpu.memory_space<vmem_shared>>, %arg9: memref<!tpu.dma_semaphore, #tpu.memory_space<semaphore_mem>>) attributes {dimension_semantics = [#tpu.dimension_semantics<core_parallel>, #tpu.dimension_semantics<subcore_parallel>], iteration_bounds = array<i64: 2, 16>, scalar_prefetch = 0 : i64, scratch_operands = 5 : i64, tpu.core_type = #tpu.core_type<sc_vector_subcore>, window_params = [{transform_indices = #map}, {transform_indices = #map1}, {transform_indices = #map2}]} {
    %mul3A = arith.constant 16 : i32
    %mul3A_0 = arith.muli %arg0, %mul3A : i32
    %add3A = arith.addi %mul3A_0, %arg1 : i32
    "tpu.region"() ({
      %run_scoped3A = tpu.sem_alloc : memref<!tpu.dma_semaphore, #tpu.memory_space<semaphore_mem>>
      %dma_start3A = arith.constant 0 : i32
      %dma_start3A_21 = arith.constant 0 : i32
      %dma_start3A_22 = tpu.memref_slice %arg3[%add3A, %dma_start3A, %dma_start3A_21] : memref<32x40x128xi32, #tpu.memory_space<hbm>> -> memref<1x40x128xi32, #tpu.memory_space<hbm>>
      %dma_start3A_23 = tpu.memref_squeeze %dma_start3A_22 : memref<1x40x128xi32, #tpu.memory_space<hbm>> -> memref<40x128xi32, #tpu.memory_space<hbm>>
      %dma_start3A_24 = arith.constant 0 : i32
      %dma_start3A_25 = arith.constant 0 : i32
      %dma_start3A_26 = tpu.memref_slice %arg3[%add3A, %dma_start3A_24, %dma_start3A_25] : memref<32x40x128xi32, #tpu.memory_space<hbm>> -> memref<1x40x128xi32, #tpu.memory_space<hbm>>
      %dma_start3A_27 = tpu.memref_squeeze %dma_start3A_26 : memref<1x40x128xi32, #tpu.memory_space<hbm>> -> memref<40x128xi32, #tpu.memory_space<hbm>>
      tpu.enqueue_dma source(%dma_start3A_27 : memref<40x128xi32, #tpu.memory_space<hbm>>) target(%arg5 : memref<40x128xi32, #tpu.memory_space<vmem>>) target_semaphore(%run_scoped3A : memref<!tpu.dma_semaphore, #tpu.memory_space<semaphore_mem>>)
      %dma_wait3A = arith.constant 0 : i32
      %dma_wait3A_28 = arith.constant 0 : i32
      %dma_wait3A_29 = tpu.memref_slice %arg3[%add3A, %dma_wait3A, %dma_wait3A_28] : memref<32x40x128xi32, #tpu.memory_space<hbm>> -> memref<1x40x128xi32, #tpu.memory_space<hbm>>
      %dma_wait3A_30 = tpu.memref_squeeze %dma_wait3A_29 : memref<1x40x128xi32, #tpu.memory_space<hbm>> -> memref<40x128xi32, #tpu.memory_space<hbm>>
      %dma_wait3A_31 = arith.constant 0 : i32
      %dma_wait3A_32 = arith.constant 0 : i32
      %dma_wait3A_33 = tpu.memref_slice %arg3[%add3A, %dma_wait3A_31, %dma_wait3A_32] : memref<32x40x128xi32, #tpu.memory_space<hbm>> -> memref<1x40x128xi32, #tpu.memory_space<hbm>>
      %dma_wait3A_34 = tpu.memref_squeeze %dma_wait3A_33 : memref<1x40x128xi32, #tpu.memory_space<hbm>> -> memref<40x128xi32, #tpu.memory_space<hbm>>
      tpu.wait_dma2 semaphore(%run_scoped3A : memref<!tpu.dma_semaphore, #tpu.memory_space<semaphore_mem>>) src(%dma_wait3A_34 : memref<40x128xi32, #tpu.memory_space<hbm>>) dst(%arg5 : memref<40x128xi32, #tpu.memory_space<vmem>>)
      tpu.yield
    }) : () -> ()
    "tpu.region"() ({
      %run_scoped3A = tpu.sem_alloc : memref<!tpu.dma_semaphore, #tpu.memory_space<semaphore_mem>>
      tpu.enqueue_dma source(%arg2 : memref<128xf32, #tpu.memory_space<hbm>>) target(%arg6 : memref<128xf32, #tpu.memory_space<vmem>>) target_semaphore(%run_scoped3A : memref<!tpu.dma_semaphore, #tpu.memory_space<semaphore_mem>>)
      tpu.wait_dma2 semaphore(%run_scoped3A : memref<!tpu.dma_semaphore, #tpu.memory_space<semaphore_mem>>) src(%arg2 : memref<128xf32, #tpu.memory_space<hbm>>) dst(%arg6 : memref<128xf32, #tpu.memory_space<vmem>>)
      tpu.yield
    }) : () -> ()
    %parallel_loop3A = arith.constant 0 : i32
    %parallel_loop3A_1 = arith.constant 40 : i32
    %parallel_loop3A_2 = arith.constant 1 : i32
    scf.for %parallel_loop3A_21 = %parallel_loop3A to %parallel_loop3A_1 step %parallel_loop3A_2  : i32 {
      %parallel_loop3A_22 = arith.constant 0.000000e+00 : f32
      %parallel_loop3A_23 = vector.broadcast %parallel_loop3A_22 : f32 to vector<16xf32>
      %parallel_loop3A_24 = arith.constant 16 : i32
      %parallel_loop3A_25 = arith.muli %parallel_loop3A_21, %parallel_loop3A_24 : i32
      %parallel_loop3A_26 = arith.index_cast %parallel_loop3A_25 : i32 to index
      %parallel_loop3A_27 = tpu.vector_load %arg7[%parallel_loop3A_26] {strides = array<i32>} : memref<640xf32, #tpu.memory_space<vmem>>, vector<16xf32>,
      tpu.vector_store %arg7[%parallel_loop3A_26], %parallel_loop3A_23 {strides = array<i32>} : memref<640xf32, #tpu.memory_space<vmem>>, vector<16xf32>,
    } {sc.loop_unroll_factor = 8 : i64, sc.parallel_access}
    %mul3A_3 = arith.constant 640 : i32
    %mul3A_4 = arith.muli %arg1, %mul3A_3 : i32
    "tpu.region"() ({
      %run_scoped3A = tpu.sem_alloc : memref<!tpu.dma_semaphore, #tpu.memory_space<semaphore_mem>>
      %dma_start3A = tpu.memref_slice %arg8[%mul3A_4] : memref<10240xf32, #tpu.memory_space<vmem_shared>> -> memref<640xf32, #tpu.memory_space<vmem_shared>>
      %dma_start3A_21 = tpu.memref_slice %arg8[%mul3A_4] : memref<10240xf32, #tpu.memory_space<vmem_shared>> -> memref<640xf32, #tpu.memory_space<vmem_shared>>
      tpu.enqueue_dma source(%arg7 : memref<640xf32, #tpu.memory_space<vmem>>) target(%dma_start3A_21 : memref<640xf32, #tpu.memory_space<vmem_shared>>) target_semaphore(%run_scoped3A : memref<!tpu.dma_semaphore, #tpu.memory_space<semaphore_mem>>)
      %dma_wait3A = tpu.memref_slice %arg8[%mul3A_4] : memref<10240xf32, #tpu.memory_space<vmem_shared>> -> memref<640xf32, #tpu.memory_space<vmem_shared>>
      %dma_wait3A_22 = tpu.memref_slice %arg8[%mul3A_4] : memref<10240xf32, #tpu.memory_space<vmem_shared>> -> memref<640xf32, #tpu.memory_space<vmem_shared>>
      tpu.wait_dma2 semaphore(%run_scoped3A : memref<!tpu.dma_semaphore, #tpu.memory_space<semaphore_mem>>) src(%arg7 : memref<640xf32, #tpu.memory_space<vmem>>) dst(%dma_wait3A_22 : memref<640xf32, #tpu.memory_space<vmem_shared>>)
      tpu.yield
    }) : () -> ()
    %barrier3A = arith.constant 0 : index
    tpu.barrier barrier_id(%barrier3A)
    %scan3A = arith.constant 0 : i32
    %scan3A_5 = arith.constant 0 : i32
    %scan3A_6 = arith.constant 40 : i32
    %scan3A_7 = arith.addi %scan3A_5, %scan3A_6 : i32
    %scan3A_8 = arith.constant 1 : i32
    scf.for %scan3A_21 = %scan3A_5 to %scan3A_7 step %scan3A_8  : i32 {
      %dma_start3A = arith.constant 0 : i32
      %dma_start3A_22 = tpu.memref_slice %arg5[%scan3A_21, %dma_start3A] : memref<40x128xi32, #tpu.memory_space<vmem>> -> memref<1x128xi32, #tpu.memory_space<vmem>>
      %dma_start3A_23 = tpu.memref_squeeze %dma_start3A_22 : memref<1x128xi32, #tpu.memory_space<vmem>> -> memref<128xi32, #tpu.memory_space<vmem>>
      %dma_start3A_24 = arith.constant 0 : i32
      %dma_start3A_25 = tpu.memref_slice %arg8[%dma_start3A_24] : memref<10240xf32, #tpu.memory_space<vmem_shared>> -> memref<10240xf32, #tpu.memory_space<vmem_shared>>
      tpu.enqueue_indirect_dma source(%arg6 : memref<128xf32, #tpu.memory_space<vmem>>) target(%dma_start3A_25 : memref<10240xf32, #tpu.memory_space<vmem_shared>>) offsets(%dma_start3A_23 : memref<128xi32, #tpu.memory_space<vmem>>) semaphore(%arg9 : memref<!tpu.dma_semaphore, #tpu.memory_space<semaphore_mem>>) {add = true}
    }
    %scan3A_9 = arith.constant 40 : i32
    %scan3A_10 = arith.constant 0 : i32
    %scan3A_11 = arith.constant 0 : i32
    %scan3A_12 = arith.constant 40 : i32
    %scan3A_13 = arith.addi %scan3A_11, %scan3A_12 : i32
    %scan3A_14 = arith.constant 1 : i32
    scf.for %scan3A_21 = %scan3A_11 to %scan3A_13 step %scan3A_14  : i32 {
      %dma_wait3A = arith.constant 0 : i32
      %dma_wait3A_22 = tpu.memref_slice %arg5[%scan3A_21, %dma_wait3A] : memref<40x128xi32, #tpu.memory_space<vmem>> -> memref<1x128xi32, #tpu.memory_space<vmem>>
      %dma_wait3A_23 = tpu.memref_squeeze %dma_wait3A_22 : memref<1x128xi32, #tpu.memory_space<vmem>> -> memref<128xi32, #tpu.memory_space<vmem>>
      %dma_wait3A_24 = arith.constant 0 : i32
      %dma_wait3A_25 = tpu.memref_slice %arg8[%dma_wait3A_24] : memref<10240xf32, #tpu.memory_space<vmem_shared>> -> memref<10240xf32, #tpu.memory_space<vmem_shared>>
      tpu.wait_indirect_dma semaphore(%arg9 : memref<!tpu.dma_semaphore, #tpu.memory_space<semaphore_mem>>) src(%arg6 : memref<128xf32, #tpu.memory_space<vmem>>) dst(%dma_wait3A_25 : memref<10240xf32, #tpu.memory_space<vmem_shared>>)
    }
    %scan3A_15 = arith.constant 40 : i32
    %barrier3A_16 = arith.constant 0 : index
    tpu.barrier barrier_id(%barrier3A_16)
    %mul3A_17 = arith.constant 640 : i32
    %mul3A_18 = arith.muli %arg1, %mul3A_17 : i32
    "tpu.region"() ({
      %run_scoped3A = tpu.sem_alloc : memref<!tpu.dma_semaphore, #tpu.memory_space<semaphore_mem>>
      %dma_start3A = tpu.memref_slice %arg8[%mul3A_18] : memref<10240xf32, #tpu.memory_space<vmem_shared>> -> memref<640xf32, #tpu.memory_space<vmem_shared>>
      %dma_start3A_21 = tpu.memref_slice %arg8[%mul3A_18] : memref<10240xf32, #tpu.memory_space<vmem_shared>> -> memref<640xf32, #tpu.memory_space<vmem_shared>>
      tpu.enqueue_dma source(%dma_start3A_21 : memref<640xf32, #tpu.memory_space<vmem_shared>>) target(%arg7 : memref<640xf32, #tpu.memory_space<vmem>>) target_semaphore(%run_scoped3A : memref<!tpu.dma_semaphore, #tpu.memory_space<semaphore_mem>>)
      %dma_wait3A = tpu.memref_slice %arg8[%mul3A_18] : memref<10240xf32, #tpu.memory_space<vmem_shared>> -> memref<640xf32, #tpu.memory_space<vmem_shared>>
      %dma_wait3A_22 = tpu.memref_slice %arg8[%mul3A_18] : memref<10240xf32, #tpu.memory_space<vmem_shared>> -> memref<640xf32, #tpu.memory_space<vmem_shared>>
      tpu.wait_dma2 semaphore(%run_scoped3A : memref<!tpu.dma_semaphore, #tpu.memory_space<semaphore_mem>>) src(%dma_wait3A_22 : memref<640xf32, #tpu.memory_space<vmem_shared>>) dst(%arg7 : memref<640xf32, #tpu.memory_space<vmem>>)
      tpu.yield
    }) : () -> ()
    %mul3A_19 = arith.constant 640 : i32
    %mul3A_20 = arith.muli %arg1, %mul3A_19 : i32
    "tpu.region"() ({
      %run_scoped3A = tpu.sem_alloc : memref<!tpu.dma_semaphore, #tpu.memory_space<semaphore_mem>>
      %dma_start3A = tpu.memref_slice %arg4[%arg0, %mul3A_20] : memref<2x10240xf32, #tpu.memory_space<hbm>> -> memref<1x640xf32, #tpu.memory_space<hbm>>
      %dma_start3A_21 = tpu.memref_squeeze %dma_start3A : memref<1x640xf32, #tpu.memory_space<hbm>> -> memref<640xf32, #tpu.memory_space<hbm>>
      %dma_start3A_22 = tpu.memref_slice %arg4[%arg0, %mul3A_20] : memref<2x10240xf32, #tpu.memory_space<hbm>> -> memref<1x640xf32, #tpu.memory_space<hbm>>
      %dma_start3A_23 = tpu.memref_squeeze %dma_start3A_22 : memref<1x640xf32, #tpu.memory_space<hbm>> -> memref<640xf32, #tpu.memory_space<hbm>>
      tpu.enqueue_dma source(%arg7 : memref<640xf32, #tpu.memory_space<vmem>>) target(%dma_start3A_23 : memref<640xf32, #tpu.memory_space<hbm>>) target_semaphore(%run_scoped3A : memref<!tpu.dma_semaphore, #tpu.memory_space<semaphore_mem>>)
      %dma_wait3A = tpu.memref_slice %arg4[%arg0, %mul3A_20] : memref<2x10240xf32, #tpu.memory_space<hbm>> -> memref<1x640xf32, #tpu.memory_space<hbm>>
      %dma_wait3A_24 = tpu.memref_squeeze %dma_wait3A : memref<1x640xf32, #tpu.memory_space<hbm>> -> memref<640xf32, #tpu.memory_space<hbm>>
      %dma_wait3A_25 = tpu.memref_slice %arg4[%arg0, %mul3A_20] : memref<2x10240xf32, #tpu.memory_space<hbm>> -> memref<1x640xf32, #tpu.memory_space<hbm>>
      %dma_wait3A_26 = tpu.memref_squeeze %dma_wait3A_25 : memref<1x640xf32, #tpu.memory_space<hbm>> -> memref<640xf32, #tpu.memory_space<hbm>>
      tpu.wait_dma2 semaphore(%run_scoped3A : memref<!tpu.dma_semaphore, #tpu.memory_space<semaphore_mem>>) src(%arg7 : memref<640xf32, #tpu.memory_space<vmem>>) dst(%dma_wait3A_26 : memref<640xf32, #tpu.memory_space<hbm>>)
      tpu.yield
    }) : () -> ()
    return
  }
}

#map = affine_map<(d0, d1) -> (0, 0, 0)>
#map1 = affine_map<(d0, d1) -> (0, 0)>
#map2 = affine_map<(d0, d1) -> (0)>
module attributes {stable_mosaic.version = 14 : i64} {
  func.func @_sc_agg2_body(%arg0: i32, %arg1: i32, %arg2: memref<2x10240x16xf32, #tpu.memory_space<hbm>>, %arg3: memref<10240x16xf32, #tpu.memory_space<hbm>>, %arg4: memref<10240x16xf32, #tpu.memory_space<hbm>>, %arg5: memref<16xf32, #tpu.memory_space<hbm>>, %arg6: memref<32x5120xi32, #tpu.memory_space<hbm>>, %arg7: memref<32x40x128xi32, #tpu.memory_space<hbm>>, %arg8: memref<2x10240x16xf32, #tpu.memory_space<hbm>>, %arg9: memref<10240x16xf32, #tpu.memory_space<hbm>>, %arg10: memref<5120xi32, #tpu.memory_space<vmem>>, %arg11: memref<40x128xi32, #tpu.memory_space<vmem>>, %arg12: memref<2560x16xf32, #tpu.memory_space<vmem>>, %arg13: memref<2560x16xf32, #tpu.memory_space<vmem>>, %arg14: memref<640x16xf32, #tpu.memory_space<vmem>>, %arg15: memref<16xf32, #tpu.memory_space<vmem>>, %arg16: memref<10240x16xf32, #tpu.memory_space<vmem_shared>>, %arg17: memref<10240x16xf32, #tpu.memory_space<vmem_shared>>, %arg18: memref<!tpu.dma_semaphore, #tpu.memory_space<semaphore_mem>>, %arg19: memref<!tpu.dma_semaphore, #tpu.memory_space<semaphore_mem>>, %arg20: memref<!tpu.dma_semaphore, #tpu.memory_space<semaphore_mem>>) attributes {dimension_semantics = [#tpu.dimension_semantics<core_parallel>, #tpu.dimension_semantics<subcore_parallel>], iteration_bounds = array<i64: 2, 16>, scalar_prefetch = 0 : i64, scratch_operands = 11 : i64, tpu.core_type = #tpu.core_type<sc_vector_subcore>, window_params = [{transform_indices = #map}, {transform_indices = #map1}, {transform_indices = #map1}, {transform_indices = #map2}, {transform_indices = #map1}, {transform_indices = #map}, {transform_indices = #map}, {transform_indices = #map1}]} {
    %mul3A = arith.constant 16 : i32
    %mul3A_0 = arith.muli %arg0, %mul3A : i32
    %add3A = arith.addi %mul3A_0, %arg1 : i32
    "tpu.region"() ({
      %run_scoped3A = tpu.sem_alloc : memref<!tpu.dma_semaphore, #tpu.memory_space<semaphore_mem>>
      %dma_start3A_151 = arith.constant 0 : i32
      %dma_start3A_152 = tpu.memref_slice %arg6[%add3A, %dma_start3A_151] : memref<32x5120xi32, #tpu.memory_space<hbm>> -> memref<1x5120xi32, #tpu.memory_space<hbm>>
      %dma_start3A_153 = tpu.memref_squeeze %dma_start3A_152 : memref<1x5120xi32, #tpu.memory_space<hbm>> -> memref<5120xi32, #tpu.memory_space<hbm>>
      %dma_start3A_154 = arith.constant 0 : i32
      %dma_start3A_155 = tpu.memref_slice %arg6[%add3A, %dma_start3A_154] : memref<32x5120xi32, #tpu.memory_space<hbm>> -> memref<1x5120xi32, #tpu.memory_space<hbm>>
      %dma_start3A_156 = tpu.memref_squeeze %dma_start3A_155 : memref<1x5120xi32, #tpu.memory_space<hbm>> -> memref<5120xi32, #tpu.memory_space<hbm>>
      tpu.enqueue_dma source(%dma_start3A_156 : memref<5120xi32, #tpu.memory_space<hbm>>) target(%arg10 : memref<5120xi32, #tpu.memory_space<vmem>>) target_semaphore(%run_scoped3A : memref<!tpu.dma_semaphore, #tpu.memory_space<semaphore_mem>>)
      %dma_wait3A_157 = arith.constant 0 : i32
      %dma_wait3A_158 = tpu.memref_slice %arg6[%add3A, %dma_wait3A_157] : memref<32x5120xi32, #tpu.memory_space<hbm>> -> memref<1x5120xi32, #tpu.memory_space<hbm>>
      %dma_wait3A_159 = tpu.memref_squeeze %dma_wait3A_158 : memref<1x5120xi32, #tpu.memory_space<hbm>> -> memref<5120xi32, #tpu.memory_space<hbm>>
      %dma_wait3A_160 = arith.constant 0 : i32
      %dma_wait3A_161 = tpu.memref_slice %arg6[%add3A, %dma_wait3A_160] : memref<32x5120xi32, #tpu.memory_space<hbm>> -> memref<1x5120xi32, #tpu.memory_space<hbm>>
      %dma_wait3A_162 = tpu.memref_squeeze %dma_wait3A_161 : memref<1x5120xi32, #tpu.memory_space<hbm>> -> memref<5120xi32, #tpu.memory_space<hbm>>
      tpu.wait_dma2 semaphore(%run_scoped3A : memref<!tpu.dma_semaphore, #tpu.memory_space<semaphore_mem>>) src(%dma_wait3A_162 : memref<5120xi32, #tpu.memory_space<hbm>>) dst(%arg10 : memref<5120xi32, #tpu.memory_space<vmem>>)
      tpu.yield
    }) : () -> ()
    "tpu.region"() ({
      %run_scoped3A = tpu.sem_alloc : memref<!tpu.dma_semaphore, #tpu.memory_space<semaphore_mem>>
      %dma_start3A_151 = arith.constant 0 : i32
      %dma_start3A_152 = arith.constant 0 : i32
      %dma_start3A_153 = tpu.memref_slice %arg7[%add3A, %dma_start3A_151, %dma_start3A_152] : memref<32x40x128xi32, #tpu.memory_space<hbm>> -> memref<1x40x128xi32, #tpu.memory_space<hbm>>
      %dma_start3A_154 = tpu.memref_squeeze %dma_start3A_153 : memref<1x40x128xi32, #tpu.memory_space<hbm>> -> memref<40x128xi32, #tpu.memory_space<hbm>>
      %dma_start3A_155 = arith.constant 0 : i32
      %dma_start3A_156 = arith.constant 0 : i32
      %dma_start3A_157 = tpu.memref_slice %arg7[%add3A, %dma_start3A_155, %dma_start3A_156] : memref<32x40x128xi32, #tpu.memory_space<hbm>> -> memref<1x40x128xi32, #tpu.memory_space<hbm>>
      %dma_start3A_158 = tpu.memref_squeeze %dma_start3A_157 : memref<1x40x128xi32, #tpu.memory_space<hbm>> -> memref<40x128xi32, #tpu.memory_space<hbm>>
      tpu.enqueue_dma source(%dma_start3A_158 : memref<40x128xi32, #tpu.memory_space<hbm>>) target(%arg11 : memref<40x128xi32, #tpu.memory_space<vmem>>) target_semaphore(%run_scoped3A : memref<!tpu.dma_semaphore, #tpu.memory_space<semaphore_mem>>)
      %dma_wait3A_159 = arith.constant 0 : i32
      %dma_wait3A_160 = arith.constant 0 : i32
      %dma_wait3A_161 = tpu.memref_slice %arg7[%add3A, %dma_wait3A_159, %dma_wait3A_160] : memref<32x40x128xi32, #tpu.memory_space<hbm>> -> memref<1x40x128xi32, #tpu.memory_space<hbm>>
      %dma_wait3A_162 = tpu.memref_squeeze %dma_wait3A_161 : memref<1x40x128xi32, #tpu.memory_space<hbm>> -> memref<40x128xi32, #tpu.memory_space<hbm>>
      %dma_wait3A_163 = arith.constant 0 : i32
      %dma_wait3A_164 = arith.constant 0 : i32
      %dma_wait3A_165 = tpu.memref_slice %arg7[%add3A, %dma_wait3A_163, %dma_wait3A_164] : memref<32x40x128xi32, #tpu.memory_space<hbm>> -> memref<1x40x128xi32, #tpu.memory_space<hbm>>
      %dma_wait3A_166 = tpu.memref_squeeze %dma_wait3A_165 : memref<1x40x128xi32, #tpu.memory_space<hbm>> -> memref<40x128xi32, #tpu.memory_space<hbm>>
      tpu.wait_dma2 semaphore(%run_scoped3A : memref<!tpu.dma_semaphore, #tpu.memory_space<semaphore_mem>>) src(%dma_wait3A_166 : memref<40x128xi32, #tpu.memory_space<hbm>>) dst(%arg11 : memref<40x128xi32, #tpu.memory_space<vmem>>)
      tpu.yield
    }) : () -> ()
    "tpu.region"() ({
      %run_scoped3A = tpu.sem_alloc : memref<!tpu.dma_semaphore, #tpu.memory_space<semaphore_mem>>
      tpu.enqueue_dma source(%arg5 : memref<16xf32, #tpu.memory_space<hbm>>) target(%arg15 : memref<16xf32, #tpu.memory_space<vmem>>) target_semaphore(%run_scoped3A : memref<!tpu.dma_semaphore, #tpu.memory_space<semaphore_mem>>)
      tpu.wait_dma2 semaphore(%run_scoped3A : memref<!tpu.dma_semaphore, #tpu.memory_space<semaphore_mem>>) src(%arg5 : memref<16xf32, #tpu.memory_space<hbm>>) dst(%arg15 : memref<16xf32, #tpu.memory_space<vmem>>)
      tpu.yield
    }) : () -> ()
    %mul3A_1 = arith.constant 640 : i32
    %mul3A_2 = arith.muli %arg1, %mul3A_1 : i32
    %dma_start3A = arith.constant 0 : i32
    %dma_start3A_3 = arith.constant 0 : i32
    %dma_start3A_4 = arith.constant 0 : i32
    %dma_start3A_5 = tpu.memref_slice %arg12[%dma_start3A_3, %dma_start3A_4] : memref<2560x16xf32, #tpu.memory_space<vmem>> -> memref<640x16xf32, #tpu.memory_space<vmem>>
    %dma_start3A_6 = arith.constant 0 : i32
    %dma_start3A_7 = tpu.memref_slice %arg2[%dma_start3A, %mul3A_2, %dma_start3A_6] : memref<2x10240x16xf32, #tpu.memory_space<hbm>> -> memref<1x640x16xf32, #tpu.memory_space<hbm>>
    %dma_start3A_8 = tpu.memref_squeeze %dma_start3A_7 : memref<1x640x16xf32, #tpu.memory_space<hbm>> -> memref<640x16xf32, #tpu.memory_space<hbm>>
    %dma_start3A_9 = arith.constant 0 : i32
    %dma_start3A_10 = arith.constant 0 : i32
    %dma_start3A_11 = tpu.memref_slice %arg12[%dma_start3A_9, %dma_start3A_10] : memref<2560x16xf32, #tpu.memory_space<vmem>> -> memref<640x16xf32, #tpu.memory_space<vmem>>
    %dma_start3A_12 = arith.constant 0 : i32
    %dma_start3A_13 = tpu.memref_slice %arg2[%dma_start3A, %mul3A_2, %dma_start3A_12] : memref<2x10240x16xf32, #tpu.memory_space<hbm>> -> memref<1x640x16xf32, #tpu.memory_space<hbm>>
    %dma_start3A_14 = tpu.memref_squeeze %dma_start3A_13 : memref<1x640x16xf32, #tpu.memory_space<hbm>> -> memref<640x16xf32, #tpu.memory_space<hbm>>
    tpu.enqueue_dma source(%dma_start3A_14 : memref<640x16xf32, #tpu.memory_space<hbm>>) target(%dma_start3A_11 : memref<640x16xf32, #tpu.memory_space<vmem>>) target_semaphore(%arg18 : memref<!tpu.dma_semaphore, #tpu.memory_space<semaphore_mem>>)
    %dma_start3A_15 = arith.constant 1 : i32
    %dma_start3A_16 = arith.constant 640 : i32
    %dma_start3A_17 = arith.constant 0 : i32
    %dma_start3A_18 = tpu.memref_slice %arg12[%dma_start3A_16, %dma_start3A_17] : memref<2560x16xf32, #tpu.memory_space<vmem>> -> memref<640x16xf32, #tpu.memory_space<vmem>>
    %dma_start3A_19 = arith.constant 0 : i32
    %dma_start3A_20 = tpu.memref_slice %arg2[%dma_start3A_15, %mul3A_2, %dma_start3A_19] : memref<2x10240x16xf32, #tpu.memory_space<hbm>> -> memref<1x640x16xf32, #tpu.memory_space<hbm>>
    %dma_start3A_21 = tpu.memref_squeeze %dma_start3A_20 : memref<1x640x16xf32, #tpu.memory_space<hbm>> -> memref<640x16xf32, #tpu.memory_space<hbm>>
    %dma_start3A_22 = arith.constant 640 : i32
    %dma_start3A_23 = arith.constant 0 : i32
    %dma_start3A_24 = tpu.memref_slice %arg12[%dma_start3A_22, %dma_start3A_23] : memref<2560x16xf32, #tpu.memory_space<vmem>> -> memref<640x16xf32, #tpu.memory_space<vmem>>
    %dma_start3A_25 = arith.constant 0 : i32
    %dma_start3A_26 = tpu.memref_slice %arg2[%dma_start3A_15, %mul3A_2, %dma_start3A_25] : memref<2x10240x16xf32, #tpu.memory_space<hbm>> -> memref<1x640x16xf32, #tpu.memory_space<hbm>>
    %dma_start3A_27 = tpu.memref_squeeze %dma_start3A_26 : memref<1x640x16xf32, #tpu.memory_space<hbm>> -> memref<640x16xf32, #tpu.memory_space<hbm>>
    tpu.enqueue_dma source(%dma_start3A_27 : memref<640x16xf32, #tpu.memory_space<hbm>>) target(%dma_start3A_24 : memref<640x16xf32, #tpu.memory_space<vmem>>) target_semaphore(%arg18 : memref<!tpu.dma_semaphore, #tpu.memory_space<semaphore_mem>>)
    %dma_start3A_28 = arith.constant 1280 : i32
    %dma_start3A_29 = arith.constant 0 : i32
    %dma_start3A_30 = tpu.memref_slice %arg12[%dma_start3A_28, %dma_start3A_29] : memref<2560x16xf32, #tpu.memory_space<vmem>> -> memref<640x16xf32, #tpu.memory_space<vmem>>
    %dma_start3A_31 = arith.constant 0 : i32
    %dma_start3A_32 = tpu.memref_slice %arg3[%mul3A_2, %dma_start3A_31] : memref<10240x16xf32, #tpu.memory_space<hbm>> -> memref<640x16xf32, #tpu.memory_space<hbm>>
    %dma_start3A_33 = arith.constant 1280 : i32
    %dma_start3A_34 = arith.constant 0 : i32
    %dma_start3A_35 = tpu.memref_slice %arg12[%dma_start3A_33, %dma_start3A_34] : memref<2560x16xf32, #tpu.memory_space<vmem>> -> memref<640x16xf32, #tpu.memory_space<vmem>>
    %dma_start3A_36 = arith.constant 0 : i32
    %dma_start3A_37 = tpu.memref_slice %arg3[%mul3A_2, %dma_start3A_36] : memref<10240x16xf32, #tpu.memory_space<hbm>> -> memref<640x16xf32, #tpu.memory_space<hbm>>
    tpu.enqueue_dma source(%dma_start3A_37 : memref<640x16xf32, #tpu.memory_space<hbm>>) target(%dma_start3A_35 : memref<640x16xf32, #tpu.memory_space<vmem>>) target_semaphore(%arg18 : memref<!tpu.dma_semaphore, #tpu.memory_space<semaphore_mem>>)
    %dma_start3A_38 = arith.constant 1920 : i32
    %dma_start3A_39 = arith.constant 0 : i32
    %dma_start3A_40 = tpu.memref_slice %arg12[%dma_start3A_38, %dma_start3A_39] : memref<2560x16xf32, #tpu.memory_space<vmem>> -> memref<640x16xf32, #tpu.memory_space<vmem>>
    %dma_start3A_41 = arith.constant 0 : i32
    %dma_start3A_42 = tpu.memref_slice %arg4[%mul3A_2, %dma_start3A_41] : memref<10240x16xf32, #tpu.memory_space<hbm>> -> memref<640x16xf32, #tpu.memory_space<hbm>>
    %dma_start3A_43 = arith.constant 1920 : i32
    %dma_start3A_44 = arith.constant 0 : i32
    %dma_start3A_45 = tpu.memref_slice %arg12[%dma_start3A_43, %dma_start3A_44] : memref<2560x16xf32, #tpu.memory_space<vmem>> -> memref<640x16xf32, #tpu.memory_space<vmem>>
    %dma_start3A_46 = arith.constant 0 : i32
    %dma_start3A_47 = tpu.memref_slice %arg4[%mul3A_2, %dma_start3A_46] : memref<10240x16xf32, #tpu.memory_space<hbm>> -> memref<640x16xf32, #tpu.memory_space<hbm>>
    tpu.enqueue_dma source(%dma_start3A_47 : memref<640x16xf32, #tpu.memory_space<hbm>>) target(%dma_start3A_45 : memref<640x16xf32, #tpu.memory_space<vmem>>) target_semaphore(%arg18 : memref<!tpu.dma_semaphore, #tpu.memory_space<semaphore_mem>>)
    %parallel_loop3A = arith.constant 0 : i32
    %parallel_loop3A_48 = arith.constant 640 : i32
    %parallel_loop3A_49 = arith.constant 1 : i32
    scf.for %parallel_loop3A_151 = %parallel_loop3A to %parallel_loop3A_48 step %parallel_loop3A_49  : i32 {
      %parallel_loop3A_152 = arith.constant 0.000000e+00 : f32
      %parallel_loop3A_153 = vector.broadcast %parallel_loop3A_152 : f32 to vector<16xf32>
      %parallel_loop3A_154 = arith.index_cast %parallel_loop3A_151 : i32 to index
      %parallel_loop3A_155 = arith.constant 0 : index
      %parallel_loop3A_156 = tpu.vector_load %arg13[%parallel_loop3A_154, %parallel_loop3A_155] {strides = array<i32>} : memref<2560x16xf32, #tpu.memory_space<vmem>>, vector<16xf32>,
      tpu.vector_store %arg13[%parallel_loop3A_154, %parallel_loop3A_155], %parallel_loop3A_153 {strides = array<i32>} : memref<2560x16xf32, #tpu.memory_space<vmem>>, vector<16xf32>,
    } {sc.loop_unroll_factor = 8 : i64, sc.parallel_access}
    %mul3A_50 = arith.constant 640 : i32
    %mul3A_51 = arith.muli %arg1, %mul3A_50 : i32
    "tpu.region"() ({
      %run_scoped3A = tpu.sem_alloc : memref<!tpu.dma_semaphore, #tpu.memory_space<semaphore_mem>>
      %dma_start3A_151 = arith.constant 0 : i32
      %dma_start3A_152 = arith.constant 0 : i32
      %dma_start3A_153 = tpu.memref_slice %arg13[%dma_start3A_151, %dma_start3A_152] : memref<2560x16xf32, #tpu.memory_space<vmem>> -> memref<640x16xf32, #tpu.memory_space<vmem>>
      %dma_start3A_154 = arith.constant 0 : i32
      %dma_start3A_155 = tpu.memref_slice %arg17[%mul3A_51, %dma_start3A_154] : memref<10240x16xf32, #tpu.memory_space<vmem_shared>> -> memref<640x16xf32, #tpu.memory_space<vmem_shared>>
      %dma_start3A_156 = arith.constant 0 : i32
      %dma_start3A_157 = tpu.memref_slice %arg17[%mul3A_51, %dma_start3A_156] : memref<10240x16xf32, #tpu.memory_space<vmem_shared>> -> memref<640x16xf32, #tpu.memory_space<vmem_shared>>
      %dma_start3A_158 = arith.constant 0 : i32
      %dma_start3A_159 = arith.constant 0 : i32
      %dma_start3A_160 = tpu.memref_slice %arg13[%dma_start3A_158, %dma_start3A_159] : memref<2560x16xf32, #tpu.memory_space<vmem>> -> memref<640x16xf32, #tpu.memory_space<vmem>>
      tpu.enqueue_dma source(%dma_start3A_160 : memref<640x16xf32, #tpu.memory_space<vmem>>) target(%dma_start3A_157 : memref<640x16xf32, #tpu.memory_space<vmem_shared>>) target_semaphore(%run_scoped3A : memref<!tpu.dma_semaphore, #tpu.memory_space<semaphore_mem>>)
      %dma_wait3A_161 = arith.constant 0 : i32
      %dma_wait3A_162 = arith.constant 0 : i32
      %dma_wait3A_163 = tpu.memref_slice %arg13[%dma_wait3A_161, %dma_wait3A_162] : memref<2560x16xf32, #tpu.memory_space<vmem>> -> memref<640x16xf32, #tpu.memory_space<vmem>>
      %dma_wait3A_164 = arith.constant 0 : i32
      %dma_wait3A_165 = tpu.memref_slice %arg17[%mul3A_51, %dma_wait3A_164] : memref<10240x16xf32, #tpu.memory_space<vmem_shared>> -> memref<640x16xf32, #tpu.memory_space<vmem_shared>>
      %dma_wait3A_166 = arith.constant 0 : i32
      %dma_wait3A_167 = tpu.memref_slice %arg17[%mul3A_51, %dma_wait3A_166] : memref<10240x16xf32, #tpu.memory_space<vmem_shared>> -> memref<640x16xf32, #tpu.memory_space<vmem_shared>>
      %dma_wait3A_168 = arith.constant 0 : i32
      %dma_wait3A_169 = arith.constant 0 : i32
      %dma_wait3A_170 = tpu.memref_slice %arg13[%dma_wait3A_168, %dma_wait3A_169] : memref<2560x16xf32, #tpu.memory_space<vmem>> -> memref<640x16xf32, #tpu.memory_space<vmem>>
      tpu.wait_dma2 semaphore(%run_scoped3A : memref<!tpu.dma_semaphore, #tpu.memory_space<semaphore_mem>>) src(%dma_wait3A_170 : memref<640x16xf32, #tpu.memory_space<vmem>>) dst(%dma_wait3A_167 : memref<640x16xf32, #tpu.memory_space<vmem_shared>>)
      tpu.yield
    }) : () -> ()
    %dma_wait3A = arith.constant 0 : i32
    %dma_wait3A_52 = arith.constant 0 : i32
    %dma_wait3A_53 = arith.constant 0 : i32
    %dma_wait3A_54 = tpu.memref_slice %arg12[%dma_wait3A_52, %dma_wait3A_53] : memref<2560x16xf32, #tpu.memory_space<vmem>> -> memref<640x16xf32, #tpu.memory_space<vmem>>
    %dma_wait3A_55 = arith.constant 0 : i32
    %dma_wait3A_56 = tpu.memref_slice %arg2[%dma_wait3A, %mul3A_2, %dma_wait3A_55] : memref<2x10240x16xf32, #tpu.memory_space<hbm>> -> memref<1x640x16xf32, #tpu.memory_space<hbm>>
    %dma_wait3A_57 = tpu.memref_squeeze %dma_wait3A_56 : memref<1x640x16xf32, #tpu.memory_space<hbm>> -> memref<640x16xf32, #tpu.memory_space<hbm>>
    %dma_wait3A_58 = arith.constant 0 : i32
    %dma_wait3A_59 = arith.constant 0 : i32
    %dma_wait3A_60 = tpu.memref_slice %arg12[%dma_wait3A_58, %dma_wait3A_59] : memref<2560x16xf32, #tpu.memory_space<vmem>> -> memref<640x16xf32, #tpu.memory_space<vmem>>
    %dma_wait3A_61 = arith.constant 0 : i32
    %dma_wait3A_62 = tpu.memref_slice %arg2[%dma_wait3A, %mul3A_2, %dma_wait3A_61] : memref<2x10240x16xf32, #tpu.memory_space<hbm>> -> memref<1x640x16xf32, #tpu.memory_space<hbm>>
    %dma_wait3A_63 = tpu.memref_squeeze %dma_wait3A_62 : memref<1x640x16xf32, #tpu.memory_space<hbm>> -> memref<640x16xf32, #tpu.memory_space<hbm>>
    tpu.wait_dma2 semaphore(%arg18 : memref<!tpu.dma_semaphore, #tpu.memory_space<semaphore_mem>>) src(%dma_wait3A_63 : memref<640x16xf32, #tpu.memory_space<hbm>>) dst(%dma_wait3A_60 : memref<640x16xf32, #tpu.memory_space<vmem>>)
    %dma_wait3A_64 = arith.constant 0 : i32
    %dma_wait3A_65 = arith.constant 0 : i32
    %dma_wait3A_66 = arith.constant 0 : i32
    %dma_wait3A_67 = tpu.memref_slice %arg12[%dma_wait3A_65, %dma_wait3A_66] : memref<2560x16xf32, #tpu.memory_space<vmem>> -> memref<640x16xf32, #tpu.memory_space<vmem>>
    %dma_wait3A_68 = arith.constant 0 : i32
    %dma_wait3A_69 = tpu.memref_slice %arg2[%dma_wait3A_64, %mul3A_2, %dma_wait3A_68] : memref<2x10240x16xf32, #tpu.memory_space<hbm>> -> memref<1x640x16xf32, #tpu.memory_space<hbm>>
    %dma_wait3A_70 = tpu.memref_squeeze %dma_wait3A_69 : memref<1x640x16xf32, #tpu.memory_space<hbm>> -> memref<640x16xf32, #tpu.memory_space<hbm>>
    %dma_wait3A_71 = arith.constant 0 : i32
    %dma_wait3A_72 = arith.constant 0 : i32
    %dma_wait3A_73 = tpu.memref_slice %arg12[%dma_wait3A_71, %dma_wait3A_72] : memref<2560x16xf32, #tpu.memory_space<vmem>> -> memref<640x16xf32, #tpu.memory_space<vmem>>
    %dma_wait3A_74 = arith.constant 0 : i32
    %dma_wait3A_75 = tpu.memref_slice %arg2[%dma_wait3A_64, %mul3A_2, %dma_wait3A_74] : memref<2x10240x16xf32, #tpu.memory_space<hbm>> -> memref<1x640x16xf32, #tpu.memory_space<hbm>>
    %dma_wait3A_76 = tpu.memref_squeeze %dma_wait3A_75 : memref<1x640x16xf32, #tpu.memory_space<hbm>> -> memref<640x16xf32, #tpu.memory_space<hbm>>
    tpu.wait_dma2 semaphore(%arg18 : memref<!tpu.dma_semaphore, #tpu.memory_space<semaphore_mem>>) src(%dma_wait3A_76 : memref<640x16xf32, #tpu.memory_space<hbm>>) dst(%dma_wait3A_73 : memref<640x16xf32, #tpu.memory_space<vmem>>)
    %dma_wait3A_77 = arith.constant 0 : i32
    %dma_wait3A_78 = arith.constant 0 : i32
    %dma_wait3A_79 = arith.constant 0 : i32
    %dma_wait3A_80 = tpu.memref_slice %arg12[%dma_wait3A_78, %dma_wait3A_79] : memref<2560x16xf32, #tpu.memory_space<vmem>> -> memref<640x16xf32, #tpu.memory_space<vmem>>
    %dma_wait3A_81 = arith.constant 0 : i32
    %dma_wait3A_82 = tpu.memref_slice %arg2[%dma_wait3A_77, %mul3A_2, %dma_wait3A_81] : memref<2x10240x16xf32, #tpu.memory_space<hbm>> -> memref<1x640x16xf32, #tpu.memory_space<hbm>>
    %dma_wait3A_83 = tpu.memref_squeeze %dma_wait3A_82 : memref<1x640x16xf32, #tpu.memory_space<hbm>> -> memref<640x16xf32, #tpu.memory_space<hbm>>
    %dma_wait3A_84 = arith.constant 0 : i32
    %dma_wait3A_85 = arith.constant 0 : i32
    %dma_wait3A_86 = tpu.memref_slice %arg12[%dma_wait3A_84, %dma_wait3A_85] : memref<2560x16xf32, #tpu.memory_space<vmem>> -> memref<640x16xf32, #tpu.memory_space<vmem>>
    %dma_wait3A_87 = arith.constant 0 : i32
    %dma_wait3A_88 = tpu.memref_slice %arg2[%dma_wait3A_77, %mul3A_2, %dma_wait3A_87] : memref<2x10240x16xf32, #tpu.memory_space<hbm>> -> memref<1x640x16xf32, #tpu.memory_space<hbm>>
    %dma_wait3A_89 = tpu.memref_squeeze %dma_wait3A_88 : memref<1x640x16xf32, #tpu.memory_space<hbm>> -> memref<640x16xf32, #tpu.memory_space<hbm>>
    tpu.wait_dma2 semaphore(%arg18 : memref<!tpu.dma_semaphore, #tpu.memory_space<semaphore_mem>>) src(%dma_wait3A_89 : memref<640x16xf32, #tpu.memory_space<hbm>>) dst(%dma_wait3A_86 : memref<640x16xf32, #tpu.memory_space<vmem>>)
    %dma_wait3A_90 = arith.constant 0 : i32
    %dma_wait3A_91 = arith.constant 0 : i32
    %dma_wait3A_92 = arith.constant 0 : i32
    %dma_wait3A_93 = tpu.memref_slice %arg12[%dma_wait3A_91, %dma_wait3A_92] : memref<2560x16xf32, #tpu.memory_space<vmem>> -> memref<640x16xf32, #tpu.memory_space<vmem>>
    %dma_wait3A_94 = arith.constant 0 : i32
    %dma_wait3A_95 = tpu.memref_slice %arg2[%dma_wait3A_90, %mul3A_2, %dma_wait3A_94] : memref<2x10240x16xf32, #tpu.memory_space<hbm>> -> memref<1x640x16xf32, #tpu.memory_space<hbm>>
    %dma_wait3A_96 = tpu.memref_squeeze %dma_wait3A_95 : memref<1x640x16xf32, #tpu.memory_space<hbm>> -> memref<640x16xf32, #tpu.memory_space<hbm>>
    %dma_wait3A_97 = arith.constant 0 : i32
    %dma_wait3A_98 = arith.constant 0 : i32
    %dma_wait3A_99 = tpu.memref_slice %arg12[%dma_wait3A_97, %dma_wait3A_98] : memref<2560x16xf32, #tpu.memory_space<vmem>> -> memref<640x16xf32, #tpu.memory_space<vmem>>
    %dma_wait3A_100 = arith.constant 0 : i32
    %dma_wait3A_101 = tpu.memref_slice %arg2[%dma_wait3A_90, %mul3A_2, %dma_wait3A_100] : memref<2x10240x16xf32, #tpu.memory_space<hbm>> -> memref<1x640x16xf32, #tpu.memory_space<hbm>>
    %dma_wait3A_102 = tpu.memref_squeeze %dma_wait3A_101 : memref<1x640x16xf32, #tpu.memory_space<hbm>> -> memref<640x16xf32, #tpu.memory_space<hbm>>
    tpu.wait_dma2 semaphore(%arg18 : memref<!tpu.dma_semaphore, #tpu.memory_space<semaphore_mem>>) src(%dma_wait3A_102 : memref<640x16xf32, #tpu.memory_space<hbm>>) dst(%dma_wait3A_99 : memref<640x16xf32, #tpu.memory_space<vmem>>)
    %get3A = arith.constant 0 : index
    %get3A_103 = tpu.vector_load %arg15[%get3A] {strides = array<i32>} : memref<16xf32, #tpu.memory_space<vmem>>, vector<16xf32>,
    %parallel_loop3A_104 = arith.constant 0 : i32
    %parallel_loop3A_105 = arith.constant 640 : i32
    %parallel_loop3A_106 = arith.constant 1 : i32
    scf.for %parallel_loop3A_151 = %parallel_loop3A_104 to %parallel_loop3A_105 step %parallel_loop3A_106  : i32 {
      %parallel_loop3A_152 = arith.constant 1920 : i32
      %parallel_loop3A_153 = arith.addi %parallel_loop3A_152, %parallel_loop3A_151 : i32
      %parallel_loop3A_154 = arith.index_cast %parallel_loop3A_153 : i32 to index
      %parallel_loop3A_155 = arith.constant 0 : index
      %parallel_loop3A_156 = tpu.vector_load %arg12[%parallel_loop3A_154, %parallel_loop3A_155] {strides = array<i32>} : memref<2560x16xf32, #tpu.memory_space<vmem>>, vector<16xf32>,
      %parallel_loop3A_157 = arith.index_cast %parallel_loop3A_151 : i32 to index
      %parallel_loop3A_158 = arith.constant 0 : index
      %parallel_loop3A_159 = tpu.vector_load %arg12[%parallel_loop3A_157, %parallel_loop3A_158] {strides = array<i32>} : memref<2560x16xf32, #tpu.memory_space<vmem>>, vector<16xf32>,
      %parallel_loop3A_160 = arith.constant 640 : i32
      %parallel_loop3A_161 = arith.addi %parallel_loop3A_160, %parallel_loop3A_151 : i32
      %parallel_loop3A_162 = arith.index_cast %parallel_loop3A_161 : i32 to index
      %parallel_loop3A_163 = arith.constant 0 : index
      %parallel_loop3A_164 = tpu.vector_load %arg12[%parallel_loop3A_162, %parallel_loop3A_163] {strides = array<i32>} : memref<2560x16xf32, #tpu.memory_space<vmem>>, vector<16xf32>,
      %parallel_loop3A_165 = arith.addf %parallel_loop3A_159, %parallel_loop3A_164 : vector<16xf32>
      %parallel_loop3A_166 = arith.constant 1280 : i32
      %parallel_loop3A_167 = arith.addi %parallel_loop3A_166, %parallel_loop3A_151 : i32
      %parallel_loop3A_168 = arith.index_cast %parallel_loop3A_167 : i32 to index
      %parallel_loop3A_169 = arith.constant 0 : index
      %parallel_loop3A_170 = tpu.vector_load %arg12[%parallel_loop3A_168, %parallel_loop3A_169] {strides = array<i32>} : memref<2560x16xf32, #tpu.memory_space<vmem>>, vector<16xf32>,
      %parallel_loop3A_171 = arith.addf %parallel_loop3A_165, %parallel_loop3A_170 : vector<16xf32>
      %parallel_loop3A_172 = arith.mulf %parallel_loop3A_171, %parallel_loop3A_156 : vector<16xf32>
      %parallel_loop3A_173 = arith.addf %parallel_loop3A_172, %get3A_103 : vector<16xf32>
      %parallel_loop3A_174 = arith.constant 0.000000e+00 : f32
      %parallel_loop3A_175 = vector.broadcast %parallel_loop3A_174 : f32 to vector<16xf32>
      %parallel_loop3A_176 = arith.maximumf %parallel_loop3A_173, %parallel_loop3A_175 : vector<16xf32>
      %parallel_loop3A_177 = arith.mulf %parallel_loop3A_176, %parallel_loop3A_156 : vector<16xf32>
      %parallel_loop3A_178 = arith.index_cast %parallel_loop3A_151 : i32 to index
      %parallel_loop3A_179 = arith.constant 0 : index
      %parallel_loop3A_180 = tpu.vector_load %arg14[%parallel_loop3A_178, %parallel_loop3A_179] {strides = array<i32>} : memref<640x16xf32, #tpu.memory_space<vmem>>, vector<16xf32>,
      tpu.vector_store %arg14[%parallel_loop3A_178, %parallel_loop3A_179], %parallel_loop3A_177 {strides = array<i32>} : memref<640x16xf32, #tpu.memory_space<vmem>>, vector<16xf32>,
    } {sc.loop_unroll_factor = 8 : i64, sc.parallel_access}
    "tpu.region"() ({
      %run_scoped3A = tpu.sem_alloc : memref<!tpu.dma_semaphore, #tpu.memory_space<semaphore_mem>>
      %dma_start3A_151 = arith.constant 0 : i32
      %dma_start3A_152 = tpu.memref_slice %arg16[%mul3A_2, %dma_start3A_151] : memref<10240x16xf32, #tpu.memory_space<vmem_shared>> -> memref<640x16xf32, #tpu.memory_space<vmem_shared>>
      %dma_start3A_153 = arith.constant 0 : i32
      %dma_start3A_154 = tpu.memref_slice %arg16[%mul3A_2, %dma_start3A_153] : memref<10240x16xf32, #tpu.memory_space<vmem_shared>> -> memref<640x16xf32, #tpu.memory_space<vmem_shared>>
      tpu.enqueue_dma source(%arg14 : memref<640x16xf32, #tpu.memory_space<vmem>>) target(%dma_start3A_154 : memref<640x16xf32, #tpu.memory_space<vmem_shared>>) target_semaphore(%run_scoped3A : memref<!tpu.dma_semaphore, #tpu.memory_space<semaphore_mem>>)
      %dma_wait3A_155 = arith.constant 0 : i32
      %dma_wait3A_156 = tpu.memref_slice %arg16[%mul3A_2, %dma_wait3A_155] : memref<10240x16xf32, #tpu.memory_space<vmem_shared>> -> memref<640x16xf32, #tpu.memory_space<vmem_shared>>
      %dma_wait3A_157 = arith.constant 0 : i32
      %dma_wait3A_158 = tpu.memref_slice %arg16[%mul3A_2, %dma_wait3A_157] : memref<10240x16xf32, #tpu.memory_space<vmem_shared>> -> memref<640x16xf32, #tpu.memory_space<vmem_shared>>
      tpu.wait_dma2 semaphore(%run_scoped3A : memref<!tpu.dma_semaphore, #tpu.memory_space<semaphore_mem>>) src(%arg14 : memref<640x16xf32, #tpu.memory_space<vmem>>) dst(%dma_wait3A_158 : memref<640x16xf32, #tpu.memory_space<vmem_shared>>)
      tpu.yield
    }) : () -> ()
    %eq3A = arith.constant 0 : i32
    %eq3A_107 = arith.cmpi eq, %arg0, %eq3A : i32
    %convert_element_type3A = arith.extui %eq3A_107 : i1 to i32
    %cond3A = arith.constant 0 : i32
    %cond3A_108 = arith.cmpi ne, %convert_element_type3A, %cond3A : i32
    scf.if %cond3A_108 {
      "tpu.region"() ({
        %run_scoped3A = tpu.sem_alloc : memref<!tpu.dma_semaphore, #tpu.memory_space<semaphore_mem>>
        %dma_start3A_151 = arith.constant 0 : i32
        %dma_start3A_152 = tpu.memref_slice %arg9[%mul3A_2, %dma_start3A_151] : memref<10240x16xf32, #tpu.memory_space<hbm>> -> memref<640x16xf32, #tpu.memory_space<hbm>>
        %dma_start3A_153 = arith.constant 0 : i32
        %dma_start3A_154 = tpu.memref_slice %arg9[%mul3A_2, %dma_start3A_153] : memref<10240x16xf32, #tpu.memory_space<hbm>> -> memref<640x16xf32, #tpu.memory_space<hbm>>
        tpu.enqueue_dma source(%arg14 : memref<640x16xf32, #tpu.memory_space<vmem>>) target(%dma_start3A_154 : memref<640x16xf32, #tpu.memory_space<hbm>>) target_semaphore(%run_scoped3A : memref<!tpu.dma_semaphore, #tpu.memory_space<semaphore_mem>>)
        %dma_wait3A_155 = arith.constant 0 : i32
        %dma_wait3A_156 = tpu.memref_slice %arg9[%mul3A_2, %dma_wait3A_155] : memref<10240x16xf32, #tpu.memory_space<hbm>> -> memref<640x16xf32, #tpu.memory_space<hbm>>
        %dma_wait3A_157 = arith.constant 0 : i32
        %dma_wait3A_158 = tpu.memref_slice %arg9[%mul3A_2, %dma_wait3A_157] : memref<10240x16xf32, #tpu.memory_space<hbm>> -> memref<640x16xf32, #tpu.memory_space<hbm>>
        tpu.wait_dma2 semaphore(%run_scoped3A : memref<!tpu.dma_semaphore, #tpu.memory_space<semaphore_mem>>) src(%arg14 : memref<640x16xf32, #tpu.memory_space<vmem>>) dst(%dma_wait3A_158 : memref<640x16xf32, #tpu.memory_space<hbm>>)
        tpu.yield
      }) : () -> ()
    } else {
    }
    %barrier3A = arith.constant 0 : index
    tpu.barrier barrier_id(%barrier3A)
    %dma_start3A_109 = arith.constant 0 : i32
    %dma_start3A_110 = tpu.memref_slice %arg10[%dma_start3A_109] : memref<5120xi32, #tpu.memory_space<vmem>> -> memref<2560xi32, #tpu.memory_space<vmem>>
    %dma_start3A_111 = arith.constant 0 : i32
    %dma_start3A_112 = arith.constant 0 : i32
    %dma_start3A_113 = tpu.memref_slice %arg16[%dma_start3A_111, %dma_start3A_112] : memref<10240x16xf32, #tpu.memory_space<vmem_shared>> -> memref<10240x16xf32, #tpu.memory_space<vmem_shared>>
    tpu.enqueue_indirect_dma source(%dma_start3A_113 : memref<10240x16xf32, #tpu.memory_space<vmem_shared>>) target(%arg12 : memref<2560x16xf32, #tpu.memory_space<vmem>>) offsets(%dma_start3A_110 : memref<2560xi32, #tpu.memory_space<vmem>>) semaphore(%arg18 : memref<!tpu.dma_semaphore, #tpu.memory_space<semaphore_mem>>)
    %dma_start3A_114 = arith.constant 2560 : i32
    %dma_start3A_115 = tpu.memref_slice %arg10[%dma_start3A_114] : memref<5120xi32, #tpu.memory_space<vmem>> -> memref<2560xi32, #tpu.memory_space<vmem>>
    %dma_start3A_116 = arith.constant 0 : i32
    %dma_start3A_117 = arith.constant 0 : i32
    %dma_start3A_118 = tpu.memref_slice %arg16[%dma_start3A_116, %dma_start3A_117] : memref<10240x16xf32, #tpu.memory_space<vmem_shared>> -> memref<10240x16xf32, #tpu.memory_space<vmem_shared>>
    tpu.enqueue_indirect_dma source(%dma_start3A_118 : memref<10240x16xf32, #tpu.memory_space<vmem_shared>>) target(%arg13 : memref<2560x16xf32, #tpu.memory_space<vmem>>) offsets(%dma_start3A_115 : memref<2560xi32, #tpu.memory_space<vmem>>) semaphore(%arg19 : memref<!tpu.dma_semaphore, #tpu.memory_space<semaphore_mem>>)
    %dma_wait3A_119 = arith.constant 0 : i32
    %dma_wait3A_120 = tpu.memref_slice %arg10[%dma_wait3A_119] : memref<5120xi32, #tpu.memory_space<vmem>> -> memref<2560xi32, #tpu.memory_space<vmem>>
    %dma_wait3A_121 = arith.constant 0 : i32
    %dma_wait3A_122 = arith.constant 0 : i32
    %dma_wait3A_123 = tpu.memref_slice %arg16[%dma_wait3A_121, %dma_wait3A_122] : memref<10240x16xf32, #tpu.memory_space<vmem_shared>> -> memref<10240x16xf32, #tpu.memory_space<vmem_shared>>
    tpu.wait_indirect_dma semaphore(%arg18 : memref<!tpu.dma_semaphore, #tpu.memory_space<semaphore_mem>>) src(%dma_wait3A_123 : memref<10240x16xf32, #tpu.memory_space<vmem_shared>>) dst(%arg12 : memref<2560x16xf32, #tpu.memory_space<vmem>>)
    %scan3A = arith.constant 0 : i32
    %scan3A_124 = arith.constant 0 : i32
    %scan3A_125 = arith.constant 20 : i32
    %scan3A_126 = arith.addi %scan3A_124, %scan3A_125 : i32
    %scan3A_127 = arith.constant 1 : i32
    scf.for %scan3A_151 = %scan3A_124 to %scan3A_126 step %scan3A_127  : i32 {
      %mul3A_152 = arith.constant 128 : i32
      %mul3A_153 = arith.muli %scan3A_151, %mul3A_152 : i32
      %dma_start3A_154 = arith.constant 0 : i32
      %dma_start3A_155 = tpu.memref_slice %arg12[%mul3A_153, %dma_start3A_154] : memref<2560x16xf32, #tpu.memory_space<vmem>> -> memref<128x16xf32, #tpu.memory_space<vmem>>
      %dma_start3A_156 = arith.constant 0 : i32
      %dma_start3A_157 = tpu.memref_slice %arg11[%scan3A_151, %dma_start3A_156] : memref<40x128xi32, #tpu.memory_space<vmem>> -> memref<1x128xi32, #tpu.memory_space<vmem>>
      %dma_start3A_158 = tpu.memref_squeeze %dma_start3A_157 : memref<1x128xi32, #tpu.memory_space<vmem>> -> memref<128xi32, #tpu.memory_space<vmem>>
      %dma_start3A_159 = arith.constant 0 : i32
      %dma_start3A_160 = arith.constant 0 : i32
      %dma_start3A_161 = tpu.memref_slice %arg17[%dma_start3A_159, %dma_start3A_160] : memref<10240x16xf32, #tpu.memory_space<vmem_shared>> -> memref<10240x16xf32, #tpu.memory_space<vmem_shared>>
      tpu.enqueue_indirect_dma source(%dma_start3A_155 : memref<128x16xf32, #tpu.memory_space<vmem>>) target(%dma_start3A_161 : memref<10240x16xf32, #tpu.memory_space<vmem_shared>>) offsets(%dma_start3A_158 : memref<128xi32, #tpu.memory_space<vmem>>) semaphore(%arg20 : memref<!tpu.dma_semaphore, #tpu.memory_space<semaphore_mem>>) {add = true}
    }
    %scan3A_128 = arith.constant 20 : i32
    %dma_wait3A_129 = arith.constant 2560 : i32
    %dma_wait3A_130 = tpu.memref_slice %arg10[%dma_wait3A_129] : memref<5120xi32, #tpu.memory_space<vmem>> -> memref<2560xi32, #tpu.memory_space<vmem>>
    %dma_wait3A_131 = arith.constant 0 : i32
    %dma_wait3A_132 = arith.constant 0 : i32
    %dma_wait3A_133 = tpu.memref_slice %arg16[%dma_wait3A_131, %dma_wait3A_132] : memref<10240x16xf32, #tpu.memory_space<vmem_shared>> -> memref<10240x16xf32, #tpu.memory_space<vmem_shared>>
    tpu.wait_indirect_dma semaphore(%arg19 : memref<!tpu.dma_semaphore, #tpu.memory_space<semaphore_mem>>) src(%dma_wait3A_133 : memref<10240x16xf32, #tpu.memory_space<vmem_shared>>) dst(%arg13 : memref<2560x16xf32, #tpu.memory_space<vmem>>)
    %scan3A_134 = arith.constant 0 : i32
    %scan3A_135 = arith.constant 20 : i32
    %scan3A_136 = arith.constant 20 : i32
    %scan3A_137 = arith.addi %scan3A_135, %scan3A_136 : i32
    %scan3A_138 = arith.constant 1 : i32
    scf.for %scan3A_151 = %scan3A_135 to %scan3A_137 step %scan3A_138  : i32 {
      %sub3A = arith.constant 20 : i32
      %sub3A_152 = arith.subi %scan3A_151, %sub3A : i32
      %mul3A_153 = arith.constant 128 : i32
      %mul3A_154 = arith.muli %sub3A_152, %mul3A_153 : i32
      %dma_start3A_155 = arith.constant 0 : i32
      %dma_start3A_156 = tpu.memref_slice %arg13[%mul3A_154, %dma_start3A_155] : memref<2560x16xf32, #tpu.memory_space<vmem>> -> memref<128x16xf32, #tpu.memory_space<vmem>>
      %dma_start3A_157 = arith.constant 0 : i32
      %dma_start3A_158 = tpu.memref_slice %arg11[%scan3A_151, %dma_start3A_157] : memref<40x128xi32, #tpu.memory_space<vmem>> -> memref<1x128xi32, #tpu.memory_space<vmem>>
      %dma_start3A_159 = tpu.memref_squeeze %dma_start3A_158 : memref<1x128xi32, #tpu.memory_space<vmem>> -> memref<128xi32, #tpu.memory_space<vmem>>
      %dma_start3A_160 = arith.constant 0 : i32
      %dma_start3A_161 = arith.constant 0 : i32
      %dma_start3A_162 = tpu.memref_slice %arg17[%dma_start3A_160, %dma_start3A_161] : memref<10240x16xf32, #tpu.memory_space<vmem_shared>> -> memref<10240x16xf32, #tpu.memory_space<vmem_shared>>
      tpu.enqueue_indirect_dma source(%dma_start3A_156 : memref<128x16xf32, #tpu.memory_space<vmem>>) target(%dma_start3A_162 : memref<10240x16xf32, #tpu.memory_space<vmem_shared>>) offsets(%dma_start3A_159 : memref<128xi32, #tpu.memory_space<vmem>>) semaphore(%arg20 : memref<!tpu.dma_semaphore, #tpu.memory_space<semaphore_mem>>) {add = true}
    }
    %scan3A_139 = arith.constant 20 : i32
    %scan3A_140 = arith.constant 0 : i32
    %scan3A_141 = arith.constant 0 : i32
    %scan3A_142 = arith.constant 40 : i32
    %scan3A_143 = arith.addi %scan3A_141, %scan3A_142 : i32
    %scan3A_144 = arith.constant 1 : i32
    scf.for %scan3A_151 = %scan3A_141 to %scan3A_143 step %scan3A_144  : i32 {
      %dma_wait3A_152 = arith.constant 0 : i32
      %dma_wait3A_153 = arith.constant 0 : i32
      %dma_wait3A_154 = tpu.memref_slice %arg12[%dma_wait3A_152, %dma_wait3A_153] : memref<2560x16xf32, #tpu.memory_space<vmem>> -> memref<128x16xf32, #tpu.memory_space<vmem>>
      %dma_wait3A_155 = arith.constant 0 : i32
      %dma_wait3A_156 = tpu.memref_slice %arg11[%scan3A_151, %dma_wait3A_155] : memref<40x128xi32, #tpu.memory_space<vmem>> -> memref<1x128xi32, #tpu.memory_space<vmem>>
      %dma_wait3A_157 = tpu.memref_squeeze %dma_wait3A_156 : memref<1x128xi32, #tpu.memory_space<vmem>> -> memref<128xi32, #tpu.memory_space<vmem>>
      %dma_wait3A_158 = arith.constant 0 : i32
      %dma_wait3A_159 = arith.constant 0 : i32
      %dma_wait3A_160 = tpu.memref_slice %arg17[%dma_wait3A_158, %dma_wait3A_159] : memref<10240x16xf32, #tpu.memory_space<vmem_shared>> -> memref<10240x16xf32, #tpu.memory_space<vmem_shared>>
      tpu.wait_indirect_dma semaphore(%arg20 : memref<!tpu.dma_semaphore, #tpu.memory_space<semaphore_mem>>) src(%dma_wait3A_154 : memref<128x16xf32, #tpu.memory_space<vmem>>) dst(%dma_wait3A_160 : memref<10240x16xf32, #tpu.memory_space<vmem_shared>>)
    }
    %scan3A_145 = arith.constant 40 : i32
    %barrier3A_146 = arith.constant 0 : index
    tpu.barrier barrier_id(%barrier3A_146)
    %mul3A_147 = arith.constant 640 : i32
    %mul3A_148 = arith.muli %arg1, %mul3A_147 : i32
    "tpu.region"() ({
      %run_scoped3A = tpu.sem_alloc : memref<!tpu.dma_semaphore, #tpu.memory_space<semaphore_mem>>
      %dma_start3A_151 = arith.constant 0 : i32
      %dma_start3A_152 = tpu.memref_slice %arg17[%mul3A_148, %dma_start3A_151] : memref<10240x16xf32, #tpu.memory_space<vmem_shared>> -> memref<640x16xf32, #tpu.memory_space<vmem_shared>>
      %dma_start3A_153 = arith.constant 0 : i32
      %dma_start3A_154 = tpu.memref_slice %arg17[%mul3A_148, %dma_start3A_153] : memref<10240x16xf32, #tpu.memory_space<vmem_shared>> -> memref<640x16xf32, #tpu.memory_space<vmem_shared>>
      tpu.enqueue_dma source(%dma_start3A_154 : memref<640x16xf32, #tpu.memory_space<vmem_shared>>) target(%arg14 : memref<640x16xf32, #tpu.memory_space<vmem>>) target_semaphore(%run_scoped3A : memref<!tpu.dma_semaphore, #tpu.memory_space<semaphore_mem>>)
      %dma_wait3A_155 = arith.constant 0 : i32
      %dma_wait3A_156 = tpu.memref_slice %arg17[%mul3A_148, %dma_wait3A_155] : memref<10240x16xf32, #tpu.memory_space<vmem_shared>> -> memref<640x16xf32, #tpu.memory_space<vmem_shared>>
      %dma_wait3A_157 = arith.constant 0 : i32
      %dma_wait3A_158 = tpu.memref_slice %arg17[%mul3A_148, %dma_wait3A_157] : memref<10240x16xf32, #tpu.memory_space<vmem_shared>> -> memref<640x16xf32, #tpu.memory_space<vmem_shared>>
      tpu.wait_dma2 semaphore(%run_scoped3A : memref<!tpu.dma_semaphore, #tpu.memory_space<semaphore_mem>>) src(%dma_wait3A_158 : memref<640x16xf32, #tpu.memory_space<vmem_shared>>) dst(%arg14 : memref<640x16xf32, #tpu.memory_space<vmem>>)
      tpu.yield
    }) : () -> ()
    %mul3A_149 = arith.constant 640 : i32
    %mul3A_150 = arith.muli %arg1, %mul3A_149 : i32
    "tpu.region"() ({
      %run_scoped3A = tpu.sem_alloc : memref<!tpu.dma_semaphore, #tpu.memory_space<semaphore_mem>>
      %dma_start3A_151 = arith.constant 0 : i32
      %dma_start3A_152 = tpu.memref_slice %arg8[%arg0, %mul3A_150, %dma_start3A_151] : memref<2x10240x16xf32, #tpu.memory_space<hbm>> -> memref<1x640x16xf32, #tpu.memory_space<hbm>>
      %dma_start3A_153 = tpu.memref_squeeze %dma_start3A_152 : memref<1x640x16xf32, #tpu.memory_space<hbm>> -> memref<640x16xf32, #tpu.memory_space<hbm>>
      %dma_start3A_154 = arith.constant 0 : i32
      %dma_start3A_155 = tpu.memref_slice %arg8[%arg0, %mul3A_150, %dma_start3A_154] : memref<2x10240x16xf32, #tpu.memory_space<hbm>> -> memref<1x640x16xf32, #tpu.memory_space<hbm>>
      %dma_start3A_156 = tpu.memref_squeeze %dma_start3A_155 : memref<1x640x16xf32, #tpu.memory_space<hbm>> -> memref<640x16xf32, #tpu.memory_space<hbm>>
      tpu.enqueue_dma source(%arg14 : memref<640x16xf32, #tpu.memory_space<vmem>>) target(%dma_start3A_156 : memref<640x16xf32, #tpu.memory_space<hbm>>) target_semaphore(%run_scoped3A : memref<!tpu.dma_semaphore, #tpu.memory_space<semaphore_mem>>)
      %dma_wait3A_157 = arith.constant 0 : i32
      %dma_wait3A_158 = tpu.memref_slice %arg8[%arg0, %mul3A_150, %dma_wait3A_157] : memref<2x10240x16xf32, #tpu.memory_space<hbm>> -> memref<1x640x16xf32, #tpu.memory_space<hbm>>
      %dma_wait3A_159 = tpu.memref_squeeze %dma_wait3A_158 : memref<1x640x16xf32, #tpu.memory_space<hbm>> -> memref<640x16xf32, #tpu.memory_space<hbm>>
      %dma_wait3A_160 = arith.constant 0 : i32
      %dma_wait3A_161 = tpu.memref_slice %arg8[%arg0, %mul3A_150, %dma_wait3A_160] : memref<2x10240x16xf32, #tpu.memory_space<hbm>> -> memref<1x640x16xf32, #tpu.memory_space<hbm>>
      %dma_wait3A_162 = tpu.memref_squeeze %dma_wait3A_161 : memref<1x640x16xf32, #tpu.memory_space<hbm>> -> memref<640x16xf32, #tpu.memory_space<hbm>>
      tpu.wait_dma2 semaphore(%run_scoped3A : memref<!tpu.dma_semaphore, #tpu.memory_space<semaphore_mem>>) src(%arg14 : memref<640x16xf32, #tpu.memory_space<vmem>>) dst(%dma_wait3A_162 : memref<640x16xf32, #tpu.memory_space<hbm>>)
      tpu.yield
    }) : () -> ()
    return
  }
}

#map = affine_map<(d0, d1) -> (0, 0)>
#map1 = affine_map<(d0, d1) -> (0, 0, 0)>
module attributes {stable_mosaic.version = 14 : i64} {
  func.func @_sc_agg1_body(%arg0: i32, %arg1: i32, %arg2: memref<10240x16xf32, #tpu.memory_space<hbm>>, %arg3: memref<2x10240xf32, #tpu.memory_space<hbm>>, %arg4: memref<32x5120xi32, #tpu.memory_space<hbm>>, %arg5: memref<32x40x128xi32, #tpu.memory_space<hbm>>, %arg6: memref<2x10240x16xf32, #tpu.memory_space<hbm>>, %arg7: memref<10240x16xf32, #tpu.memory_space<hbm>>, %arg8: memref<10240x16xf32, #tpu.memory_space<hbm>>, %arg9: memref<5120xi32, #tpu.memory_space<vmem>>, %arg10: memref<40x128xi32, #tpu.memory_space<vmem>>, %arg11: memref<2560x16xf32, #tpu.memory_space<vmem>>, %arg12: memref<2560x16xf32, #tpu.memory_space<vmem>>, %arg13: memref<640x16xf32, #tpu.memory_space<vmem>>, %arg14: memref<1280xf32, #tpu.memory_space<vmem>>, %arg15: memref<10240x16xf32, #tpu.memory_space<vmem_shared>>, %arg16: memref<10240x16xf32, #tpu.memory_space<vmem_shared>>, %arg17: memref<!tpu.dma_semaphore, #tpu.memory_space<semaphore_mem>>, %arg18: memref<!tpu.dma_semaphore, #tpu.memory_space<semaphore_mem>>, %arg19: memref<!tpu.dma_semaphore, #tpu.memory_space<semaphore_mem>>) attributes {dimension_semantics = [#tpu.dimension_semantics<core_parallel>, #tpu.dimension_semantics<subcore_parallel>], iteration_bounds = array<i64: 2, 16>, scalar_prefetch = 0 : i64, scratch_operands = 11 : i64, tpu.core_type = #tpu.core_type<sc_vector_subcore>, window_params = [{transform_indices = #map}, {transform_indices = #map}, {transform_indices = #map}, {transform_indices = #map1}, {transform_indices = #map1}, {transform_indices = #map}, {transform_indices = #map}]} {
    %mul3A = arith.constant 16 : i32
    %mul3A_0 = arith.muli %arg0, %mul3A : i32
    %add3A = arith.addi %mul3A_0, %arg1 : i32
    "tpu.region"() ({
      %run_scoped3A = tpu.sem_alloc : memref<!tpu.dma_semaphore, #tpu.memory_space<semaphore_mem>>
      %dma_start3A_108 = arith.constant 0 : i32
      %dma_start3A_109 = tpu.memref_slice %arg4[%add3A, %dma_start3A_108] : memref<32x5120xi32, #tpu.memory_space<hbm>> -> memref<1x5120xi32, #tpu.memory_space<hbm>>
      %dma_start3A_110 = tpu.memref_squeeze %dma_start3A_109 : memref<1x5120xi32, #tpu.memory_space<hbm>> -> memref<5120xi32, #tpu.memory_space<hbm>>
      %dma_start3A_111 = arith.constant 0 : i32
      %dma_start3A_112 = tpu.memref_slice %arg4[%add3A, %dma_start3A_111] : memref<32x5120xi32, #tpu.memory_space<hbm>> -> memref<1x5120xi32, #tpu.memory_space<hbm>>
      %dma_start3A_113 = tpu.memref_squeeze %dma_start3A_112 : memref<1x5120xi32, #tpu.memory_space<hbm>> -> memref<5120xi32, #tpu.memory_space<hbm>>
      tpu.enqueue_dma source(%dma_start3A_113 : memref<5120xi32, #tpu.memory_space<hbm>>) target(%arg9 : memref<5120xi32, #tpu.memory_space<vmem>>) target_semaphore(%run_scoped3A : memref<!tpu.dma_semaphore, #tpu.memory_space<semaphore_mem>>)
      %dma_wait3A_114 = arith.constant 0 : i32
      %dma_wait3A_115 = tpu.memref_slice %arg4[%add3A, %dma_wait3A_114] : memref<32x5120xi32, #tpu.memory_space<hbm>> -> memref<1x5120xi32, #tpu.memory_space<hbm>>
      %dma_wait3A_116 = tpu.memref_squeeze %dma_wait3A_115 : memref<1x5120xi32, #tpu.memory_space<hbm>> -> memref<5120xi32, #tpu.memory_space<hbm>>
      %dma_wait3A_117 = arith.constant 0 : i32
      %dma_wait3A_118 = tpu.memref_slice %arg4[%add3A, %dma_wait3A_117] : memref<32x5120xi32, #tpu.memory_space<hbm>> -> memref<1x5120xi32, #tpu.memory_space<hbm>>
      %dma_wait3A_119 = tpu.memref_squeeze %dma_wait3A_118 : memref<1x5120xi32, #tpu.memory_space<hbm>> -> memref<5120xi32, #tpu.memory_space<hbm>>
      tpu.wait_dma2 semaphore(%run_scoped3A : memref<!tpu.dma_semaphore, #tpu.memory_space<semaphore_mem>>) src(%dma_wait3A_119 : memref<5120xi32, #tpu.memory_space<hbm>>) dst(%arg9 : memref<5120xi32, #tpu.memory_space<vmem>>)
      tpu.yield
    }) : () -> ()
    "tpu.region"() ({
      %run_scoped3A = tpu.sem_alloc : memref<!tpu.dma_semaphore, #tpu.memory_space<semaphore_mem>>
      %dma_start3A_108 = arith.constant 0 : i32
      %dma_start3A_109 = arith.constant 0 : i32
      %dma_start3A_110 = tpu.memref_slice %arg5[%add3A, %dma_start3A_108, %dma_start3A_109] : memref<32x40x128xi32, #tpu.memory_space<hbm>> -> memref<1x40x128xi32, #tpu.memory_space<hbm>>
      %dma_start3A_111 = tpu.memref_squeeze %dma_start3A_110 : memref<1x40x128xi32, #tpu.memory_space<hbm>> -> memref<40x128xi32, #tpu.memory_space<hbm>>
      %dma_start3A_112 = arith.constant 0 : i32
      %dma_start3A_113 = arith.constant 0 : i32
      %dma_start3A_114 = tpu.memref_slice %arg5[%add3A, %dma_start3A_112, %dma_start3A_113] : memref<32x40x128xi32, #tpu.memory_space<hbm>> -> memref<1x40x128xi32, #tpu.memory_space<hbm>>
      %dma_start3A_115 = tpu.memref_squeeze %dma_start3A_114 : memref<1x40x128xi32, #tpu.memory_space<hbm>> -> memref<40x128xi32, #tpu.memory_space<hbm>>
      tpu.enqueue_dma source(%dma_start3A_115 : memref<40x128xi32, #tpu.memory_space<hbm>>) target(%arg10 : memref<40x128xi32, #tpu.memory_space<vmem>>) target_semaphore(%run_scoped3A : memref<!tpu.dma_semaphore, #tpu.memory_space<semaphore_mem>>)
      %dma_wait3A_116 = arith.constant 0 : i32
      %dma_wait3A_117 = arith.constant 0 : i32
      %dma_wait3A_118 = tpu.memref_slice %arg5[%add3A, %dma_wait3A_116, %dma_wait3A_117] : memref<32x40x128xi32, #tpu.memory_space<hbm>> -> memref<1x40x128xi32, #tpu.memory_space<hbm>>
      %dma_wait3A_119 = tpu.memref_squeeze %dma_wait3A_118 : memref<1x40x128xi32, #tpu.memory_space<hbm>> -> memref<40x128xi32, #tpu.memory_space<hbm>>
      %dma_wait3A_120 = arith.constant 0 : i32
      %dma_wait3A_121 = arith.constant 0 : i32
      %dma_wait3A_122 = tpu.memref_slice %arg5[%add3A, %dma_wait3A_120, %dma_wait3A_121] : memref<32x40x128xi32, #tpu.memory_space<hbm>> -> memref<1x40x128xi32, #tpu.memory_space<hbm>>
      %dma_wait3A_123 = tpu.memref_squeeze %dma_wait3A_122 : memref<1x40x128xi32, #tpu.memory_space<hbm>> -> memref<40x128xi32, #tpu.memory_space<hbm>>
      tpu.wait_dma2 semaphore(%run_scoped3A : memref<!tpu.dma_semaphore, #tpu.memory_space<semaphore_mem>>) src(%dma_wait3A_123 : memref<40x128xi32, #tpu.memory_space<hbm>>) dst(%arg10 : memref<40x128xi32, #tpu.memory_space<vmem>>)
      tpu.yield
    }) : () -> ()
    %mul3A_1 = arith.constant 640 : i32
    %mul3A_2 = arith.muli %arg1, %mul3A_1 : i32
    %dma_start3A = arith.constant 0 : i32
    %dma_start3A_3 = arith.constant 0 : i32
    %dma_start3A_4 = tpu.memref_slice %arg11[%dma_start3A, %dma_start3A_3] : memref<2560x16xf32, #tpu.memory_space<vmem>> -> memref<640x16xf32, #tpu.memory_space<vmem>>
    %dma_start3A_5 = arith.constant 0 : i32
    %dma_start3A_6 = tpu.memref_slice %arg2[%mul3A_2, %dma_start3A_5] : memref<10240x16xf32, #tpu.memory_space<hbm>> -> memref<640x16xf32, #tpu.memory_space<hbm>>
    %dma_start3A_7 = arith.constant 0 : i32
    %dma_start3A_8 = arith.constant 0 : i32
    %dma_start3A_9 = tpu.memref_slice %arg11[%dma_start3A_7, %dma_start3A_8] : memref<2560x16xf32, #tpu.memory_space<vmem>> -> memref<640x16xf32, #tpu.memory_space<vmem>>
    %dma_start3A_10 = arith.constant 0 : i32
    %dma_start3A_11 = tpu.memref_slice %arg2[%mul3A_2, %dma_start3A_10] : memref<10240x16xf32, #tpu.memory_space<hbm>> -> memref<640x16xf32, #tpu.memory_space<hbm>>
    tpu.enqueue_dma source(%dma_start3A_11 : memref<640x16xf32, #tpu.memory_space<hbm>>) target(%dma_start3A_9 : memref<640x16xf32, #tpu.memory_space<vmem>>) target_semaphore(%arg17 : memref<!tpu.dma_semaphore, #tpu.memory_space<semaphore_mem>>)
    %dma_start3A_12 = arith.constant 0 : i32
    %dma_start3A_13 = arith.constant 0 : i32
    %dma_start3A_14 = tpu.memref_slice %arg14[%dma_start3A_13] : memref<1280xf32, #tpu.memory_space<vmem>> -> memref<640xf32, #tpu.memory_space<vmem>>
    %dma_start3A_15 = tpu.memref_slice %arg3[%dma_start3A_12, %mul3A_2] : memref<2x10240xf32, #tpu.memory_space<hbm>> -> memref<1x640xf32, #tpu.memory_space<hbm>>
    %dma_start3A_16 = tpu.memref_squeeze %dma_start3A_15 : memref<1x640xf32, #tpu.memory_space<hbm>> -> memref<640xf32, #tpu.memory_space<hbm>>
    %dma_start3A_17 = arith.constant 0 : i32
    %dma_start3A_18 = tpu.memref_slice %arg14[%dma_start3A_17] : memref<1280xf32, #tpu.memory_space<vmem>> -> memref<640xf32, #tpu.memory_space<vmem>>
    %dma_start3A_19 = tpu.memref_slice %arg3[%dma_start3A_12, %mul3A_2] : memref<2x10240xf32, #tpu.memory_space<hbm>> -> memref<1x640xf32, #tpu.memory_space<hbm>>
    %dma_start3A_20 = tpu.memref_squeeze %dma_start3A_19 : memref<1x640xf32, #tpu.memory_space<hbm>> -> memref<640xf32, #tpu.memory_space<hbm>>
    tpu.enqueue_dma source(%dma_start3A_20 : memref<640xf32, #tpu.memory_space<hbm>>) target(%dma_start3A_18 : memref<640xf32, #tpu.memory_space<vmem>>) target_semaphore(%arg17 : memref<!tpu.dma_semaphore, #tpu.memory_space<semaphore_mem>>)
    %dma_start3A_21 = arith.constant 1 : i32
    %dma_start3A_22 = arith.constant 640 : i32
    %dma_start3A_23 = tpu.memref_slice %arg14[%dma_start3A_22] : memref<1280xf32, #tpu.memory_space<vmem>> -> memref<640xf32, #tpu.memory_space<vmem>>
    %dma_start3A_24 = tpu.memref_slice %arg3[%dma_start3A_21, %mul3A_2] : memref<2x10240xf32, #tpu.memory_space<hbm>> -> memref<1x640xf32, #tpu.memory_space<hbm>>
    %dma_start3A_25 = tpu.memref_squeeze %dma_start3A_24 : memref<1x640xf32, #tpu.memory_space<hbm>> -> memref<640xf32, #tpu.memory_space<hbm>>
    %dma_start3A_26 = arith.constant 640 : i32
    %dma_start3A_27 = tpu.memref_slice %arg14[%dma_start3A_26] : memref<1280xf32, #tpu.memory_space<vmem>> -> memref<640xf32, #tpu.memory_space<vmem>>
    %dma_start3A_28 = tpu.memref_slice %arg3[%dma_start3A_21, %mul3A_2] : memref<2x10240xf32, #tpu.memory_space<hbm>> -> memref<1x640xf32, #tpu.memory_space<hbm>>
    %dma_start3A_29 = tpu.memref_squeeze %dma_start3A_28 : memref<1x640xf32, #tpu.memory_space<hbm>> -> memref<640xf32, #tpu.memory_space<hbm>>
    tpu.enqueue_dma source(%dma_start3A_29 : memref<640xf32, #tpu.memory_space<hbm>>) target(%dma_start3A_27 : memref<640xf32, #tpu.memory_space<vmem>>) target_semaphore(%arg17 : memref<!tpu.dma_semaphore, #tpu.memory_space<semaphore_mem>>)
    %parallel_loop3A = arith.constant 0 : i32
    %parallel_loop3A_30 = arith.constant 640 : i32
    %parallel_loop3A_31 = arith.constant 1 : i32
    scf.for %parallel_loop3A_108 = %parallel_loop3A to %parallel_loop3A_30 step %parallel_loop3A_31  : i32 {
      %parallel_loop3A_109 = arith.constant 0.000000e+00 : f32
      %parallel_loop3A_110 = vector.broadcast %parallel_loop3A_109 : f32 to vector<16xf32>
      %parallel_loop3A_111 = arith.index_cast %parallel_loop3A_108 : i32 to index
      %parallel_loop3A_112 = arith.constant 0 : index
      %parallel_loop3A_113 = tpu.vector_load %arg12[%parallel_loop3A_111, %parallel_loop3A_112] {strides = array<i32>} : memref<2560x16xf32, #tpu.memory_space<vmem>>, vector<16xf32>,
      tpu.vector_store %arg12[%parallel_loop3A_111, %parallel_loop3A_112], %parallel_loop3A_110 {strides = array<i32>} : memref<2560x16xf32, #tpu.memory_space<vmem>>, vector<16xf32>,
    } {sc.loop_unroll_factor = 8 : i64, sc.parallel_access}
    %mul3A_32 = arith.constant 640 : i32
    %mul3A_33 = arith.muli %arg1, %mul3A_32 : i32
    "tpu.region"() ({
      %run_scoped3A = tpu.sem_alloc : memref<!tpu.dma_semaphore, #tpu.memory_space<semaphore_mem>>
      %dma_start3A_108 = arith.constant 0 : i32
      %dma_start3A_109 = arith.constant 0 : i32
      %dma_start3A_110 = tpu.memref_slice %arg12[%dma_start3A_108, %dma_start3A_109] : memref<2560x16xf32, #tpu.memory_space<vmem>> -> memref<640x16xf32, #tpu.memory_space<vmem>>
      %dma_start3A_111 = arith.constant 0 : i32
      %dma_start3A_112 = tpu.memref_slice %arg16[%mul3A_33, %dma_start3A_111] : memref<10240x16xf32, #tpu.memory_space<vmem_shared>> -> memref<640x16xf32, #tpu.memory_space<vmem_shared>>
      %dma_start3A_113 = arith.constant 0 : i32
      %dma_start3A_114 = tpu.memref_slice %arg16[%mul3A_33, %dma_start3A_113] : memref<10240x16xf32, #tpu.memory_space<vmem_shared>> -> memref<640x16xf32, #tpu.memory_space<vmem_shared>>
      %dma_start3A_115 = arith.constant 0 : i32
      %dma_start3A_116 = arith.constant 0 : i32
      %dma_start3A_117 = tpu.memref_slice %arg12[%dma_start3A_115, %dma_start3A_116] : memref<2560x16xf32, #tpu.memory_space<vmem>> -> memref<640x16xf32, #tpu.memory_space<vmem>>
      tpu.enqueue_dma source(%dma_start3A_117 : memref<640x16xf32, #tpu.memory_space<vmem>>) target(%dma_start3A_114 : memref<640x16xf32, #tpu.memory_space<vmem_shared>>) target_semaphore(%run_scoped3A : memref<!tpu.dma_semaphore, #tpu.memory_space<semaphore_mem>>)
      %dma_wait3A_118 = arith.constant 0 : i32
      %dma_wait3A_119 = arith.constant 0 : i32
      %dma_wait3A_120 = tpu.memref_slice %arg12[%dma_wait3A_118, %dma_wait3A_119] : memref<2560x16xf32, #tpu.memory_space<vmem>> -> memref<640x16xf32, #tpu.memory_space<vmem>>
      %dma_wait3A_121 = arith.constant 0 : i32
      %dma_wait3A_122 = tpu.memref_slice %arg16[%mul3A_33, %dma_wait3A_121] : memref<10240x16xf32, #tpu.memory_space<vmem_shared>> -> memref<640x16xf32, #tpu.memory_space<vmem_shared>>
      %dma_wait3A_123 = arith.constant 0 : i32
      %dma_wait3A_124 = tpu.memref_slice %arg16[%mul3A_33, %dma_wait3A_123] : memref<10240x16xf32, #tpu.memory_space<vmem_shared>> -> memref<640x16xf32, #tpu.memory_space<vmem_shared>>
      %dma_wait3A_125 = arith.constant 0 : i32
      %dma_wait3A_126 = arith.constant 0 : i32
      %dma_wait3A_127 = tpu.memref_slice %arg12[%dma_wait3A_125, %dma_wait3A_126] : memref<2560x16xf32, #tpu.memory_space<vmem>> -> memref<640x16xf32, #tpu.memory_space<vmem>>
      tpu.wait_dma2 semaphore(%run_scoped3A : memref<!tpu.dma_semaphore, #tpu.memory_space<semaphore_mem>>) src(%dma_wait3A_127 : memref<640x16xf32, #tpu.memory_space<vmem>>) dst(%dma_wait3A_124 : memref<640x16xf32, #tpu.memory_space<vmem_shared>>)
      tpu.yield
    }) : () -> ()
    %dma_wait3A = arith.constant 0 : i32
    %dma_wait3A_34 = arith.constant 0 : i32
    %dma_wait3A_35 = tpu.memref_slice %arg11[%dma_wait3A, %dma_wait3A_34] : memref<2560x16xf32, #tpu.memory_space<vmem>> -> memref<640x16xf32, #tpu.memory_space<vmem>>
    %dma_wait3A_36 = arith.constant 0 : i32
    %dma_wait3A_37 = tpu.memref_slice %arg2[%mul3A_2, %dma_wait3A_36] : memref<10240x16xf32, #tpu.memory_space<hbm>> -> memref<640x16xf32, #tpu.memory_space<hbm>>
    %dma_wait3A_38 = arith.constant 0 : i32
    %dma_wait3A_39 = arith.constant 0 : i32
    %dma_wait3A_40 = tpu.memref_slice %arg11[%dma_wait3A_38, %dma_wait3A_39] : memref<2560x16xf32, #tpu.memory_space<vmem>> -> memref<640x16xf32, #tpu.memory_space<vmem>>
    %dma_wait3A_41 = arith.constant 0 : i32
    %dma_wait3A_42 = tpu.memref_slice %arg2[%mul3A_2, %dma_wait3A_41] : memref<10240x16xf32, #tpu.memory_space<hbm>> -> memref<640x16xf32, #tpu.memory_space<hbm>>
    tpu.wait_dma2 semaphore(%arg17 : memref<!tpu.dma_semaphore, #tpu.memory_space<semaphore_mem>>) src(%dma_wait3A_42 : memref<640x16xf32, #tpu.memory_space<hbm>>) dst(%dma_wait3A_40 : memref<640x16xf32, #tpu.memory_space<vmem>>)
    %dma_wait3A_43 = arith.constant 0 : i32
    %dma_wait3A_44 = arith.constant 0 : i32
    %dma_wait3A_45 = tpu.memref_slice %arg14[%dma_wait3A_44] : memref<1280xf32, #tpu.memory_space<vmem>> -> memref<640xf32, #tpu.memory_space<vmem>>
    %dma_wait3A_46 = tpu.memref_slice %arg3[%dma_wait3A_43, %mul3A_2] : memref<2x10240xf32, #tpu.memory_space<hbm>> -> memref<1x640xf32, #tpu.memory_space<hbm>>
    %dma_wait3A_47 = tpu.memref_squeeze %dma_wait3A_46 : memref<1x640xf32, #tpu.memory_space<hbm>> -> memref<640xf32, #tpu.memory_space<hbm>>
    %dma_wait3A_48 = arith.constant 0 : i32
    %dma_wait3A_49 = tpu.memref_slice %arg14[%dma_wait3A_48] : memref<1280xf32, #tpu.memory_space<vmem>> -> memref<640xf32, #tpu.memory_space<vmem>>
    %dma_wait3A_50 = tpu.memref_slice %arg3[%dma_wait3A_43, %mul3A_2] : memref<2x10240xf32, #tpu.memory_space<hbm>> -> memref<1x640xf32, #tpu.memory_space<hbm>>
    %dma_wait3A_51 = tpu.memref_squeeze %dma_wait3A_50 : memref<1x640xf32, #tpu.memory_space<hbm>> -> memref<640xf32, #tpu.memory_space<hbm>>
    tpu.wait_dma2 semaphore(%arg17 : memref<!tpu.dma_semaphore, #tpu.memory_space<semaphore_mem>>) src(%dma_wait3A_51 : memref<640xf32, #tpu.memory_space<hbm>>) dst(%dma_wait3A_49 : memref<640xf32, #tpu.memory_space<vmem>>)
    %dma_wait3A_52 = arith.constant 1 : i32
    %dma_wait3A_53 = arith.constant 640 : i32
    %dma_wait3A_54 = tpu.memref_slice %arg14[%dma_wait3A_53] : memref<1280xf32, #tpu.memory_space<vmem>> -> memref<640xf32, #tpu.memory_space<vmem>>
    %dma_wait3A_55 = tpu.memref_slice %arg3[%dma_wait3A_52, %mul3A_2] : memref<2x10240xf32, #tpu.memory_space<hbm>> -> memref<1x640xf32, #tpu.memory_space<hbm>>
    %dma_wait3A_56 = tpu.memref_squeeze %dma_wait3A_55 : memref<1x640xf32, #tpu.memory_space<hbm>> -> memref<640xf32, #tpu.memory_space<hbm>>
    %dma_wait3A_57 = arith.constant 640 : i32
    %dma_wait3A_58 = tpu.memref_slice %arg14[%dma_wait3A_57] : memref<1280xf32, #tpu.memory_space<vmem>> -> memref<640xf32, #tpu.memory_space<vmem>>
    %dma_wait3A_59 = tpu.memref_slice %arg3[%dma_wait3A_52, %mul3A_2] : memref<2x10240xf32, #tpu.memory_space<hbm>> -> memref<1x640xf32, #tpu.memory_space<hbm>>
    %dma_wait3A_60 = tpu.memref_squeeze %dma_wait3A_59 : memref<1x640xf32, #tpu.memory_space<hbm>> -> memref<640xf32, #tpu.memory_space<hbm>>
    tpu.wait_dma2 semaphore(%arg17 : memref<!tpu.dma_semaphore, #tpu.memory_space<semaphore_mem>>) src(%dma_wait3A_60 : memref<640xf32, #tpu.memory_space<hbm>>) dst(%dma_wait3A_58 : memref<640xf32, #tpu.memory_space<vmem>>)
    %parallel_loop3A_61 = arith.constant 0 : i32
    %parallel_loop3A_62 = arith.constant 40 : i32
    %parallel_loop3A_63 = arith.constant 1 : i32
    scf.for %parallel_loop3A_108 = %parallel_loop3A_61 to %parallel_loop3A_62 step %parallel_loop3A_63  : i32 {
      %parallel_loop3A_109 = arith.constant 16 : i32
      %parallel_loop3A_110 = arith.muli %parallel_loop3A_108, %parallel_loop3A_109 : i32
      %parallel_loop3A_111 = arith.index_cast %parallel_loop3A_110 : i32 to index
      %parallel_loop3A_112 = tpu.vector_load %arg14[%parallel_loop3A_111] {strides = array<i32>} : memref<1280xf32, #tpu.memory_space<vmem>>, vector<16xf32>,
      %parallel_loop3A_113 = arith.constant 16 : i32
      %parallel_loop3A_114 = arith.muli %parallel_loop3A_108, %parallel_loop3A_113 : i32
      %parallel_loop3A_115 = arith.constant 640 : i32
      %parallel_loop3A_116 = arith.addi %parallel_loop3A_115, %parallel_loop3A_114 : i32
      %parallel_loop3A_117 = arith.index_cast %parallel_loop3A_116 : i32 to index
      %parallel_loop3A_118 = tpu.vector_load %arg14[%parallel_loop3A_117] {strides = array<i32>} : memref<1280xf32, #tpu.memory_space<vmem>>, vector<16xf32>,
      %parallel_loop3A_119 = arith.addf %parallel_loop3A_112, %parallel_loop3A_118 : vector<16xf32>
      %parallel_loop3A_120 = arith.constant 1.000000e+00 : f32
      %parallel_loop3A_121 = vector.broadcast %parallel_loop3A_120 : f32 to vector<16xf32>
      %parallel_loop3A_122 = arith.addf %parallel_loop3A_119, %parallel_loop3A_121 : vector<16xf32>
      %parallel_loop3A_123 = vector.bitcast %parallel_loop3A_122 : vector<16xf32> to vector<16xi32>
      %parallel_loop3A_124 = arith.constant 1597463007 : i32
      %parallel_loop3A_125 = vector.broadcast %parallel_loop3A_124 : i32 to vector<16xi32>
      %parallel_loop3A_126 = arith.constant 1 : i32
      %parallel_loop3A_127 = vector.broadcast %parallel_loop3A_126 : i32 to vector<16xi32>
      %parallel_loop3A_128 = arith.shrui %parallel_loop3A_123, %parallel_loop3A_127 : vector<16xi32>
      %parallel_loop3A_129 = arith.subi %parallel_loop3A_125, %parallel_loop3A_128 : vector<16xi32>
      %parallel_loop3A_130 = vector.bitcast %parallel_loop3A_129 : vector<16xi32> to vector<16xf32>
      %parallel_loop3A_131 = arith.constant 5.000000e-01 : f32
      %parallel_loop3A_132 = vector.broadcast %parallel_loop3A_131 : f32 to vector<16xf32>
      %parallel_loop3A_133 = arith.mulf %parallel_loop3A_132, %parallel_loop3A_122 : vector<16xf32>
      %parallel_loop3A_134 = arith.mulf %parallel_loop3A_133, %parallel_loop3A_130 : vector<16xf32>
      %parallel_loop3A_135 = arith.mulf %parallel_loop3A_134, %parallel_loop3A_130 : vector<16xf32>
      %parallel_loop3A_136 = arith.constant 1.500000e+00 : f32
      %parallel_loop3A_137 = vector.broadcast %parallel_loop3A_136 : f32 to vector<16xf32>
      %parallel_loop3A_138 = arith.subf %parallel_loop3A_137, %parallel_loop3A_135 : vector<16xf32>
      %parallel_loop3A_139 = arith.mulf %parallel_loop3A_130, %parallel_loop3A_138 : vector<16xf32>
      %parallel_loop3A_140 = arith.constant 5.000000e-01 : f32
      %parallel_loop3A_141 = vector.broadcast %parallel_loop3A_140 : f32 to vector<16xf32>
      %parallel_loop3A_142 = arith.mulf %parallel_loop3A_141, %parallel_loop3A_122 : vector<16xf32>
      %parallel_loop3A_143 = arith.mulf %parallel_loop3A_142, %parallel_loop3A_139 : vector<16xf32>
      %parallel_loop3A_144 = arith.mulf %parallel_loop3A_143, %parallel_loop3A_139 : vector<16xf32>
      %parallel_loop3A_145 = arith.constant 1.500000e+00 : f32
      %parallel_loop3A_146 = vector.broadcast %parallel_loop3A_145 : f32 to vector<16xf32>
      %parallel_loop3A_147 = arith.subf %parallel_loop3A_146, %parallel_loop3A_144 : vector<16xf32>
      %parallel_loop3A_148 = arith.mulf %parallel_loop3A_139, %parallel_loop3A_147 : vector<16xf32>
      %parallel_loop3A_149 = arith.mulf %parallel_loop3A_122, %parallel_loop3A_148 : vector<16xf32>
      %parallel_loop3A_150 = arith.mulf %parallel_loop3A_149, %parallel_loop3A_148 : vector<16xf32>
      %parallel_loop3A_151 = arith.constant 1.000000e+00 : f32
      %parallel_loop3A_152 = vector.broadcast %parallel_loop3A_151 : f32 to vector<16xf32>
      %parallel_loop3A_153 = arith.subf %parallel_loop3A_152, %parallel_loop3A_150 : vector<16xf32>
      %parallel_loop3A_154 = arith.constant 3.750000e-01 : f32
      %parallel_loop3A_155 = vector.broadcast %parallel_loop3A_154 : f32 to vector<16xf32>
      %parallel_loop3A_156 = arith.mulf %parallel_loop3A_155, %parallel_loop3A_153 : vector<16xf32>
      %parallel_loop3A_157 = arith.constant 5.000000e-01 : f32
      %parallel_loop3A_158 = vector.broadcast %parallel_loop3A_157 : f32 to vector<16xf32>
      %parallel_loop3A_159 = arith.addf %parallel_loop3A_158, %parallel_loop3A_156 : vector<16xf32>
      %parallel_loop3A_160 = arith.mulf %parallel_loop3A_153, %parallel_loop3A_159 : vector<16xf32>
      %parallel_loop3A_161 = arith.constant 1.000000e+00 : f32
      %parallel_loop3A_162 = vector.broadcast %parallel_loop3A_161 : f32 to vector<16xf32>
      %parallel_loop3A_163 = arith.addf %parallel_loop3A_162, %parallel_loop3A_160 : vector<16xf32>
      %parallel_loop3A_164 = arith.mulf %parallel_loop3A_148, %parallel_loop3A_163 : vector<16xf32>
      %parallel_loop3A_165 = arith.constant 16 : i32
      %parallel_loop3A_166 = arith.muli %parallel_loop3A_108, %parallel_loop3A_165 : i32
      %parallel_loop3A_167 = arith.constant 0 : i32
      %parallel_loop3A_168 = arith.addi %parallel_loop3A_166, %parallel_loop3A_167 : i32
      %parallel_loop3A_169 = vector.extract_strided_slice %parallel_loop3A_164 {offsets = [0], sizes = [1], strides = [1]} : vector<16xf32> to vector<1xf32>
      %parallel_loop3A_170 = vector.extract %parallel_loop3A_169[0] : f32 from vector<1xf32>
      %parallel_loop3A_171 = vector.broadcast %parallel_loop3A_170 : f32 to vector<16xf32>
      %parallel_loop3A_172 = arith.index_cast %parallel_loop3A_168 : i32 to index
      %parallel_loop3A_173 = arith.constant 0 : index
      %parallel_loop3A_174 = tpu.vector_load %arg11[%parallel_loop3A_172, %parallel_loop3A_173] {strides = array<i32>} : memref<2560x16xf32, #tpu.memory_space<vmem>>, vector<16xf32>,
      %parallel_loop3A_175 = arith.mulf %parallel_loop3A_171, %parallel_loop3A_174 : vector<16xf32>
      %parallel_loop3A_176 = arith.index_cast %parallel_loop3A_168 : i32 to index
      %parallel_loop3A_177 = arith.constant 0 : index
      %parallel_loop3A_178 = tpu.vector_load %arg13[%parallel_loop3A_176, %parallel_loop3A_177] {strides = array<i32>} : memref<640x16xf32, #tpu.memory_space<vmem>>, vector<16xf32>,
      tpu.vector_store %arg13[%parallel_loop3A_176, %parallel_loop3A_177], %parallel_loop3A_175 {strides = array<i32>} : memref<640x16xf32, #tpu.memory_space<vmem>>, vector<16xf32>,
      %parallel_loop3A_179 = arith.constant 640 : i32
      %parallel_loop3A_180 = arith.addi %parallel_loop3A_179, %parallel_loop3A_168 : i32
      %parallel_loop3A_181 = arith.index_cast %parallel_loop3A_180 : i32 to index
      %parallel_loop3A_182 = arith.constant 0 : index
      %parallel_loop3A_183 = tpu.vector_load %arg11[%parallel_loop3A_181, %parallel_loop3A_182] {strides = array<i32>} : memref<2560x16xf32, #tpu.memory_space<vmem>>, vector<16xf32>,
      tpu.vector_store %arg11[%parallel_loop3A_181, %parallel_loop3A_182], %parallel_loop3A_171 {strides = array<i32>} : memref<2560x16xf32, #tpu.memory_space<vmem>>, vector<16xf32>,
      %parallel_loop3A_184 = arith.constant 16 : i32
      %parallel_loop3A_185 = arith.muli %parallel_loop3A_108, %parallel_loop3A_184 : i32
      %parallel_loop3A_186 = arith.constant 1 : i32
      %parallel_loop3A_187 = arith.addi %parallel_loop3A_185, %parallel_loop3A_186 : i32
      %parallel_loop3A_188 = vector.extract_strided_slice %parallel_loop3A_164 {offsets = [1], sizes = [1], strides = [1]} : vector<16xf32> to vector<1xf32>
      %parallel_loop3A_189 = vector.extract %parallel_loop3A_188[0] : f32 from vector<1xf32>
      %parallel_loop3A_190 = vector.broadcast %parallel_loop3A_189 : f32 to vector<16xf32>
      %parallel_loop3A_191 = arith.index_cast %parallel_loop3A_187 : i32 to index
      %parallel_loop3A_192 = arith.constant 0 : index
      %parallel_loop3A_193 = tpu.vector_load %arg11[%parallel_loop3A_191, %parallel_loop3A_192] {strides = array<i32>} : memref<2560x16xf32, #tpu.memory_space<vmem>>, vector<16xf32>,
      %parallel_loop3A_194 = arith.mulf %parallel_loop3A_190, %parallel_loop3A_193 : vector<16xf32>
      %parallel_loop3A_195 = arith.index_cast %parallel_loop3A_187 : i32 to index
      %parallel_loop3A_196 = arith.constant 0 : index
      %parallel_loop3A_197 = tpu.vector_load %arg13[%parallel_loop3A_195, %parallel_loop3A_196] {strides = array<i32>} : memref<640x16xf32, #tpu.memory_space<vmem>>, vector<16xf32>,
      tpu.vector_store %arg13[%parallel_loop3A_195, %parallel_loop3A_196], %parallel_loop3A_194 {strides = array<i32>} : memref<640x16xf32, #tpu.memory_space<vmem>>, vector<16xf32>,
      %parallel_loop3A_198 = arith.constant 640 : i32
      %parallel_loop3A_199 = arith.addi %parallel_loop3A_198, %parallel_loop3A_187 : i32
      %parallel_loop3A_200 = arith.index_cast %parallel_loop3A_199 : i32 to index
      %parallel_loop3A_201 = arith.constant 0 : index
      %parallel_loop3A_202 = tpu.vector_load %arg11[%parallel_loop3A_200, %parallel_loop3A_201] {strides = array<i32>} : memref<2560x16xf32, #tpu.memory_space<vmem>>, vector<16xf32>,
      tpu.vector_store %arg11[%parallel_loop3A_200, %parallel_loop3A_201], %parallel_loop3A_190 {strides = array<i32>} : memref<2560x16xf32, #tpu.memory_space<vmem>>, vector<16xf32>,
      %parallel_loop3A_203 = arith.constant 16 : i32
      %parallel_loop3A_204 = arith.muli %parallel_loop3A_108, %parallel_loop3A_203 : i32
      %parallel_loop3A_205 = arith.constant 2 : i32
      %parallel_loop3A_206 = arith.addi %parallel_loop3A_204, %parallel_loop3A_205 : i32
      %parallel_loop3A_207 = vector.extract_strided_slice %parallel_loop3A_164 {offsets = [2], sizes = [1], strides = [1]} : vector<16xf32> to vector<1xf32>
      %parallel_loop3A_208 = vector.extract %parallel_loop3A_207[0] : f32 from vector<1xf32>
      %parallel_loop3A_209 = vector.broadcast %parallel_loop3A_208 : f32 to vector<16xf32>
      %parallel_loop3A_210 = arith.index_cast %parallel_loop3A_206 : i32 to index
      %parallel_loop3A_211 = arith.constant 0 : index
      %parallel_loop3A_212 = tpu.vector_load %arg11[%parallel_loop3A_210, %parallel_loop3A_211] {strides = array<i32>} : memref<2560x16xf32, #tpu.memory_space<vmem>>, vector<16xf32>,
      %parallel_loop3A_213 = arith.mulf %parallel_loop3A_209, %parallel_loop3A_212 : vector<16xf32>
      %parallel_loop3A_214 = arith.index_cast %parallel_loop3A_206 : i32 to index
      %parallel_loop3A_215 = arith.constant 0 : index
      %parallel_loop3A_216 = tpu.vector_load %arg13[%parallel_loop3A_214, %parallel_loop3A_215] {strides = array<i32>} : memref<640x16xf32, #tpu.memory_space<vmem>>, vector<16xf32>,
      tpu.vector_store %arg13[%parallel_loop3A_214, %parallel_loop3A_215], %parallel_loop3A_213 {strides = array<i32>} : memref<640x16xf32, #tpu.memory_space<vmem>>, vector<16xf32>,
      %parallel_loop3A_217 = arith.constant 640 : i32
      %parallel_loop3A_218 = arith.addi %parallel_loop3A_217, %parallel_loop3A_206 : i32
      %parallel_loop3A_219 = arith.index_cast %parallel_loop3A_218 : i32 to index
      %parallel_loop3A_220 = arith.constant 0 : index
      %parallel_loop3A_221 = tpu.vector_load %arg11[%parallel_loop3A_219, %parallel_loop3A_220] {strides = array<i32>} : memref<2560x16xf32, #tpu.memory_space<vmem>>, vector<16xf32>,
      tpu.vector_store %arg11[%parallel_loop3A_219, %parallel_loop3A_220], %parallel_loop3A_209 {strides = array<i32>} : memref<2560x16xf32, #tpu.memory_space<vmem>>, vector<16xf32>,
      %parallel_loop3A_222 = arith.constant 16 : i32
      %parallel_loop3A_223 = arith.muli %parallel_loop3A_108, %parallel_loop3A_222 : i32
      %parallel_loop3A_224 = arith.constant 3 : i32
      %parallel_loop3A_225 = arith.addi %parallel_loop3A_223, %parallel_loop3A_224 : i32
      %parallel_loop3A_226 = vector.extract_strided_slice %parallel_loop3A_164 {offsets = [3], sizes = [1], strides = [1]} : vector<16xf32> to vector<1xf32>
      %parallel_loop3A_227 = vector.extract %parallel_loop3A_226[0] : f32 from vector<1xf32>
      %parallel_loop3A_228 = vector.broadcast %parallel_loop3A_227 : f32 to vector<16xf32>
      %parallel_loop3A_229 = arith.index_cast %parallel_loop3A_225 : i32 to index
      %parallel_loop3A_230 = arith.constant 0 : index
      %parallel_loop3A_231 = tpu.vector_load %arg11[%parallel_loop3A_229, %parallel_loop3A_230] {strides = array<i32>} : memref<2560x16xf32, #tpu.memory_space<vmem>>, vector<16xf32>,
      %parallel_loop3A_232 = arith.mulf %parallel_loop3A_228, %parallel_loop3A_231 : vector<16xf32>
      %parallel_loop3A_233 = arith.index_cast %parallel_loop3A_225 : i32 to index
      %parallel_loop3A_234 = arith.constant 0 : index
      %parallel_loop3A_235 = tpu.vector_load %arg13[%parallel_loop3A_233, %parallel_loop3A_234] {strides = array<i32>} : memref<640x16xf32, #tpu.memory_space<vmem>>, vector<16xf32>,
      tpu.vector_store %arg13[%parallel_loop3A_233, %parallel_loop3A_234], %parallel_loop3A_232 {strides = array<i32>} : memref<640x16xf32, #tpu.memory_space<vmem>>, vector<16xf32>,
      %parallel_loop3A_236 = arith.constant 640 : i32
      %parallel_loop3A_237 = arith.addi %parallel_loop3A_236, %parallel_loop3A_225 : i32
      %parallel_loop3A_238 = arith.index_cast %parallel_loop3A_237 : i32 to index
      %parallel_loop3A_239 = arith.constant 0 : index
      %parallel_loop3A_240 = tpu.vector_load %arg11[%parallel_loop3A_238, %parallel_loop3A_239] {strides = array<i32>} : memref<2560x16xf32, #tpu.memory_space<vmem>>, vector<16xf32>,
      tpu.vector_store %arg11[%parallel_loop3A_238, %parallel_loop3A_239], %parallel_loop3A_228 {strides = array<i32>} : memref<2560x16xf32, #tpu.memory_space<vmem>>, vector<16xf32>,
      %parallel_loop3A_241 = arith.constant 16 : i32
      %parallel_loop3A_242 = arith.muli %parallel_loop3A_108, %parallel_loop3A_241 : i32
      %parallel_loop3A_243 = arith.constant 4 : i32
      %parallel_loop3A_244 = arith.addi %parallel_loop3A_242, %parallel_loop3A_243 : i32
      %parallel_loop3A_245 = vector.extract_strided_slice %parallel_loop3A_164 {offsets = [4], sizes = [1], strides = [1]} : vector<16xf32> to vector<1xf32>
      %parallel_loop3A_246 = vector.extract %parallel_loop3A_245[0] : f32 from vector<1xf32>
      %parallel_loop3A_247 = vector.broadcast %parallel_loop3A_246 : f32 to vector<16xf32>
      %parallel_loop3A_248 = arith.index_cast %parallel_loop3A_244 : i32 to index
      %parallel_loop3A_249 = arith.constant 0 : index
      %parallel_loop3A_250 = tpu.vector_load %arg11[%parallel_loop3A_248, %parallel_loop3A_249] {strides = array<i32>} : memref<2560x16xf32, #tpu.memory_space<vmem>>, vector<16xf32>,
      %parallel_loop3A_251 = arith.mulf %parallel_loop3A_247, %parallel_loop3A_250 : vector<16xf32>
      %parallel_loop3A_252 = arith.index_cast %parallel_loop3A_244 : i32 to index
      %parallel_loop3A_253 = arith.constant 0 : index
      %parallel_loop3A_254 = tpu.vector_load %arg13[%parallel_loop3A_252, %parallel_loop3A_253] {strides = array<i32>} : memref<640x16xf32, #tpu.memory_space<vmem>>, vector<16xf32>,
      tpu.vector_store %arg13[%parallel_loop3A_252, %parallel_loop3A_253], %parallel_loop3A_251 {strides = array<i32>} : memref<640x16xf32, #tpu.memory_space<vmem>>, vector<16xf32>,
      %parallel_loop3A_255 = arith.constant 640 : i32
      %parallel_loop3A_256 = arith.addi %parallel_loop3A_255, %parallel_loop3A_244 : i32
      %parallel_loop3A_257 = arith.index_cast %parallel_loop3A_256 : i32 to index
      %parallel_loop3A_258 = arith.constant 0 : index
      %parallel_loop3A_259 = tpu.vector_load %arg11[%parallel_loop3A_257, %parallel_loop3A_258] {strides = array<i32>} : memref<2560x16xf32, #tpu.memory_space<vmem>>, vector<16xf32>,
      tpu.vector_store %arg11[%parallel_loop3A_257, %parallel_loop3A_258], %parallel_loop3A_247 {strides = array<i32>} : memref<2560x16xf32, #tpu.memory_space<vmem>>, vector<16xf32>,
      %parallel_loop3A_260 = arith.constant 16 : i32
      %parallel_loop3A_261 = arith.muli %parallel_loop3A_108, %parallel_loop3A_260 : i32
      %parallel_loop3A_262 = arith.constant 5 : i32
      %parallel_loop3A_263 = arith.addi %parallel_loop3A_261, %parallel_loop3A_262 : i32
      %parallel_loop3A_264 = vector.extract_strided_slice %parallel_loop3A_164 {offsets = [5], sizes = [1], strides = [1]} : vector<16xf32> to vector<1xf32>
      %parallel_loop3A_265 = vector.extract %parallel_loop3A_264[0] : f32 from vector<1xf32>
      %parallel_loop3A_266 = vector.broadcast %parallel_loop3A_265 : f32 to vector<16xf32>
      %parallel_loop3A_267 = arith.index_cast %parallel_loop3A_263 : i32 to index
      %parallel_loop3A_268 = arith.constant 0 : index
      %parallel_loop3A_269 = tpu.vector_load %arg11[%parallel_loop3A_267, %parallel_loop3A_268] {strides = array<i32>} : memref<2560x16xf32, #tpu.memory_space<vmem>>, vector<16xf32>,
      %parallel_loop3A_270 = arith.mulf %parallel_loop3A_266, %parallel_loop3A_269 : vector<16xf32>
      %parallel_loop3A_271 = arith.index_cast %parallel_loop3A_263 : i32 to index
      %parallel_loop3A_272 = arith.constant 0 : index
      %parallel_loop3A_273 = tpu.vector_load %arg13[%parallel_loop3A_271, %parallel_loop3A_272] {strides = array<i32>} : memref<640x16xf32, #tpu.memory_space<vmem>>, vector<16xf32>,
      tpu.vector_store %arg13[%parallel_loop3A_271, %parallel_loop3A_272], %parallel_loop3A_270 {strides = array<i32>} : memref<640x16xf32, #tpu.memory_space<vmem>>, vector<16xf32>,
      %parallel_loop3A_274 = arith.constant 640 : i32
      %parallel_loop3A_275 = arith.addi %parallel_loop3A_274, %parallel_loop3A_263 : i32
      %parallel_loop3A_276 = arith.index_cast %parallel_loop3A_275 : i32 to index
      %parallel_loop3A_277 = arith.constant 0 : index
      %parallel_loop3A_278 = tpu.vector_load %arg11[%parallel_loop3A_276, %parallel_loop3A_277] {strides = array<i32>} : memref<2560x16xf32, #tpu.memory_space<vmem>>, vector<16xf32>,
      tpu.vector_store %arg11[%parallel_loop3A_276, %parallel_loop3A_277], %parallel_loop3A_266 {strides = array<i32>} : memref<2560x16xf32, #tpu.memory_space<vmem>>, vector<16xf32>,
      %parallel_loop3A_279 = arith.constant 16 : i32
      %parallel_loop3A_280 = arith.muli %parallel_loop3A_108, %parallel_loop3A_279 : i32
      %parallel_loop3A_281 = arith.constant 6 : i32
      %parallel_loop3A_282 = arith.addi %parallel_loop3A_280, %parallel_loop3A_281 : i32
      %parallel_loop3A_283 = vector.extract_strided_slice %parallel_loop3A_164 {offsets = [6], sizes = [1], strides = [1]} : vector<16xf32> to vector<1xf32>
      %parallel_loop3A_284 = vector.extract %parallel_loop3A_283[0] : f32 from vector<1xf32>
      %parallel_loop3A_285 = vector.broadcast %parallel_loop3A_284 : f32 to vector<16xf32>
      %parallel_loop3A_286 = arith.index_cast %parallel_loop3A_282 : i32 to index
      %parallel_loop3A_287 = arith.constant 0 : index
      %parallel_loop3A_288 = tpu.vector_load %arg11[%parallel_loop3A_286, %parallel_loop3A_287] {strides = array<i32>} : memref<2560x16xf32, #tpu.memory_space<vmem>>, vector<16xf32>,
      %parallel_loop3A_289 = arith.mulf %parallel_loop3A_285, %parallel_loop3A_288 : vector<16xf32>
      %parallel_loop3A_290 = arith.index_cast %parallel_loop3A_282 : i32 to index
      %parallel_loop3A_291 = arith.constant 0 : index
      %parallel_loop3A_292 = tpu.vector_load %arg13[%parallel_loop3A_290, %parallel_loop3A_291] {strides = array<i32>} : memref<640x16xf32, #tpu.memory_space<vmem>>, vector<16xf32>,
      tpu.vector_store %arg13[%parallel_loop3A_290, %parallel_loop3A_291], %parallel_loop3A_289 {strides = array<i32>} : memref<640x16xf32, #tpu.memory_space<vmem>>, vector<16xf32>,
      %parallel_loop3A_293 = arith.constant 640 : i32
      %parallel_loop3A_294 = arith.addi %parallel_loop3A_293, %parallel_loop3A_282 : i32
      %parallel_loop3A_295 = arith.index_cast %parallel_loop3A_294 : i32 to index
      %parallel_loop3A_296 = arith.constant 0 : index
      %parallel_loop3A_297 = tpu.vector_load %arg11[%parallel_loop3A_295, %parallel_loop3A_296] {strides = array<i32>} : memref<2560x16xf32, #tpu.memory_space<vmem>>, vector<16xf32>,
      tpu.vector_store %arg11[%parallel_loop3A_295, %parallel_loop3A_296], %parallel_loop3A_285 {strides = array<i32>} : memref<2560x16xf32, #tpu.memory_space<vmem>>, vector<16xf32>,
      %parallel_loop3A_298 = arith.constant 16 : i32
      %parallel_loop3A_299 = arith.muli %parallel_loop3A_108, %parallel_loop3A_298 : i32
      %parallel_loop3A_300 = arith.constant 7 : i32
      %parallel_loop3A_301 = arith.addi %parallel_loop3A_299, %parallel_loop3A_300 : i32
      %parallel_loop3A_302 = vector.extract_strided_slice %parallel_loop3A_164 {offsets = [7], sizes = [1], strides = [1]} : vector<16xf32> to vector<1xf32>
      %parallel_loop3A_303 = vector.extract %parallel_loop3A_302[0] : f32 from vector<1xf32>
      %parallel_loop3A_304 = vector.broadcast %parallel_loop3A_303 : f32 to vector<16xf32>
      %parallel_loop3A_305 = arith.index_cast %parallel_loop3A_301 : i32 to index
      %parallel_loop3A_306 = arith.constant 0 : index
      %parallel_loop3A_307 = tpu.vector_load %arg11[%parallel_loop3A_305, %parallel_loop3A_306] {strides = array<i32>} : memref<2560x16xf32, #tpu.memory_space<vmem>>, vector<16xf32>,
      %parallel_loop3A_308 = arith.mulf %parallel_loop3A_304, %parallel_loop3A_307 : vector<16xf32>
      %parallel_loop3A_309 = arith.index_cast %parallel_loop3A_301 : i32 to index
      %parallel_loop3A_310 = arith.constant 0 : index
      %parallel_loop3A_311 = tpu.vector_load %arg13[%parallel_loop3A_309, %parallel_loop3A_310] {strides = array<i32>} : memref<640x16xf32, #tpu.memory_space<vmem>>, vector<16xf32>,
      tpu.vector_store %arg13[%parallel_loop3A_309, %parallel_loop3A_310], %parallel_loop3A_308 {strides = array<i32>} : memref<640x16xf32, #tpu.memory_space<vmem>>, vector<16xf32>,
      %parallel_loop3A_312 = arith.constant 640 : i32
      %parallel_loop3A_313 = arith.addi %parallel_loop3A_312, %parallel_loop3A_301 : i32
      %parallel_loop3A_314 = arith.index_cast %parallel_loop3A_313 : i32 to index
      %parallel_loop3A_315 = arith.constant 0 : index
      %parallel_loop3A_316 = tpu.vector_load %arg11[%parallel_loop3A_314, %parallel_loop3A_315] {strides = array<i32>} : memref<2560x16xf32, #tpu.memory_space<vmem>>, vector<16xf32>,
      tpu.vector_store %arg11[%parallel_loop3A_314, %parallel_loop3A_315], %parallel_loop3A_304 {strides = array<i32>} : memref<2560x16xf32, #tpu.memory_space<vmem>>, vector<16xf32>,
      %parallel_loop3A_317 = arith.constant 16 : i32
      %parallel_loop3A_318 = arith.muli %parallel_loop3A_108, %parallel_loop3A_317 : i32
      %parallel_loop3A_319 = arith.constant 8 : i32
      %parallel_loop3A_320 = arith.addi %parallel_loop3A_318, %parallel_loop3A_319 : i32
      %parallel_loop3A_321 = vector.extract_strided_slice %parallel_loop3A_164 {offsets = [8], sizes = [1], strides = [1]} : vector<16xf32> to vector<1xf32>
      %parallel_loop3A_322 = vector.extract %parallel_loop3A_321[0] : f32 from vector<1xf32>
      %parallel_loop3A_323 = vector.broadcast %parallel_loop3A_322 : f32 to vector<16xf32>
      %parallel_loop3A_324 = arith.index_cast %parallel_loop3A_320 : i32 to index
      %parallel_loop3A_325 = arith.constant 0 : index
      %parallel_loop3A_326 = tpu.vector_load %arg11[%parallel_loop3A_324, %parallel_loop3A_325] {strides = array<i32>} : memref<2560x16xf32, #tpu.memory_space<vmem>>, vector<16xf32>,
      %parallel_loop3A_327 = arith.mulf %parallel_loop3A_323, %parallel_loop3A_326 : vector<16xf32>
      %parallel_loop3A_328 = arith.index_cast %parallel_loop3A_320 : i32 to index
      %parallel_loop3A_329 = arith.constant 0 : index
      %parallel_loop3A_330 = tpu.vector_load %arg13[%parallel_loop3A_328, %parallel_loop3A_329] {strides = array<i32>} : memref<640x16xf32, #tpu.memory_space<vmem>>, vector<16xf32>,
      tpu.vector_store %arg13[%parallel_loop3A_328, %parallel_loop3A_329], %parallel_loop3A_327 {strides = array<i32>} : memref<640x16xf32, #tpu.memory_space<vmem>>, vector<16xf32>,
      %parallel_loop3A_331 = arith.constant 640 : i32
      %parallel_loop3A_332 = arith.addi %parallel_loop3A_331, %parallel_loop3A_320 : i32
      %parallel_loop3A_333 = arith.index_cast %parallel_loop3A_332 : i32 to index
      %parallel_loop3A_334 = arith.constant 0 : index
      %parallel_loop3A_335 = tpu.vector_load %arg11[%parallel_loop3A_333, %parallel_loop3A_334] {strides = array<i32>} : memref<2560x16xf32, #tpu.memory_space<vmem>>, vector<16xf32>,
      tpu.vector_store %arg11[%parallel_loop3A_333, %parallel_loop3A_334], %parallel_loop3A_323 {strides = array<i32>} : memref<2560x16xf32, #tpu.memory_space<vmem>>, vector<16xf32>,
      %parallel_loop3A_336 = arith.constant 16 : i32
      %parallel_loop3A_337 = arith.muli %parallel_loop3A_108, %parallel_loop3A_336 : i32
      %parallel_loop3A_338 = arith.constant 9 : i32
      %parallel_loop3A_339 = arith.addi %parallel_loop3A_337, %parallel_loop3A_338 : i32
      %parallel_loop3A_340 = vector.extract_strided_slice %parallel_loop3A_164 {offsets = [9], sizes = [1], strides = [1]} : vector<16xf32> to vector<1xf32>
      %parallel_loop3A_341 = vector.extract %parallel_loop3A_340[0] : f32 from vector<1xf32>
      %parallel_loop3A_342 = vector.broadcast %parallel_loop3A_341 : f32 to vector<16xf32>
      %parallel_loop3A_343 = arith.index_cast %parallel_loop3A_339 : i32 to index
      %parallel_loop3A_344 = arith.constant 0 : index
      %parallel_loop3A_345 = tpu.vector_load %arg11[%parallel_loop3A_343, %parallel_loop3A_344] {strides = array<i32>} : memref<2560x16xf32, #tpu.memory_space<vmem>>, vector<16xf32>,
      %parallel_loop3A_346 = arith.mulf %parallel_loop3A_342, %parallel_loop3A_345 : vector<16xf32>
      %parallel_loop3A_347 = arith.index_cast %parallel_loop3A_339 : i32 to index
      %parallel_loop3A_348 = arith.constant 0 : index
      %parallel_loop3A_349 = tpu.vector_load %arg13[%parallel_loop3A_347, %parallel_loop3A_348] {strides = array<i32>} : memref<640x16xf32, #tpu.memory_space<vmem>>, vector<16xf32>,
      tpu.vector_store %arg13[%parallel_loop3A_347, %parallel_loop3A_348], %parallel_loop3A_346 {strides = array<i32>} : memref<640x16xf32, #tpu.memory_space<vmem>>, vector<16xf32>,
      %parallel_loop3A_350 = arith.constant 640 : i32
      %parallel_loop3A_351 = arith.addi %parallel_loop3A_350, %parallel_loop3A_339 : i32
      %parallel_loop3A_352 = arith.index_cast %parallel_loop3A_351 : i32 to index
      %parallel_loop3A_353 = arith.constant 0 : index
      %parallel_loop3A_354 = tpu.vector_load %arg11[%parallel_loop3A_352, %parallel_loop3A_353] {strides = array<i32>} : memref<2560x16xf32, #tpu.memory_space<vmem>>, vector<16xf32>,
      tpu.vector_store %arg11[%parallel_loop3A_352, %parallel_loop3A_353], %parallel_loop3A_342 {strides = array<i32>} : memref<2560x16xf32, #tpu.memory_space<vmem>>, vector<16xf32>,
      %parallel_loop3A_355 = arith.constant 16 : i32
      %parallel_loop3A_356 = arith.muli %parallel_loop3A_108, %parallel_loop3A_355 : i32
      %parallel_loop3A_357 = arith.constant 10 : i32
      %parallel_loop3A_358 = arith.addi %parallel_loop3A_356, %parallel_loop3A_357 : i32
      %parallel_loop3A_359 = vector.extract_strided_slice %parallel_loop3A_164 {offsets = [10], sizes = [1], strides = [1]} : vector<16xf32> to vector<1xf32>
      %parallel_loop3A_360 = vector.extract %parallel_loop3A_359[0] : f32 from vector<1xf32>
      %parallel_loop3A_361 = vector.broadcast %parallel_loop3A_360 : f32 to vector<16xf32>
      %parallel_loop3A_362 = arith.index_cast %parallel_loop3A_358 : i32 to index
      %parallel_loop3A_363 = arith.constant 0 : index
      %parallel_loop3A_364 = tpu.vector_load %arg11[%parallel_loop3A_362, %parallel_loop3A_363] {strides = array<i32>} : memref<2560x16xf32, #tpu.memory_space<vmem>>, vector<16xf32>,
      %parallel_loop3A_365 = arith.mulf %parallel_loop3A_361, %parallel_loop3A_364 : vector<16xf32>
      %parallel_loop3A_366 = arith.index_cast %parallel_loop3A_358 : i32 to index
      %parallel_loop3A_367 = arith.constant 0 : index
      %parallel_loop3A_368 = tpu.vector_load %arg13[%parallel_loop3A_366, %parallel_loop3A_367] {strides = array<i32>} : memref<640x16xf32, #tpu.memory_space<vmem>>, vector<16xf32>,
      tpu.vector_store %arg13[%parallel_loop3A_366, %parallel_loop3A_367], %parallel_loop3A_365 {strides = array<i32>} : memref<640x16xf32, #tpu.memory_space<vmem>>, vector<16xf32>,
      %parallel_loop3A_369 = arith.constant 640 : i32
      %parallel_loop3A_370 = arith.addi %parallel_loop3A_369, %parallel_loop3A_358 : i32
      %parallel_loop3A_371 = arith.index_cast %parallel_loop3A_370 : i32 to index
      %parallel_loop3A_372 = arith.constant 0 : index
      %parallel_loop3A_373 = tpu.vector_load %arg11[%parallel_loop3A_371, %parallel_loop3A_372] {strides = array<i32>} : memref<2560x16xf32, #tpu.memory_space<vmem>>, vector<16xf32>,
      tpu.vector_store %arg11[%parallel_loop3A_371, %parallel_loop3A_372], %parallel_loop3A_361 {strides = array<i32>} : memref<2560x16xf32, #tpu.memory_space<vmem>>, vector<16xf32>,
      %parallel_loop3A_374 = arith.constant 16 : i32
      %parallel_loop3A_375 = arith.muli %parallel_loop3A_108, %parallel_loop3A_374 : i32
      %parallel_loop3A_376 = arith.constant 11 : i32
      %parallel_loop3A_377 = arith.addi %parallel_loop3A_375, %parallel_loop3A_376 : i32
      %parallel_loop3A_378 = vector.extract_strided_slice %parallel_loop3A_164 {offsets = [11], sizes = [1], strides = [1]} : vector<16xf32> to vector<1xf32>
      %parallel_loop3A_379 = vector.extract %parallel_loop3A_378[0] : f32 from vector<1xf32>
      %parallel_loop3A_380 = vector.broadcast %parallel_loop3A_379 : f32 to vector<16xf32>
      %parallel_loop3A_381 = arith.index_cast %parallel_loop3A_377 : i32 to index
      %parallel_loop3A_382 = arith.constant 0 : index
      %parallel_loop3A_383 = tpu.vector_load %arg11[%parallel_loop3A_381, %parallel_loop3A_382] {strides = array<i32>} : memref<2560x16xf32, #tpu.memory_space<vmem>>, vector<16xf32>,
      %parallel_loop3A_384 = arith.mulf %parallel_loop3A_380, %parallel_loop3A_383 : vector<16xf32>
      %parallel_loop3A_385 = arith.index_cast %parallel_loop3A_377 : i32 to index
      %parallel_loop3A_386 = arith.constant 0 : index
      %parallel_loop3A_387 = tpu.vector_load %arg13[%parallel_loop3A_385, %parallel_loop3A_386] {strides = array<i32>} : memref<640x16xf32, #tpu.memory_space<vmem>>, vector<16xf32>,
      tpu.vector_store %arg13[%parallel_loop3A_385, %parallel_loop3A_386], %parallel_loop3A_384 {strides = array<i32>} : memref<640x16xf32, #tpu.memory_space<vmem>>, vector<16xf32>,
      %parallel_loop3A_388 = arith.constant 640 : i32
      %parallel_loop3A_389 = arith.addi %parallel_loop3A_388, %parallel_loop3A_377 : i32
      %parallel_loop3A_390 = arith.index_cast %parallel_loop3A_389 : i32 to index
      %parallel_loop3A_391 = arith.constant 0 : index
      %parallel_loop3A_392 = tpu.vector_load %arg11[%parallel_loop3A_390, %parallel_loop3A_391] {strides = array<i32>} : memref<2560x16xf32, #tpu.memory_space<vmem>>, vector<16xf32>,
      tpu.vector_store %arg11[%parallel_loop3A_390, %parallel_loop3A_391], %parallel_loop3A_380 {strides = array<i32>} : memref<2560x16xf32, #tpu.memory_space<vmem>>, vector<16xf32>,
      %parallel_loop3A_393 = arith.constant 16 : i32
      %parallel_loop3A_394 = arith.muli %parallel_loop3A_108, %parallel_loop3A_393 : i32
      %parallel_loop3A_395 = arith.constant 12 : i32
      %parallel_loop3A_396 = arith.addi %parallel_loop3A_394, %parallel_loop3A_395 : i32
      %parallel_loop3A_397 = vector.extract_strided_slice %parallel_loop3A_164 {offsets = [12], sizes = [1], strides = [1]} : vector<16xf32> to vector<1xf32>
      %parallel_loop3A_398 = vector.extract %parallel_loop3A_397[0] : f32 from vector<1xf32>
      %parallel_loop3A_399 = vector.broadcast %parallel_loop3A_398 : f32 to vector<16xf32>
      %parallel_loop3A_400 = arith.index_cast %parallel_loop3A_396 : i32 to index
      %parallel_loop3A_401 = arith.constant 0 : index
      %parallel_loop3A_402 = tpu.vector_load %arg11[%parallel_loop3A_400, %parallel_loop3A_401] {strides = array<i32>} : memref<2560x16xf32, #tpu.memory_space<vmem>>, vector<16xf32>,
      %parallel_loop3A_403 = arith.mulf %parallel_loop3A_399, %parallel_loop3A_402 : vector<16xf32>
      %parallel_loop3A_404 = arith.index_cast %parallel_loop3A_396 : i32 to index
      %parallel_loop3A_405 = arith.constant 0 : index
      %parallel_loop3A_406 = tpu.vector_load %arg13[%parallel_loop3A_404, %parallel_loop3A_405] {strides = array<i32>} : memref<640x16xf32, #tpu.memory_space<vmem>>, vector<16xf32>,
      tpu.vector_store %arg13[%parallel_loop3A_404, %parallel_loop3A_405], %parallel_loop3A_403 {strides = array<i32>} : memref<640x16xf32, #tpu.memory_space<vmem>>, vector<16xf32>,
      %parallel_loop3A_407 = arith.constant 640 : i32
      %parallel_loop3A_408 = arith.addi %parallel_loop3A_407, %parallel_loop3A_396 : i32
      %parallel_loop3A_409 = arith.index_cast %parallel_loop3A_408 : i32 to index
      %parallel_loop3A_410 = arith.constant 0 : index
      %parallel_loop3A_411 = tpu.vector_load %arg11[%parallel_loop3A_409, %parallel_loop3A_410] {strides = array<i32>} : memref<2560x16xf32, #tpu.memory_space<vmem>>, vector<16xf32>,
      tpu.vector_store %arg11[%parallel_loop3A_409, %parallel_loop3A_410], %parallel_loop3A_399 {strides = array<i32>} : memref<2560x16xf32, #tpu.memory_space<vmem>>, vector<16xf32>,
      %parallel_loop3A_412 = arith.constant 16 : i32
      %parallel_loop3A_413 = arith.muli %parallel_loop3A_108, %parallel_loop3A_412 : i32
      %parallel_loop3A_414 = arith.constant 13 : i32
      %parallel_loop3A_415 = arith.addi %parallel_loop3A_413, %parallel_loop3A_414 : i32
      %parallel_loop3A_416 = vector.extract_strided_slice %parallel_loop3A_164 {offsets = [13], sizes = [1], strides = [1]} : vector<16xf32> to vector<1xf32>
      %parallel_loop3A_417 = vector.extract %parallel_loop3A_416[0] : f32 from vector<1xf32>
      %parallel_loop3A_418 = vector.broadcast %parallel_loop3A_417 : f32 to vector<16xf32>
      %parallel_loop3A_419 = arith.index_cast %parallel_loop3A_415 : i32 to index
      %parallel_loop3A_420 = arith.constant 0 : index
      %parallel_loop3A_421 = tpu.vector_load %arg11[%parallel_loop3A_419, %parallel_loop3A_420] {strides = array<i32>} : memref<2560x16xf32, #tpu.memory_space<vmem>>, vector<16xf32>,
      %parallel_loop3A_422 = arith.mulf %parallel_loop3A_418, %parallel_loop3A_421 : vector<16xf32>
      %parallel_loop3A_423 = arith.index_cast %parallel_loop3A_415 : i32 to index
      %parallel_loop3A_424 = arith.constant 0 : index
      %parallel_loop3A_425 = tpu.vector_load %arg13[%parallel_loop3A_423, %parallel_loop3A_424] {strides = array<i32>} : memref<640x16xf32, #tpu.memory_space<vmem>>, vector<16xf32>,
      tpu.vector_store %arg13[%parallel_loop3A_423, %parallel_loop3A_424], %parallel_loop3A_422 {strides = array<i32>} : memref<640x16xf32, #tpu.memory_space<vmem>>, vector<16xf32>,
      %parallel_loop3A_426 = arith.constant 640 : i32
      %parallel_loop3A_427 = arith.addi %parallel_loop3A_426, %parallel_loop3A_415 : i32
      %parallel_loop3A_428 = arith.index_cast %parallel_loop3A_427 : i32 to index
      %parallel_loop3A_429 = arith.constant 0 : index
      %parallel_loop3A_430 = tpu.vector_load %arg11[%parallel_loop3A_428, %parallel_loop3A_429] {strides = array<i32>} : memref<2560x16xf32, #tpu.memory_space<vmem>>, vector<16xf32>,
      tpu.vector_store %arg11[%parallel_loop3A_428, %parallel_loop3A_429], %parallel_loop3A_418 {strides = array<i32>} : memref<2560x16xf32, #tpu.memory_space<vmem>>, vector<16xf32>,
      %parallel_loop3A_431 = arith.constant 16 : i32
      %parallel_loop3A_432 = arith.muli %parallel_loop3A_108, %parallel_loop3A_431 : i32
      %parallel_loop3A_433 = arith.constant 14 : i32
      %parallel_loop3A_434 = arith.addi %parallel_loop3A_432, %parallel_loop3A_433 : i32
      %parallel_loop3A_435 = vector.extract_strided_slice %parallel_loop3A_164 {offsets = [14], sizes = [1], strides = [1]} : vector<16xf32> to vector<1xf32>
      %parallel_loop3A_436 = vector.extract %parallel_loop3A_435[0] : f32 from vector<1xf32>
      %parallel_loop3A_437 = vector.broadcast %parallel_loop3A_436 : f32 to vector<16xf32>
      %parallel_loop3A_438 = arith.index_cast %parallel_loop3A_434 : i32 to index
      %parallel_loop3A_439 = arith.constant 0 : index
      %parallel_loop3A_440 = tpu.vector_load %arg11[%parallel_loop3A_438, %parallel_loop3A_439] {strides = array<i32>} : memref<2560x16xf32, #tpu.memory_space<vmem>>, vector<16xf32>,
      %parallel_loop3A_441 = arith.mulf %parallel_loop3A_437, %parallel_loop3A_440 : vector<16xf32>
      %parallel_loop3A_442 = arith.index_cast %parallel_loop3A_434 : i32 to index
      %parallel_loop3A_443 = arith.constant 0 : index
      %parallel_loop3A_444 = tpu.vector_load %arg13[%parallel_loop3A_442, %parallel_loop3A_443] {strides = array<i32>} : memref<640x16xf32, #tpu.memory_space<vmem>>, vector<16xf32>,
      tpu.vector_store %arg13[%parallel_loop3A_442, %parallel_loop3A_443], %parallel_loop3A_441 {strides = array<i32>} : memref<640x16xf32, #tpu.memory_space<vmem>>, vector<16xf32>,
      %parallel_loop3A_445 = arith.constant 640 : i32
      %parallel_loop3A_446 = arith.addi %parallel_loop3A_445, %parallel_loop3A_434 : i32
      %parallel_loop3A_447 = arith.index_cast %parallel_loop3A_446 : i32 to index
      %parallel_loop3A_448 = arith.constant 0 : index
      %parallel_loop3A_449 = tpu.vector_load %arg11[%parallel_loop3A_447, %parallel_loop3A_448] {strides = array<i32>} : memref<2560x16xf32, #tpu.memory_space<vmem>>, vector<16xf32>,
      tpu.vector_store %arg11[%parallel_loop3A_447, %parallel_loop3A_448], %parallel_loop3A_437 {strides = array<i32>} : memref<2560x16xf32, #tpu.memory_space<vmem>>, vector<16xf32>,
      %parallel_loop3A_450 = arith.constant 16 : i32
      %parallel_loop3A_451 = arith.muli %parallel_loop3A_108, %parallel_loop3A_450 : i32
      %parallel_loop3A_452 = arith.constant 15 : i32
      %parallel_loop3A_453 = arith.addi %parallel_loop3A_451, %parallel_loop3A_452 : i32
      %parallel_loop3A_454 = vector.extract_strided_slice %parallel_loop3A_164 {offsets = [15], sizes = [1], strides = [1]} : vector<16xf32> to vector<1xf32>
      %parallel_loop3A_455 = vector.extract %parallel_loop3A_454[0] : f32 from vector<1xf32>
      %parallel_loop3A_456 = vector.broadcast %parallel_loop3A_455 : f32 to vector<16xf32>
      %parallel_loop3A_457 = arith.index_cast %parallel_loop3A_453 : i32 to index
      %parallel_loop3A_458 = arith.constant 0 : index
      %parallel_loop3A_459 = tpu.vector_load %arg11[%parallel_loop3A_457, %parallel_loop3A_458] {strides = array<i32>} : memref<2560x16xf32, #tpu.memory_space<vmem>>, vector<16xf32>,
      %parallel_loop3A_460 = arith.mulf %parallel_loop3A_456, %parallel_loop3A_459 : vector<16xf32>
      %parallel_loop3A_461 = arith.index_cast %parallel_loop3A_453 : i32 to index
      %parallel_loop3A_462 = arith.constant 0 : index
      %parallel_loop3A_463 = tpu.vector_load %arg13[%parallel_loop3A_461, %parallel_loop3A_462] {strides = array<i32>} : memref<640x16xf32, #tpu.memory_space<vmem>>, vector<16xf32>,
      tpu.vector_store %arg13[%parallel_loop3A_461, %parallel_loop3A_462], %parallel_loop3A_460 {strides = array<i32>} : memref<640x16xf32, #tpu.memory_space<vmem>>, vector<16xf32>,
      %parallel_loop3A_464 = arith.constant 640 : i32
      %parallel_loop3A_465 = arith.addi %parallel_loop3A_464, %parallel_loop3A_453 : i32
      %parallel_loop3A_466 = arith.index_cast %parallel_loop3A_465 : i32 to index
      %parallel_loop3A_467 = arith.constant 0 : index
      %parallel_loop3A_468 = tpu.vector_load %arg11[%parallel_loop3A_466, %parallel_loop3A_467] {strides = array<i32>} : memref<2560x16xf32, #tpu.memory_space<vmem>>, vector<16xf32>,
      tpu.vector_store %arg11[%parallel_loop3A_466, %parallel_loop3A_467], %parallel_loop3A_456 {strides = array<i32>} : memref<2560x16xf32, #tpu.memory_space<vmem>>, vector<16xf32>,
    } {sc.loop_unroll_factor = 2 : i64, sc.parallel_access}
    "tpu.region"() ({
      %run_scoped3A = tpu.sem_alloc : memref<!tpu.dma_semaphore, #tpu.memory_space<semaphore_mem>>
      %dma_start3A_108 = arith.constant 0 : i32
      %dma_start3A_109 = tpu.memref_slice %arg15[%mul3A_2, %dma_start3A_108] : memref<10240x16xf32, #tpu.memory_space<vmem_shared>> -> memref<640x16xf32, #tpu.memory_space<vmem_shared>>
      %dma_start3A_110 = arith.constant 0 : i32
      %dma_start3A_111 = tpu.memref_slice %arg15[%mul3A_2, %dma_start3A_110] : memref<10240x16xf32, #tpu.memory_space<vmem_shared>> -> memref<640x16xf32, #tpu.memory_space<vmem_shared>>
      tpu.enqueue_dma source(%arg13 : memref<640x16xf32, #tpu.memory_space<vmem>>) target(%dma_start3A_111 : memref<640x16xf32, #tpu.memory_space<vmem_shared>>) target_semaphore(%run_scoped3A : memref<!tpu.dma_semaphore, #tpu.memory_space<semaphore_mem>>)
      %dma_wait3A_112 = arith.constant 0 : i32
      %dma_wait3A_113 = tpu.memref_slice %arg15[%mul3A_2, %dma_wait3A_112] : memref<10240x16xf32, #tpu.memory_space<vmem_shared>> -> memref<640x16xf32, #tpu.memory_space<vmem_shared>>
      %dma_wait3A_114 = arith.constant 0 : i32
      %dma_wait3A_115 = tpu.memref_slice %arg15[%mul3A_2, %dma_wait3A_114] : memref<10240x16xf32, #tpu.memory_space<vmem_shared>> -> memref<640x16xf32, #tpu.memory_space<vmem_shared>>
      tpu.wait_dma2 semaphore(%run_scoped3A : memref<!tpu.dma_semaphore, #tpu.memory_space<semaphore_mem>>) src(%arg13 : memref<640x16xf32, #tpu.memory_space<vmem>>) dst(%dma_wait3A_115 : memref<640x16xf32, #tpu.memory_space<vmem_shared>>)
      tpu.yield
    }) : () -> ()
    %eq3A = arith.constant 0 : i32
    %eq3A_64 = arith.cmpi eq, %arg0, %eq3A : i32
    %convert_element_type3A = arith.extui %eq3A_64 : i1 to i32
    %cond3A = arith.constant 0 : i32
    %cond3A_65 = arith.cmpi ne, %convert_element_type3A, %cond3A : i32
    scf.if %cond3A_65 {
      "tpu.region"() ({
        %run_scoped3A = tpu.sem_alloc : memref<!tpu.dma_semaphore, #tpu.memory_space<semaphore_mem>>
        %dma_start3A_108 = arith.constant 0 : i32
        %dma_start3A_109 = tpu.memref_slice %arg7[%mul3A_2, %dma_start3A_108] : memref<10240x16xf32, #tpu.memory_space<hbm>> -> memref<640x16xf32, #tpu.memory_space<hbm>>
        %dma_start3A_110 = arith.constant 0 : i32
        %dma_start3A_111 = tpu.memref_slice %arg7[%mul3A_2, %dma_start3A_110] : memref<10240x16xf32, #tpu.memory_space<hbm>> -> memref<640x16xf32, #tpu.memory_space<hbm>>
        tpu.enqueue_dma source(%arg13 : memref<640x16xf32, #tpu.memory_space<vmem>>) target(%dma_start3A_111 : memref<640x16xf32, #tpu.memory_space<hbm>>) target_semaphore(%run_scoped3A : memref<!tpu.dma_semaphore, #tpu.memory_space<semaphore_mem>>)
        %dma_wait3A_112 = arith.constant 0 : i32
        %dma_wait3A_113 = tpu.memref_slice %arg7[%mul3A_2, %dma_wait3A_112] : memref<10240x16xf32, #tpu.memory_space<hbm>> -> memref<640x16xf32, #tpu.memory_space<hbm>>
        %dma_wait3A_114 = arith.constant 0 : i32
        %dma_wait3A_115 = tpu.memref_slice %arg7[%mul3A_2, %dma_wait3A_114] : memref<10240x16xf32, #tpu.memory_space<hbm>> -> memref<640x16xf32, #tpu.memory_space<hbm>>
        tpu.wait_dma2 semaphore(%run_scoped3A : memref<!tpu.dma_semaphore, #tpu.memory_space<semaphore_mem>>) src(%arg13 : memref<640x16xf32, #tpu.memory_space<vmem>>) dst(%dma_wait3A_115 : memref<640x16xf32, #tpu.memory_space<hbm>>)
        tpu.yield
      }) : () -> ()
      "tpu.region"() ({
        %run_scoped3A = tpu.sem_alloc : memref<!tpu.dma_semaphore, #tpu.memory_space<semaphore_mem>>
        %dma_start3A_108 = arith.constant 640 : i32
        %dma_start3A_109 = arith.constant 0 : i32
        %dma_start3A_110 = tpu.memref_slice %arg11[%dma_start3A_108, %dma_start3A_109] : memref<2560x16xf32, #tpu.memory_space<vmem>> -> memref<640x16xf32, #tpu.memory_space<vmem>>
        %dma_start3A_111 = arith.constant 0 : i32
        %dma_start3A_112 = tpu.memref_slice %arg8[%mul3A_2, %dma_start3A_111] : memref<10240x16xf32, #tpu.memory_space<hbm>> -> memref<640x16xf32, #tpu.memory_space<hbm>>
        %dma_start3A_113 = arith.constant 0 : i32
        %dma_start3A_114 = tpu.memref_slice %arg8[%mul3A_2, %dma_start3A_113] : memref<10240x16xf32, #tpu.memory_space<hbm>> -> memref<640x16xf32, #tpu.memory_space<hbm>>
        %dma_start3A_115 = arith.constant 640 : i32
        %dma_start3A_116 = arith.constant 0 : i32
        %dma_start3A_117 = tpu.memref_slice %arg11[%dma_start3A_115, %dma_start3A_116] : memref<2560x16xf32, #tpu.memory_space<vmem>> -> memref<640x16xf32, #tpu.memory_space<vmem>>
        tpu.enqueue_dma source(%dma_start3A_117 : memref<640x16xf32, #tpu.memory_space<vmem>>) target(%dma_start3A_114 : memref<640x16xf32, #tpu.memory_space<hbm>>) target_semaphore(%run_scoped3A : memref<!tpu.dma_semaphore, #tpu.memory_space<semaphore_mem>>)
        %dma_wait3A_118 = arith.constant 640 : i32
        %dma_wait3A_119 = arith.constant 0 : i32
        %dma_wait3A_120 = tpu.memref_slice %arg11[%dma_wait3A_118, %dma_wait3A_119] : memref<2560x16xf32, #tpu.memory_space<vmem>> -> memref<640x16xf32, #tpu.memory_space<vmem>>
        %dma_wait3A_121 = arith.constant 0 : i32
        %dma_wait3A_122 = tpu.memref_slice %arg8[%mul3A_2, %dma_wait3A_121] : memref<10240x16xf32, #tpu.memory_space<hbm>> -> memref<640x16xf32, #tpu.memory_space<hbm>>
        %dma_wait3A_123 = arith.constant 0 : i32
        %dma_wait3A_124 = tpu.memref_slice %arg8[%mul3A_2, %dma_wait3A_123] : memref<10240x16xf32, #tpu.memory_space<hbm>> -> memref<640x16xf32, #tpu.memory_space<hbm>>
        %dma_wait3A_125 = arith.constant 640 : i32
        %dma_wait3A_126 = arith.constant 0 : i32
        %dma_wait3A_127 = tpu.memref_slice %arg11[%dma_wait3A_125, %dma_wait3A_126] : memref<2560x16xf32, #tpu.memory_space<vmem>> -> memref<640x16xf32, #tpu.memory_space<vmem>>
        tpu.wait_dma2 semaphore(%run_scoped3A : memref<!tpu.dma_semaphore, #tpu.memory_space<semaphore_mem>>) src(%dma_wait3A_127 : memref<640x16xf32, #tpu.memory_space<vmem>>) dst(%dma_wait3A_124 : memref<640x16xf32, #tpu.memory_space<hbm>>)
        tpu.yield
      }) : () -> ()
    } else {
    }
    %barrier3A = arith.constant 0 : index
    tpu.barrier barrier_id(%barrier3A)
    %dma_start3A_66 = arith.constant 0 : i32
    %dma_start3A_67 = tpu.memref_slice %arg9[%dma_start3A_66] : memref<5120xi32, #tpu.memory_space<vmem>> -> memref<2560xi32, #tpu.memory_space<vmem>>
    %dma_start3A_68 = arith.constant 0 : i32
    %dma_start3A_69 = arith.constant 0 : i32
    %dma_start3A_70 = tpu.memref_slice %arg15[%dma_start3A_68, %dma_start3A_69] : memref<10240x16xf32, #tpu.memory_space<vmem_shared>> -> memref<10240x16xf32, #tpu.memory_space<vmem_shared>>
    tpu.enqueue_indirect_dma source(%dma_start3A_70 : memref<10240x16xf32, #tpu.memory_space<vmem_shared>>) target(%arg11 : memref<2560x16xf32, #tpu.memory_space<vmem>>) offsets(%dma_start3A_67 : memref<2560xi32, #tpu.memory_space<vmem>>) semaphore(%arg17 : memref<!tpu.dma_semaphore, #tpu.memory_space<semaphore_mem>>)
    %dma_start3A_71 = arith.constant 2560 : i32
    %dma_start3A_72 = tpu.memref_slice %arg9[%dma_start3A_71] : memref<5120xi32, #tpu.memory_space<vmem>> -> memref<2560xi32, #tpu.memory_space<vmem>>
    %dma_start3A_73 = arith.constant 0 : i32
    %dma_start3A_74 = arith.constant 0 : i32
    %dma_start3A_75 = tpu.memref_slice %arg15[%dma_start3A_73, %dma_start3A_74] : memref<10240x16xf32, #tpu.memory_space<vmem_shared>> -> memref<10240x16xf32, #tpu.memory_space<vmem_shared>>
    tpu.enqueue_indirect_dma source(%dma_start3A_75 : memref<10240x16xf32, #tpu.memory_space<vmem_shared>>) target(%arg12 : memref<2560x16xf32, #tpu.memory_space<vmem>>) offsets(%dma_start3A_72 : memref<2560xi32, #tpu.memory_space<vmem>>) semaphore(%arg18 : memref<!tpu.dma_semaphore, #tpu.memory_space<semaphore_mem>>)
    %dma_wait3A_76 = arith.constant 0 : i32
    %dma_wait3A_77 = tpu.memref_slice %arg9[%dma_wait3A_76] : memref<5120xi32, #tpu.memory_space<vmem>> -> memref<2560xi32, #tpu.memory_space<vmem>>
    %dma_wait3A_78 = arith.constant 0 : i32
    %dma_wait3A_79 = arith.constant 0 : i32
    %dma_wait3A_80 = tpu.memref_slice %arg15[%dma_wait3A_78, %dma_wait3A_79] : memref<10240x16xf32, #tpu.memory_space<vmem_shared>> -> memref<10240x16xf32, #tpu.memory_space<vmem_shared>>
    tpu.wait_indirect_dma semaphore(%arg17 : memref<!tpu.dma_semaphore, #tpu.memory_space<semaphore_mem>>) src(%dma_wait3A_80 : memref<10240x16xf32, #tpu.memory_space<vmem_shared>>) dst(%arg11 : memref<2560x16xf32, #tpu.memory_space<vmem>>)
    %scan3A = arith.constant 0 : i32
    %scan3A_81 = arith.constant 0 : i32
    %scan3A_82 = arith.constant 20 : i32
    %scan3A_83 = arith.addi %scan3A_81, %scan3A_82 : i32
    %scan3A_84 = arith.constant 1 : i32
    scf.for %scan3A_108 = %scan3A_81 to %scan3A_83 step %scan3A_84  : i32 {
      %mul3A_109 = arith.constant 128 : i32
      %mul3A_110 = arith.muli %scan3A_108, %mul3A_109 : i32
      %dma_start3A_111 = arith.constant 0 : i32
      %dma_start3A_112 = tpu.memref_slice %arg11[%mul3A_110, %dma_start3A_111] : memref<2560x16xf32, #tpu.memory_space<vmem>> -> memref<128x16xf32, #tpu.memory_space<vmem>>
      %dma_start3A_113 = arith.constant 0 : i32
      %dma_start3A_114 = tpu.memref_slice %arg10[%scan3A_108, %dma_start3A_113] : memref<40x128xi32, #tpu.memory_space<vmem>> -> memref<1x128xi32, #tpu.memory_space<vmem>>
      %dma_start3A_115 = tpu.memref_squeeze %dma_start3A_114 : memref<1x128xi32, #tpu.memory_space<vmem>> -> memref<128xi32, #tpu.memory_space<vmem>>
      %dma_start3A_116 = arith.constant 0 : i32
      %dma_start3A_117 = arith.constant 0 : i32
      %dma_start3A_118 = tpu.memref_slice %arg16[%dma_start3A_116, %dma_start3A_117] : memref<10240x16xf32, #tpu.memory_space<vmem_shared>> -> memref<10240x16xf32, #tpu.memory_space<vmem_shared>>
      tpu.enqueue_indirect_dma source(%dma_start3A_112 : memref<128x16xf32, #tpu.memory_space<vmem>>) target(%dma_start3A_118 : memref<10240x16xf32, #tpu.memory_space<vmem_shared>>) offsets(%dma_start3A_115 : memref<128xi32, #tpu.memory_space<vmem>>) semaphore(%arg19 : memref<!tpu.dma_semaphore, #tpu.memory_space<semaphore_mem>>) {add = true}
    }
    %scan3A_85 = arith.constant 20 : i32
    %dma_wait3A_86 = arith.constant 2560 : i32
    %dma_wait3A_87 = tpu.memref_slice %arg9[%dma_wait3A_86] : memref<5120xi32, #tpu.memory_space<vmem>> -> memref<2560xi32, #tpu.memory_space<vmem>>
    %dma_wait3A_88 = arith.constant 0 : i32
    %dma_wait3A_89 = arith.constant 0 : i32
    %dma_wait3A_90 = tpu.memref_slice %arg15[%dma_wait3A_88, %dma_wait3A_89] : memref<10240x16xf32, #tpu.memory_space<vmem_shared>> -> memref<10240x16xf32, #tpu.memory_space<vmem_shared>>
    tpu.wait_indirect_dma semaphore(%arg18 : memref<!tpu.dma_semaphore, #tpu.memory_space<semaphore_mem>>) src(%dma_wait3A_90 : memref<10240x16xf32, #tpu.memory_space<vmem_shared>>) dst(%arg12 : memref<2560x16xf32, #tpu.memory_space<vmem>>)
    %scan3A_91 = arith.constant 0 : i32
    %scan3A_92 = arith.constant 20 : i32
    %scan3A_93 = arith.constant 20 : i32
    %scan3A_94 = arith.addi %scan3A_92, %scan3A_93 : i32
    %scan3A_95 = arith.constant 1 : i32
    scf.for %scan3A_108 = %scan3A_92 to %scan3A_94 step %scan3A_95  : i32 {
      %sub3A = arith.constant 20 : i32
      %sub3A_109 = arith.subi %scan3A_108, %sub3A : i32
      %mul3A_110 = arith.constant 128 : i32
      %mul3A_111 = arith.muli %sub3A_109, %mul3A_110 : i32
      %dma_start3A_112 = arith.constant 0 : i32
      %dma_start3A_113 = tpu.memref_slice %arg12[%mul3A_111, %dma_start3A_112] : memref<2560x16xf32, #tpu.memory_space<vmem>> -> memref<128x16xf32, #tpu.memory_space<vmem>>
      %dma_start3A_114 = arith.constant 0 : i32
      %dma_start3A_115 = tpu.memref_slice %arg10[%scan3A_108, %dma_start3A_114] : memref<40x128xi32, #tpu.memory_space<vmem>> -> memref<1x128xi32, #tpu.memory_space<vmem>>
      %dma_start3A_116 = tpu.memref_squeeze %dma_start3A_115 : memref<1x128xi32, #tpu.memory_space<vmem>> -> memref<128xi32, #tpu.memory_space<vmem>>
      %dma_start3A_117 = arith.constant 0 : i32
      %dma_start3A_118 = arith.constant 0 : i32
      %dma_start3A_119 = tpu.memref_slice %arg16[%dma_start3A_117, %dma_start3A_118] : memref<10240x16xf32, #tpu.memory_space<vmem_shared>> -> memref<10240x16xf32, #tpu.memory_space<vmem_shared>>
      tpu.enqueue_indirect_dma source(%dma_start3A_113 : memref<128x16xf32, #tpu.memory_space<vmem>>) target(%dma_start3A_119 : memref<10240x16xf32, #tpu.memory_space<vmem_shared>>) offsets(%dma_start3A_116 : memref<128xi32, #tpu.memory_space<vmem>>) semaphore(%arg19 : memref<!tpu.dma_semaphore, #tpu.memory_space<semaphore_mem>>) {add = true}
    }
    %scan3A_96 = arith.constant 20 : i32
    %scan3A_97 = arith.constant 0 : i32
    %scan3A_98 = arith.constant 0 : i32
    %scan3A_99 = arith.constant 40 : i32
    %scan3A_100 = arith.addi %scan3A_98, %scan3A_99 : i32
    %scan3A_101 = arith.constant 1 : i32
    scf.for %scan3A_108 = %scan3A_98 to %scan3A_100 step %scan3A_101  : i32 {
      %dma_wait3A_109 = arith.constant 0 : i32
      %dma_wait3A_110 = arith.constant 0 : i32
      %dma_wait3A_111 = tpu.memref_slice %arg11[%dma_wait3A_109, %dma_wait3A_110] : memref<2560x16xf32, #tpu.memory_space<vmem>> -> memref<128x16xf32, #tpu.memory_space<vmem>>
      %dma_wait3A_112 = arith.constant 0 : i32
      %dma_wait3A_113 = tpu.memref_slice %arg10[%scan3A_108, %dma_wait3A_112] : memref<40x128xi32, #tpu.memory_space<vmem>> -> memref<1x128xi32, #tpu.memory_space<vmem>>
      %dma_wait3A_114 = tpu.memref_squeeze %dma_wait3A_113 : memref<1x128xi32, #tpu.memory_space<vmem>> -> memref<128xi32, #tpu.memory_space<vmem>>
      %dma_wait3A_115 = arith.constant 0 : i32
      %dma_wait3A_116 = arith.constant 0 : i32
      %dma_wait3A_117 = tpu.memref_slice %arg16[%dma_wait3A_115, %dma_wait3A_116] : memref<10240x16xf32, #tpu.memory_space<vmem_shared>> -> memref<10240x16xf32, #tpu.memory_space<vmem_shared>>
      tpu.wait_indirect_dma semaphore(%arg19 : memref<!tpu.dma_semaphore, #tpu.memory_space<semaphore_mem>>) src(%dma_wait3A_111 : memref<128x16xf32, #tpu.memory_space<vmem>>) dst(%dma_wait3A_117 : memref<10240x16xf32, #tpu.memory_space<vmem_shared>>)
    }
    %scan3A_102 = arith.constant 40 : i32
    %barrier3A_103 = arith.constant 0 : index
    tpu.barrier barrier_id(%barrier3A_103)
    %mul3A_104 = arith.constant 640 : i32
    %mul3A_105 = arith.muli %arg1, %mul3A_104 : i32
    "tpu.region"() ({
      %run_scoped3A = tpu.sem_alloc : memref<!tpu.dma_semaphore, #tpu.memory_space<semaphore_mem>>
      %dma_start3A_108 = arith.constant 0 : i32
      %dma_start3A_109 = tpu.memref_slice %arg16[%mul3A_105, %dma_start3A_108] : memref<10240x16xf32, #tpu.memory_space<vmem_shared>> -> memref<640x16xf32, #tpu.memory_space<vmem_shared>>
      %dma_start3A_110 = arith.constant 0 : i32
      %dma_start3A_111 = tpu.memref_slice %arg16[%mul3A_105, %dma_start3A_110] : memref<10240x16xf32, #tpu.memory_space<vmem_shared>> -> memref<640x16xf32, #tpu.memory_space<vmem_shared>>
      tpu.enqueue_dma source(%dma_start3A_111 : memref<640x16xf32, #tpu.memory_space<vmem_shared>>) target(%arg13 : memref<640x16xf32, #tpu.memory_space<vmem>>) target_semaphore(%run_scoped3A : memref<!tpu.dma_semaphore, #tpu.memory_space<semaphore_mem>>)
      %dma_wait3A_112 = arith.constant 0 : i32
      %dma_wait3A_113 = tpu.memref_slice %arg16[%mul3A_105, %dma_wait3A_112] : memref<10240x16xf32, #tpu.memory_space<vmem_shared>> -> memref<640x16xf32, #tpu.memory_space<vmem_shared>>
      %dma_wait3A_114 = arith.constant 0 : i32
      %dma_wait3A_115 = tpu.memref_slice %arg16[%mul3A_105, %dma_wait3A_114] : memref<10240x16xf32, #tpu.memory_space<vmem_shared>> -> memref<640x16xf32, #tpu.memory_space<vmem_shared>>
      tpu.wait_dma2 semaphore(%run_scoped3A : memref<!tpu.dma_semaphore, #tpu.memory_space<semaphore_mem>>) src(%dma_wait3A_115 : memref<640x16xf32, #tpu.memory_space<vmem_shared>>) dst(%arg13 : memref<640x16xf32, #tpu.memory_space<vmem>>)
      tpu.yield
    }) : () -> ()
    %mul3A_106 = arith.constant 640 : i32
    %mul3A_107 = arith.muli %arg1, %mul3A_106 : i32
    "tpu.region"() ({
      %run_scoped3A = tpu.sem_alloc : memref<!tpu.dma_semaphore, #tpu.memory_space<semaphore_mem>>
      %dma_start3A_108 = arith.constant 0 : i32
      %dma_start3A_109 = tpu.memref_slice %arg6[%arg0, %mul3A_107, %dma_start3A_108] : memref<2x10240x16xf32, #tpu.memory_space<hbm>> -> memref<1x640x16xf32, #tpu.memory_space<hbm>>
      %dma_start3A_110 = tpu.memref_squeeze %dma_start3A_109 : memref<1x640x16xf32, #tpu.memory_space<hbm>> -> memref<640x16xf32, #tpu.memory_space<hbm>>
      %dma_start3A_111 = arith.constant 0 : i32
      %dma_start3A_112 = tpu.memref_slice %arg6[%arg0, %mul3A_107, %dma_start3A_111] : memref<2x10240x16xf32, #tpu.memory_space<hbm>> -> memref<1x640x16xf32, #tpu.memory_space<hbm>>
      %dma_start3A_113 = tpu.memref_squeeze %dma_start3A_112 : memref<1x640x16xf32, #tpu.memory_space<hbm>> -> memref<640x16xf32, #tpu.memory_space<hbm>>
      tpu.enqueue_dma source(%arg13 : memref<640x16xf32, #tpu.memory_space<vmem>>) target(%dma_start3A_113 : memref<640x16xf32, #tpu.memory_space<hbm>>) target_semaphore(%run_scoped3A : memref<!tpu.dma_semaphore, #tpu.memory_space<semaphore_mem>>)
      %dma_wait3A_114 = arith.constant 0 : i32
      %dma_wait3A_115 = tpu.memref_slice %arg6[%arg0, %mul3A_107, %dma_wait3A_114] : memref<2x10240x16xf32, #tpu.memory_space<hbm>> -> memref<1x640x16xf32, #tpu.memory_space<hbm>>
      %dma_wait3A_116 = tpu.memref_squeeze %dma_wait3A_115 : memref<1x640x16xf32, #tpu.memory_space<hbm>> -> memref<640x16xf32, #tpu.memory_space<hbm>>
      %dma_wait3A_117 = arith.constant 0 : i32
      %dma_wait3A_118 = tpu.memref_slice %arg6[%arg0, %mul3A_107, %dma_wait3A_117] : memref<2x10240x16xf32, #tpu.memory_space<hbm>> -> memref<1x640x16xf32, #tpu.memory_space<hbm>>
      %dma_wait3A_119 = tpu.memref_squeeze %dma_wait3A_118 : memref<1x640x16xf32, #tpu.memory_space<hbm>> -> memref<640x16xf32, #tpu.memory_space<hbm>>
      tpu.wait_dma2 semaphore(%run_scoped3A : memref<!tpu.dma_semaphore, #tpu.memory_space<semaphore_mem>>) src(%arg13 : memref<640x16xf32, #tpu.memory_space<vmem>>) dst(%dma_wait3A_119 : memref<640x16xf32, #tpu.memory_space<hbm>>)
      tpu.yield
    }) : () -> ()
    return
  }
}

module attributes {stable_mosaic.version = 14 : i64} {
  func.func @_mm_body(%arg0: i32, %arg1: memref<2000x256xf32, #tpu.memory_space<vmem>>, %arg2: memref<256x16xf32, #tpu.memory_space<vmem>>, %arg3: memref<2000x16xf32, #tpu.memory_space<vmem>>) attributes {dimension_semantics = [#tpu.dimension_semantics<arbitrary>], iteration_bounds = array<i64: 5>, scalar_prefetch = 0 : i64, scratch_operands = 0 : i64, tpu.core_type = #tpu.core_type<tc>, window_params = [{transform_indices = @transform_0, window_bounds = array<i64: 2000, 256>}, {pipeline_mode = #tpu.pipeline_mode<synchronous>, transform_indices = @transform_1, window_bounds = array<i64: 256, 16>}, {transform_indices = @transform_2, window_bounds = array<i64: 2000, 16>}]} {
    %get3A = arith.constant 0 : index
    %get3A_0 = arith.constant 0 : index
    %get3A_1 = vector.load %arg1[%get3A, %get3A_0] : memref<2000x256xf32, #tpu.memory_space<vmem>>, vector<2000x256xf32>
    %get3A_2 = arith.constant 0 : index
    %get3A_3 = arith.constant 0 : index
    %get3A_4 = vector.load %arg2[%get3A_2, %get3A_3] : memref<256x16xf32, #tpu.memory_space<vmem>>, vector<256x16xf32>
    %dot_general3A = arith.constant dense<0.000000e+00> : vector<2000x16xf32>
    %dot_general3A_5 = tpu.matmul %get3A_1, %get3A_4, %dot_general3A {dimension_numbers = #tpu.dot_dimension_numbers<[1], [0], [0], [1], [0, 0, 1, 1], [], []>, transpose_lhs_hint = false} : vector<2000x256xf32>, vector<256x16xf32>, vector<2000x16xf32> -> vector<2000x16xf32>
    %swap3A = arith.constant 0 : index
    %swap3A_6 = arith.constant 0 : index
    %swap3A_7 = vector.load %arg3[%swap3A, %swap3A_6] : memref<2000x16xf32, #tpu.memory_space<vmem>>, vector<2000x16xf32>
    tpu.vector_store %arg3[%swap3A, %swap3A_6], %dot_general3A_5 {strides = array<i32>} : memref<2000x16xf32, #tpu.memory_space<vmem>>, vector<2000x16xf32>,
    return
  }
  func.func @transform_0(%arg0: i32) -> (i32, i32) {
    %c0_i32 = arith.constant 0 : i32
    %c0_i32_0 = arith.constant 0 : i32
    return %arg0, %c0_i32 : i32, i32
  }
  func.func @transform_1(%arg0: i32) -> (i32, i32) {
    %c0_i32 = arith.constant 0 : i32
    %c0_i32_0 = arith.constant 0 : i32
    %c0_i32_1 = arith.constant 0 : i32
    return %c0_i32, %c0_i32_0 : i32, i32
  }
  func.func @transform_2(%arg0: i32) -> (i32, i32) {
    %c0_i32 = arith.constant 0 : i32
    %c0_i32_0 = arith.constant 0 : i32
    return %arg0, %c0_i32 : i32, i32
  }
}

module attributes {stable_mosaic.version = 14 : i64} {
  func.func @_tc3_body(%arg0: i32, %arg1: memref<2x2000x16xf32, #tpu.memory_space<vmem>>, %arg2: memref<2000x16xf32, #tpu.memory_space<vmem>>, %arg3: memref<2000x16xf32, #tpu.memory_space<vmem>>, %arg4: memref<16x64xf32, #tpu.memory_space<vmem>>, %arg5: memref<1x64xf32, #tpu.memory_space<vmem>>, %arg6: memref<2000x64xf32, #tpu.memory_space<vmem>>) attributes {dimension_semantics = [#tpu.dimension_semantics<arbitrary>], iteration_bounds = array<i64: 5>, scalar_prefetch = 0 : i64, scratch_operands = 0 : i64, tpu.core_type = #tpu.core_type<tc>, window_params = [{transform_indices = @transform_0, window_bounds = array<i64: 2, 2000, 16>}, {transform_indices = @transform_1, window_bounds = array<i64: 2000, 16>}, {transform_indices = @transform_2, window_bounds = array<i64: 2000, 16>}, {pipeline_mode = #tpu.pipeline_mode<synchronous>, transform_indices = @transform_3, window_bounds = array<i64: 16, 64>}, {pipeline_mode = #tpu.pipeline_mode<synchronous>, transform_indices = @transform_4, window_bounds = array<i64: 1, 64>}, {transform_indices = @transform_5, window_bounds = array<i64: 2000, 64>}]} {
    %get3A = arith.constant 0 : index
    %get3A_0 = arith.constant 0 : index
    %get3A_1 = arith.constant 0 : index
    %get3A_2 = vector.load %arg1[%get3A, %get3A_0, %get3A_1] : memref<2x2000x16xf32, #tpu.memory_space<vmem>>, vector<1x2000x16xf32>
    %get3A_3 = vector.shape_cast %get3A_2 : vector<1x2000x16xf32> to vector<2000x16xf32>
    %get3A_4 = arith.constant 1 : index
    %get3A_5 = arith.constant 0 : index
    %get3A_6 = arith.constant 0 : index
    %get3A_7 = vector.load %arg1[%get3A_4, %get3A_5, %get3A_6] : memref<2x2000x16xf32, #tpu.memory_space<vmem>>, vector<1x2000x16xf32>
    %get3A_8 = vector.shape_cast %get3A_7 : vector<1x2000x16xf32> to vector<2000x16xf32>
    %add3A = arith.addf %get3A_3, %get3A_8 : vector<2000x16xf32>
    %get3A_9 = arith.constant 0 : index
    %get3A_10 = arith.constant 0 : index
    %get3A_11 = vector.load %arg2[%get3A_9, %get3A_10] : memref<2000x16xf32, #tpu.memory_space<vmem>>, vector<2000x16xf32>
    %add3A_12 = arith.addf %add3A, %get3A_11 : vector<2000x16xf32>
    %get3A_13 = arith.constant 0 : index
    %get3A_14 = arith.constant 0 : index
    %get3A_15 = vector.load %arg3[%get3A_13, %get3A_14] : memref<2000x16xf32, #tpu.memory_space<vmem>>, vector<2000x16xf32>
    %mul3A = arith.mulf %add3A_12, %get3A_15 : vector<2000x16xf32>
    %get3A_16 = arith.constant 0 : index
    %get3A_17 = arith.constant 0 : index
    %get3A_18 = vector.load %arg4[%get3A_16, %get3A_17] : memref<16x64xf32, #tpu.memory_space<vmem>>, vector<16x64xf32>
    %dot_general3A = arith.constant dense<0.000000e+00> : vector<2000x64xf32>
    %dot_general3A_19 = tpu.matmul %mul3A, %get3A_18, %dot_general3A {dimension_numbers = #tpu.dot_dimension_numbers<[1], [0], [0], [1], [0, 0, 1, 1], [], []>, transpose_lhs_hint = false} : vector<2000x16xf32>, vector<16x64xf32>, vector<2000x64xf32> -> vector<2000x64xf32>
    %get3A_20 = arith.constant 0 : index
    %get3A_21 = arith.constant 0 : index
    %get3A_22 = vector.load %arg5[%get3A_20, %get3A_21] : memref<1x64xf32, #tpu.memory_space<vmem>>, vector<1x64xf32>
    %add3A_23 = vector.broadcast %get3A_22 : vector<1x64xf32> to vector<2000x64xf32>
    %add3A_24 = arith.addf %dot_general3A_19, %add3A_23 : vector<2000x64xf32>
    %reduce_max3A = arith.constant dense<0xFF800000> : vector<2000xf32>
    %reduce_max3A_25 = vector.multi_reduction <maximumf>, %add3A_24, %reduce_max3A [1] : vector<2000x64xf32> to vector<2000xf32>
    %broadcast_in_dim3A = vector.shape_cast %reduce_max3A_25 : vector<2000xf32> to vector<2000x1xf32>
    %sub3A = vector.broadcast %broadcast_in_dim3A : vector<2000x1xf32> to vector<2000x64xf32>
    %sub3A_26 = arith.subf %add3A_24, %sub3A : vector<2000x64xf32>
    %exp3A = math.exp %sub3A_26 : vector<2000x64xf32>
    %reduce_sum3A = arith.constant dense<0.000000e+00> : vector<2000xf32>
    %reduce_sum3A_27 = vector.multi_reduction <add>, %exp3A, %reduce_sum3A [1] : vector<2000x64xf32> to vector<2000xf32>
    %broadcast_in_dim3A_28 = vector.shape_cast %reduce_sum3A_27 : vector<2000xf32> to vector<2000x1xf32>
    %log3A = math.log %broadcast_in_dim3A_28 : vector<2000x1xf32>
    %sub3A_29 = vector.broadcast %log3A : vector<2000x1xf32> to vector<2000x64xf32>
    %sub3A_30 = arith.subf %sub3A_26, %sub3A_29 : vector<2000x64xf32>
    %swap3A = arith.constant 0 : index
    %swap3A_31 = arith.constant 0 : index
    %swap3A_32 = vector.load %arg6[%swap3A, %swap3A_31] : memref<2000x64xf32, #tpu.memory_space<vmem>>, vector<2000x64xf32>
    tpu.vector_store %arg6[%swap3A, %swap3A_31], %sub3A_30 {strides = array<i32>} : memref<2000x64xf32, #tpu.memory_space<vmem>>, vector<2000x64xf32>,
    return
  }
  func.func @transform_0(%arg0: i32) -> (i32, i32, i32) {
    %c0_i32 = arith.constant 0 : i32
    %c0_i32_0 = arith.constant 0 : i32
    %c0_i32_1 = arith.constant 0 : i32
    return %c0_i32, %arg0, %c0_i32_0 : i32, i32, i32
  }
  func.func @transform_1(%arg0: i32) -> (i32, i32) {
    %c0_i32 = arith.constant 0 : i32
    %c0_i32_0 = arith.constant 0 : i32
    return %arg0, %c0_i32 : i32, i32
  }
  func.func @transform_2(%arg0: i32) -> (i32, i32) {
    %c0_i32 = arith.constant 0 : i32
    %c0_i32_0 = arith.constant 0 : i32
    return %arg0, %c0_i32 : i32, i32
  }
  func.func @transform_3(%arg0: i32) -> (i32, i32) {
    %c0_i32 = arith.constant 0 : i32
    %c0_i32_0 = arith.constant 0 : i32
    %c0_i32_1 = arith.constant 0 : i32
    return %c0_i32, %c0_i32_0 : i32, i32
  }
  func.func @transform_4(%arg0: i32) -> (i32, i32) {
    %c0_i32 = arith.constant 0 : i32
    %c0_i32_0 = arith.constant 0 : i32
    %c0_i32_1 = arith.constant 0 : i32
    return %c0_i32, %c0_i32_0 : i32, i32
  }
  func.func @transform_5(%arg0: i32) -> (i32, i32) {
    %c0_i32 = arith.constant 0 : i32
    %c0_i32_0 = arith.constant 0 : i32
    return %arg0, %c0_i32 : i32, i32
  }
}

</mosaic_0001>

<sc_bundles>
// kernel: kernel.10.cloned.1.call-start
scs
__scs_entry_jumppad:
0x0: {  	(pc) =	sbr.rel $0x88, $3  }
0x1: {  	(tag) =	ssettag $0x0;
	lr =	simm.s32 $0x1  }
0x2: {  	[smem:$0x3F9B] =	sst lr;
	_ =	strace $0xD0000000  }
0x3: {  	_ = 	snop  }
0x4: {  	_ = 	snop  }
0x5: {  	_ = 	snop  }
0x6: {  	_ = 	snop  }
0x7: {  	_ = 	snop  }
__scs_overlays_trampoline_lowered:
0x8: {  	[smem:$0x3FAA] =	sst s0  }
0x9: {  	[smem:$0x3FAB] =	sst s1  }
0xa: {  	[smem:$0x3FAC] =	sst s2  }
0xb: {  	[smem:$0x3FAD] =	sst s3  }
0xc: {  	[smem:$0x3FAE] =	sst s4  }
0xd: {  	[smem:$0x3FAF] =	sst s5  }
0xe: {  	[smem:$0x3FB0] =	sst s6  }
0xf: {  	[smem:$0x3FB1] =	sst s7  }
0x10: {  	[smem:$0x3FB2] =	sst s8  }
0x11: {  	[smem:$0x3FB3] =	sst s9;
	s0 =	simm.s32 @!p0 $0x0  }
0x12: {  	s1 =	sld [smem:$0x3F99];
	s0 =	simm.s32 @p0 $0x1  }
0x13: {  	[smem:$0x3FB4] =	sst s0;
	s0 =	simm.s32 @!p1 $0x0  }
0x14: {  	s2 =	sld [smem:$0x3F98];
	s0 =	simm.s32 @p1 $0x1  }
0x15: {  	[smem:$0x3FB5] =	sst s0;
	s0 =	simm.s32 @!p2 $0x0  }
0x16: {  	s3 =	sld [smem:$0x3FDB];
	s0 =	simm.s32 @p2 $0x1  }
0x17: {  	s4 =	simm.s32 $0x1BF5;
	[smem:$0x3FB7] =	sst s0  }
0x18: {  	s0 =	sld [smem:$0x3F9A];
	_ =	swait.ge [sflag:s4], $0x0  }
0x19: {  	s7 =	sld [smem:$0x3F9B]  }
0x1a: {  	s8 =	sadd.s32 $0xFFFFE003, lr  }
0x1b: {  	s9 =	sadd.s32 $0xFFFFFEF7, lr;
	s5 =	simm.s32 $0xFFFFFFFF;
	p2 =	slt.u32 s8, $0xFFFFF086  }
0x1c: {  	p1 =	slt.u32 s9, $0xF7A;
	s5 =	simm.s32 @!p2 $0x0  }
0x1d: {  	s5 =	simm.s32 @p1 $0x1;
	p0 =	seq.s32 s7, s2  }
0x1e: {  	s7 =	smul.u32 @!p0 $0xF7A, s2;
	p2 =	seq.s32 @!p0 s5, $0x0  }
0x1f: {  	s9 =	smul.u32 $0xF7A, s1;
	s8 =	simm.s32 @!p0 $0x1BF5;
	p2 =	por !p2, p0  }
0x20: {  	[sflag:s8] =	ssyncset.s32 @!p0 $0xFFFFF086;
	s6 =	sadd.s32 @!p0 s3, s7;
	s7 =	simm.s32 @!p0 $0x108  }
0x21: {  	s3 =	sadd.s32 s3, s9;
	s6 =	sadd.s32 @!p0 $0x88, s6;
	s7 =	simm.s32 @p2 $0x1082  }
0x22: {  	[simem:s7], [sflag:s8] =	dma.local @!p0 [hbm:s6], $0xF7A  }
0x23: {  	s9 =	sor.u32 $0xD0000000, s2;
	s6 =	simm.s32 $0x108;
	_ =	swait.ge @!p0 [sflag:s8], $0x0  }
0x24: {  	s3 =	sadd.s32 $0x88, s3;
	s6 =	simm.s32 @!p1 $0x1082;
	[sflag:s4] =	ssyncset.s32 $0xFFFFF086  }
0x25: {  	[simem:s6], [sflag:s4] =	dma.local [hbm:s3], $0xF7A  }
0x26: {  	[smem:$0x3F9B] =	sst s1;
	(tag) =	ssettag s2;
	_ =	strace s9  }
0x27: {  	s1 =	sld [smem:$0x3FAB]  }
0x28: {  	s2 =	sld [smem:$0x3FAC]  }
0x29: {  	s4 =	sld [smem:$0x3FAE]  }
0x2a: {  	p0 =	seq.s32 s5, $0x0;
	s5 =	sld [smem:$0x3FAF]  }
0x2b: {  	s6 =	sld [smem:$0x3FB0]  }
0x2c: {  	s7 =	sld [smem:$0x3FB1]  }
0x2d: {  	s3 =	simm.s32 $0x108;
	s8 =	sld [smem:$0x3FB2]  }
0x2e: {  	s3 =	simm.s32 @!p0 $0x1082;
	s9 =	sld [smem:$0x3FB3]  }
0x2f: {  	lr =	sadd.s32 s0, s3;
	s0 =	sld [smem:$0x3FAA]  }
0x30: {  	s3 =	sld [smem:$0x3FAD]  }
0x31: {  	[smem:$0x3FB6] =	sst s10  }
0x32: {  	s10 =	sld [smem:$0x3FB4];
	_ =	sdelay $0x3  }
0x33: {  	p0 =	seq.s32 s10, $0x1;
	s10 =	sld [smem:$0x3FB6];
	_ =	sdelay $0x3  }
0x34: {  	[smem:$0x3FB6] =	sst s10  }
0x35: {  	s10 =	sld [smem:$0x3FB5];
	_ =	sdelay $0x3  }
0x36: {  	p1 =	seq.s32 s10, $0x1;
	s10 =	sld [smem:$0x3FB6];
	_ =	sdelay $0x3  }
0x37: {  	[smem:$0x3FB6] =	sst s10  }
0x38: {  	s10 =	sld [smem:$0x3FB7]  }
0x39: {  	_ = 	snop;
	(pc) =	sbr.ind lr, $3  }
0x3a: {  	_ = 	snop  }
0x3b: {  	_ = 	snop  }
0x3c: {  	p2 =	seq.s32 s10, $0x1;
	s10 =	sld [smem:$0x3FB6]  }
0x3d: {  	_ =	shalt  }
0x3e: {  	_ =	shalt  }
0x3f: {  	_ =	shalt  }
0x40: {  	_ =	shalt  }
0x41: {  	_ =	shalt  }
0x42: {  	_ =	shalt  }
0x43: {  	_ =	shalt  }
0x44: {  	_ =	shalt  }
0x45: {  	_ =	shalt  }
0x46: {  	_ =	shalt  }
0x47: {  	_ =	shalt  }
0x48: {  	_ =	shalt  }
0x49: {  	_ =	shalt  }
0x4a: {  	_ =	shalt  }
0x4b: {  	_ =	shalt  }
0x4c: {  	_ =	shalt  }
0x4d: {  	_ =	shalt  }
0x4e: {  	_ =	shalt  }
0x4f: {  	_ =	shalt  }
0x50: {  	_ =	shalt  }
0x51: {  	_ =	shalt  }
0x52: {  	_ =	shalt  }
0x53: {  	_ =	shalt  }
0x54: {  	_ =	shalt  }
0x55: {  	_ =	shalt  }
0x56: {  	_ =	shalt  }
0x57: {  	_ =	shalt  }
0x58: {  	_ =	shalt  }
0x59: {  	_ =	shalt  }
0x5a: {  	_ =	shalt  }
0x5b: {  	_ =	shalt  }
0x5c: {  	_ =	shalt  }
0x5d: {  	_ =	shalt  }
0x5e: {  	_ =	shalt  }
0x5f: {  	_ =	shalt  }
0x60: {  	_ =	shalt  }
0x61: {  	_ =	shalt  }
0x62: {  	_ =	shalt  }
0x63: {  	_ =	shalt  }
0x64: {  	_ =	shalt  }
0x65: {  	_ =	shalt  }
0x66: {  	_ =	shalt  }
0x67: {  	_ =	shalt  }
0x68: {  	_ =	shalt  }
0x69: {  	_ =	shalt  }
0x6a: {  	_ =	shalt  }
0x6b: {  	_ =	shalt  }
0x6c: {  	_ =	shalt  }
0x6d: {  	_ =	shalt  }
0x6e: {  	_ =	shalt  }
0x6f: {  	_ =	shalt  }
0x70: {  	_ =	shalt  }
0x71: {  	_ =	shalt  }
0x72: {  	_ =	shalt  }
0x73: {  	_ =	shalt  }
0x74: {  	_ =	shalt  }
0x75: {  	_ =	shalt  }
0x76: {  	_ =	shalt  }
0x77: {  	_ =	shalt  }
0x78: {  	_ =	shalt  }
0x79: {  	_ =	shalt  }
0x7a: {  	_ =	shalt  }
0x7b: {  	_ =	shalt  }
0x7c: {  	_ =	shalt  }
0x7d: {  	_ =	shalt  }
0x7e: {  	_ =	shalt  }
0x7f: {  	_ =	shalt  }
0x80: {  	_ =	shalt  }
0x81: {  	_ =	shalt  }
0x82: {  	_ =	shalt  }
0x83: {  	_ =	shalt  }
0x84: {  	_ =	shalt  }
0x85: {  	_ =	shalt  }
0x86: {  	_ =	shalt  }
0x87: {  	_ =	shalt  }
.Lfunc_end0:
.L_simem_size_0:
called_computation.1_lowered:
.L_overlay_start_0:
0x88: {  	s2 =	sld [smem:$0x3FD9]  }
0x89: {  	s3 =	sld [smem:$0x3FFE];
	_ =	sdelay $0x1  }
0x8a: {  	s1 =	srdreg.scid  }
0x8b: {  	s0 =	sand.u32 $0x1, s1  }
0x8c: {  	s17 =	sshll.u32 s0, $0xA;
	s2 =	sadd.s32 s3, s2  }
0x8d: {  	s2 =	sadd.s32 s2, s17  }
0x8e: {  	[smem:$0x3FC2] =	sst s2  }
0x8f: {  	_ = 	snop  }
0x90: {  	s2 =	sld [smem:$0x3FD0];
	(tm) =	ssettm $0x1  }
0x91: {  	s18 =	sld [smem:$0x3FFB];
	_ =	sdelay $0x3  }
0x92: {  	_ =	strace s18  }
0x93: {  	s3 =	sld [smem:$0x3FFC];
	_ =	sdelay $0x3  }
0x94: {  	_ =	strace s3  }
0x95: {  	s3 =	sld [smem:$0x3FFD];
	_ =	sdelay $0x3  }
0x96: {  	_ =	strace s3  }
0x97: {  	_ =	strace $0x8FFFFFFF  }
0x98: {  	s19 =	sld [smem:$0x3FDB];
	_ =	sdelay $0x1  }
0x99: {  	s4 =	simm.s32 $_scs_section_size  }
0x9a: {  	s5 =	simm.s32 $_size__tile_overlayer_lowered;
	s6 =	simm.s32 $_tile_overlayer_lowered  }
0x9b: {  	s22 =	simm.s32 $0x1BFF;
	s21 =	sshll.u32 s6, $0x1;
	s3 =	sadd.s32 s4, s19  }
0x9c: {  	s7 =	simm.s32 $0x0;
	s20 =	sshll.u32 s5, $0x1;
	s5 =	sadd.s32 s21, s3  }
0x9d: {  	[timem:s7], [sflag:s22] =	dma.local [hbm:s5], s20  }
0x9e: {  	_ =	swait.ge [sflag:s22], s20  }
0x9f: {  	s4 =	ssub.s32 $0x0, s20;
	[sflag:s22] =	ssyncset.done $0x0  }
0xa0: {  	[sflag:s22] =	ssyncadd.s32 s4;
	_ =	sdelay $0x1  }
0xa1: {  	s23 =	simm.s32 $0x1B8B  }
0xa2: {  	_ =	swait.ge [sflag:s23], $0x1  }
0xa3: {  	[sflag:s23] =	ssyncset.done $0x0  }
0xa4: {  	s25 =	simm.s32 $0x1B8E;
	s24 =	sld [smem:$0x3FFE];
	[sflag:s23] =	ssyncadd.s32 $0xFFFFFFFF  }
0xa5: {  	s26 =	simm.s32 $execute0_lowered;
	[smem:$0x3FD2] =	sst s25  }
0xa6: {  	s5 =	sshll.u32 s26, $0x1;
	_ =	strace $0x80000049;
	[dreg:$0x1] =	wrdreg $0xFFFFFFFF  }
0xa7: {  	s28 =	simm.s32 $_size_execute0_lowered;
	s3 =	sadd.s32 s3, s5;
	[dreg:$0x0] =	wrdreg $0x0  }
0xa8: {  	s5 =	sshll.u32 s28, $0x1;
	[dreg:$0x2] =	wrdreg s3  }
0xa9: {  	[dreg:$0x3] =	wrdreg s5  }
0xaa: {  	[dreg:$0x4] =	wrdreg $0xC0  }
0xab: {  	_ =	task [dreg:s7], $0x5FFFF  }
0xac: {  	[dreg:$0x1] =	wrdreg $0xFFFFFFFF  }
0xad: {  	[dreg:$0x0] =	wrdreg $0x60  }
0xae: {  	[dreg:$0x2] =	wrdreg s2  }
0xaf: {  	[dreg:$0x3] =	wrdreg s24  }
0xb0: {  	[dreg:$0x4] =	wrdreg $0x1BD000  }
0xb1: {  	[dreg:$0x5] =	wrdreg $0x195000  }
0xb2: {  	[dreg:$0x6] =	wrdreg $0x9  }
0xb3: {  	_ =	task.clear_ibuf [dreg:s7], $0x7FFFF;
	_ =	strace $0x90000049  }
0xb4: {  	s29 =	simm.s32 $0x9;
	_ =	strace $0x8000004B  }
0xb5: {  	_ =	swait.ge [sflag:s29], $0x1  }
0xb6: {  	[sflag:s29] =	ssyncadd.s32 $0xFFFFFFFF  }
0xb7: {  	_ =	strace $0x9000004B  }
0xb8: {  	_ =	sfence  }
0xb9: {  	s30 =	sld [smem:$0x0];
	_ =	sdelay $0x2  }
0xba: {  	s31 =	sshll.u32 s1, $0xD;
	s1 =	sshrl.u32 s1, $0x2  }
0xbb: {  	s3 =	sand.u32 $0x4000, s31;
	s1 =	sadd.s32 s1, s30  }
0xbc: {  	s0 =	sor.u32 s3, s0;
	s1 =	sshll.u32 s1, $0x11  }
0xbd: {  	s0 =	sor.u32 s1, s0  }
0xbe: {  	s0 =	sadd.s32 $0x8F2B, s0  }
0xbf: {  	[sflag:s0] =	ssyncadd.remote.s32 $0x1  }
0xc0: {  	_ =	sfence.sel $0xFFFF  }
0xc1: {  	[dreg:$0x0] =	wrdreg $0xFFFFFFFF;
	(pc) =	sbr.abs _section_cstart, $3  }
0xc2: {  	[dreg:$0x1] =	wrdreg $0xFFFFFFFF  }
0xc3: {  	_ =	task.clear_ibuf [dreg:s7], $0x2FFFF;
	_ =	strace $0x9FFFFFFF  }
0xc4: {  	(tm) =	ssettm $0x7FFFFFFF  }
0xc5: {  	_ =	shalt  }
tec
execute0_lowered:
.L_overlay_start_1:
0x0: {  	(tag) =	ssettag $0x1  }
0x1: {  	s1 =	rddreg [dreg:$0x0]  }
0x2: {  	s3 =	rddreg [dreg:$0x1]  }
0x3: {  	s0 =	srdreg.scid;
	s2 =	rddreg [dreg:$0x2]  }
0x4: {  	s7 =	stileid.u32;
	s12 =	rddreg [dreg:$0x3]  }
0x5: {  	s16 =	simm.s32 $0x4;
	s18 =	simm.s32 $0x2800;
	s21 =	simm.s32 $0xC800  }
0x6: {  	s22 =	simm.s32 $0x1;
	s23 =	simm.s32 $0x16800;
	s24 =	simm.s32 $0xA00  }
0x7: {  	s25 =	simm.s32 $0x80;
	s29 =	simm.s32 $0x2;
	s5 =	smul.u32 $0x280, s7  }
0x8: {  	s28 =	simm.s32 $0x3;
	s0 =	sand.u32 $0x1, s0;
	s11 =	smul.u32 $0x2800, s7  }
0x9: {  	s30 =	simm.s32 $0x0;
	s4 =	sshll.u32 s0, $0x4;
	s26 =	smul.u32 $0x28000, s0  }
0xa: {  	s8 =	ssub.s32 $0x2, s0;
	p0 =	sne.s32 s0, $0x0;
	s4 =	sor.u32 s7, s4  }
0xb: {  	s5 =	sshrl.u32 s5, $0x3;
	s9 =	sshrl.u32 s11, $0x3;
	s10 =	sshrl.u32 s8, $0x1  }
0xc: {  	s6 =	smul.u32 $0x280, s4;
	s4 =	simm.s32 $0x0;
	s5 =	sadd.s32 s5, s3  }
0xd: {  	s7 =	sadd.s32 s11, s26;
	s15 =	ssub.s32 s8, s10;
	s10 =	sadd.s32 s11, s2  }
0xe: {  	s11 =	sadd.s32 s11, s12;
	[smem:$0x7FF] =	sst s4;
	s7 =	sshrl.u32 s7, $0x3  }
0xf: {  	s8 =	sadd.s32 $0xBC00, s5;
	s15 =	smax.u32 s15, $0x1;
	_ =	strace $0x8000004A  }
0x10: {  	s6 =	sadd.s32 s6, s3;
	s14 =	sadd.s32 s7, s3;
	s3 =	sadd.s32 s9, s3  }
0x11: {  	s7 =	sadd.s32 s1, s9;
	s9 =	sadd.s32 $0xC100, s5;
	s1 =	simm.s32 $0x1400  }
0x12: {  	s31 =	sadd.s32 $0x1A00, s6;
	s6 =	sadd.s32 $0x6A00, s6;
	s12 =	sadd.s32 $0x16600, s3  }
0x13: {  	v0 =	vimm.f32 $0.0e+00;
	s13 =	sadd.s32 $0x1B600, s3;
	s14 =	sadd.s32 $0xC600, s14;
	[dreg:$0x5] =	wrdreg s31  }
.LBB2_1:
0x14: {  	s0 =	rddreg [dreg:$0x5]  }
0x15: {  	[tilespmem:s4], [sflag:$0x4] =	stream.linear.gather [hbm4b:s0+s4], $0x1400, $0x38;
	[tilespmem:$0x1E500] =	vst v63  }
0x16: {  	_ =	swait.ge [sflag:s16], $0x1400  }
0x17: {  	[sflag:s16] =	ssyncset.done $0x0  }
0x18: {  	[sflag:s16] =	ssyncadd.s32 $0xFFFFEC00  }
0x19: {  	[tilespmem:s1], [sflag:$0x4] =	stream.linear.gather [hbm4b:s6+s4], $0x1400, $0x38;
	[tilespmem:$0x1E500] =	vst v63  }
0x1a: {  	_ =	swait.ge [sflag:s16], $0x1400  }
0x1b: {  	[sflag:s16] =	ssyncset.done $0x0  }
0x1c: {  	[sflag:s16] =	ssyncadd.s32 $0xFFFFEC00  }
0x1d: {  	[tilespmem:s18], [sflag:$0x1] =	stream.linear.gather [hbm4b:s7+s4], $0x2800, $0x38;
	[tilespmem:$0x1E500] =	vst v63  }
0x1e: {  	s26 =	simm.s32 $0x19000  }
0x1f: {  	[tilespmem:s26], [sflag:$0x1] =	stream.linear.gather [hbm4b:s8+s4], $0x280, $0x38;
	[tilespmem:$0x1E500] =	vst v63  }
0x20: {  	s31 =	simm.s32 $0x19280;
	s0 =	simm.s32 $0xC840  }
0x21: {  	[tilespmem:s31], [sflag:$0x1] =	stream.linear.gather [hbm4b:s9+s4], $0x280, $0x38;
	[tilespmem:$0x1E500] =	vst v63  }
0x22: {  	[tilespmem:s0+$0xFFFFFFC0] =	vst v0  }
0x23: {  	[tilespmem:s0+$0x30] =	vst v0  }
0x24: {  	[tilespmem:s0+$0x20] =	vst v0  }
0x25: {  	[tilespmem:s0+$0x10] =	vst v0  }
0x26: {  	[tilespmem:s0+$0x0] =	vst v0  }
0x27: {  	[tilespmem:s0+$0xFFFFFFF0] =	vst v0  }
0x28: {  	s1 =	simm.s32 $0x0;
	[tilespmem:s0+$0xFFFFFFE0] =	vst v0  }
.LBB2_2:
0x29: {  	s1 =	sadd.s32 $0x8, s1;
	[tilespmem:s0+$0xFFFFFFD0] =	vst v0;
	s0 =	sadd.s32 $0x80, s0  }
0x2a: {  	[tilespmem:s0+$0xFFFFFFC0] =	vst v0;
	p1 =	slt.u32 s1, $0x278  }
0x2b: {  	[tilespmem:s0+$0x30] =	vst v0  }
.Ltmp0:
0x2c: {  	[tilespmem:s0+$0x20] =	vst v0;
	(pc) =	sbr.rel @p1 .LBB2_2-.Ltmp0, $4  }
0x2d: {  	[tilespmem:s0+$0x10] =	vst v0  }
0x2e: {  	[tilespmem:s0+$0x0] =	vst v0  }
0x2f: {  	[tilespmem:s0+$0xFFFFFFF0] =	vst v0  }
0x30: {  	[tilespmem:s0+$0xFFFFFFE0] =	vst v0  }
0x31: {  	[tilespmem:s0+$0xFFFFFFD0] =	vst v0  }
0x32: {  	[spmem:s10] =	stream.linear.scatter [tilespmem:s21], [sflag:$0x4], $0x2800, $0x38;
	[tilespmem:$0x1E500] =	vst v63  }
0x33: {  	_ =	swait.ge [sflag:s16], $0x2800  }
0x34: {  	[sflag:s16] =	ssyncset.done $0x0  }
0x35: {  	[sflag:s16] =	ssyncadd.s32 $0xFFFFD800  }
0x36: {  	_ =	swait.ge [sflag:s22], $0x2800  }
0x37: {  	[sflag:s22] =	ssyncset.done $0x0  }
0x38: {  	[sflag:s22] =	ssyncadd.s32 $0xFFFFD800  }
0x39: {  	_ =	swait.ge [sflag:s22], $0x280  }
0x3a: {  	[sflag:s22] =	ssyncset.done $0x0  }
0x3b: {  	[sflag:s22] =	ssyncadd.s32 $0xFFFFFD80  }
0x3c: {  	_ =	swait.ge [sflag:s22], $0x280  }
0x3d: {  	[sflag:s22] =	ssyncset.done $0x0  }
0x3e: {  	s20 =	simm.s32 $0x19290;
	[sflag:s22] =	ssyncadd.s32 $0xFFFFFD80  }
0x3f: {  	v1 =	vld [tilespmem:s20+$0xFFFFFD80]  }
0x40: {  	v2 =	vld [tilespmem:s20+$0x0];
	_ =	sdelay $0x1  }
0x41: {  	v3 =	vld [tilespmem:s20+$0xFFFFFFF0]  }
0x42: {  	v4 =	vld [tilespmem:s20+$0xFFFFFD70];
	_ =	sdelay $0x1  }
0x43: {  	v1 =	vadd.f32 v2, v1;
	_ =	sdelay $0x1  }
0x44: {  	v1 =	vadd.f32 $1.000000000e+00, v1  }
0x45: {  	v2 =	vadd.f32 v3, v4  }
0x46: {  	v3 =	vshrl.u32 v1, $0x1;
	v4 =	vmul.f32 $5.000000000e-01, v1  }
0x47: {  	v2 =	vadd.f32 $1.000000000e+00, v2;
	v3 =	vsub.s32 $0x5F3759DF, v3  }
0x48: {  	v5 =	vmul.f32 v3, v4  }
0x49: {  	v6 =	vshrl.u32 v2, $0x1;
	v7 =	vmul.f32 $5.000000000e-01, v2  }
0x4a: {  	v6 =	vsub.s32 $0x5F3759DF, v6;
	v5 =	vmul.f32 v3, v5  }
0x4b: {  	v8 =	vmul.f32 v6, v7  }
0x4c: {  	v5 =	vsub.f32 $1.500000000e+00, v5  }
0x4d: {  	v8 =	vmul.f32 v6, v8  }
0x4e: {  	v3 =	vmul.f32 v3, v5  }
0x4f: {  	v5 =	vsub.f32 $1.500000000e+00, v8  }
0x50: {  	v4 =	vmul.f32 v3, v4  }
0x51: {  	v5 =	vmul.f32 v6, v5  }
0x52: {  	v4 =	vmul.f32 v4, v3  }
0x53: {  	v6 =	vmul.f32 v5, v7  }
0x54: {  	v4 =	vsub.f32 $1.500000000e+00, v4  }
0x55: {  	v6 =	vmul.f32 v6, v5  }
0x56: {  	v3 =	vmul.f32 v4, v3  }
0x57: {  	v4 =	vsub.f32 $1.500000000e+00, v6  }
0x58: {  	v1 =	vmul.f32 v3, v1  }
0x59: {  	v4 =	vmul.f32 v4, v5  }
0x5a: {  	v1 =	vmul.f32 v1, v3  }
0x5b: {  	v2 =	vmul.f32 v4, v2  }
0x5c: {  	v1 =	vsub.f32 $1.000000000e+00, v1  }
0x5d: {  	v2 =	vmul.f32 v2, v4  }
0x5e: {  	v5 =	vmul.f32 $3.750000000e-01, v1  }
0x5f: {  	v2 =	vsub.f32 $1.000000000e+00, v2  }
0x60: {  	v5 =	vadd.f32 $5.000000000e-01, v5  }
0x61: {  	v6 =	vmul.f32 $3.750000000e-01, v2  }
0x62: {  	v1 =	vmul.f32 v5, v1  }
0x63: {  	v5 =	vadd.f32 $5.000000000e-01, v6  }
0x64: {  	s31 =	simm.s32 $0x51F0;
	v1 =	vadd.f32 $1.000000000e+00, v1  }
0x65: {  	v6 =	vld [tilespmem:s31+$0xFFFFD710];
	v5 =	vmul.f32 v5, v2  }
0x66: {  	v2 =	vmul.f32 v1, v3  }
0x67: {  	v1 =	vadd.f32 $1.000000000e+00, v5  }
0x68: {  	v5 =	vld [tilespmem:s31+$0xFFFFD610];
	v7 =	vbroadcast v2, $0x0  }
0x69: {  	v3 =	vmul.f32 v1, v4  }
0x6a: {  	v1 =	vmul.f32 v7, v6  }
0x6b: {  	s1 =	simm.s32 $0x16900;
	v4 =	vbroadcast v3, $0x0  }
0x6c: {  	[tilespmem:s1+$0x0] =	vst v1  }
0x6d: {  	v1 =	vmul.f32 v4, v5;
	v5 =	vld [tilespmem:s31+$0xFFFFD720];
	_ =	sdelay $0x1  }
0x6e: {  	[tilespmem:s1+$0xFFFFFF00] =	vst v1  }
0x6f: {  	[tilespmem:s31+$0xFFFFFE10] =	vst v4;
	v1 =	vld [tilespmem:s31+$0xFFFFD620];
	v4 =	vbroadcast v2, $0x1;
	_ =	sdelay $0x1  }
0x70: {  	v5 =	vmul.f32 v4, v5  }
0x71: {  	v6 =	vbroadcast v3, $0x1;
	[tilespmem:s31+$0xFFFFFF10] =	vst v7  }
0x72: {  	[tilespmem:s1+$0x10] =	vst v5  }
0x73: {  	v1 =	vmul.f32 v6, v1;
	v5 =	vld [tilespmem:s31+$0xFFFFD730];
	_ =	sdelay $0x1  }
0x74: {  	[tilespmem:s1+$0xFFFFFF10] =	vst v1  }
0x75: {  	v1 =	vbroadcast v2, $0x2;
	[tilespmem:s31+$0xFFFFFE20] =	vst v6;
	v6 =	vld [tilespmem:s31+$0xFFFFD630]  }
0x76: {  	s26 =	simm.s32 $0x192B0  }
0x77: {  	v8 =	vld [tilespmem:s26+$0x0];
	v5 =	vmul.f32 v1, v5  }
0x78: {  	v7 =	vld [tilespmem:s26+$0xFFFFFD80];
	[tilespmem:s31+$0xFFFFFF20] =	vst v4;
	v4 =	vbroadcast v3, $0x2  }
0x79: {  	v9 =	vld [tilespmem:s26+$0xFFFFFFF0];
	[tilespmem:s1+$0x20] =	vst v5  }
0x7a: {  	v6 =	vmul.f32 v4, v6;
	v5 =	vld [tilespmem:s31+$0xFFFFD740]  }
0x7b: {  	v10 =	vld [tilespmem:s26+$0xFFFFFD70]  }
0x7c: {  	[tilespmem:s1+$0xFFFFFF20] =	vst v6  }
0x7d: {  	v6 =	vadd.f32 v8, v7;
	[tilespmem:s31+$0xFFFFFE30] =	vst v4;
	v4 =	vbroadcast v2, $0x3  }
0x7e: {  	v7 =	vld [tilespmem:s31+$0xFFFFD640]  }
0x7f: {  	v6 =	vadd.f32 $1.000000000e+00, v6;
	v5 =	vmul.f32 v4, v5  }
0x80: {  	[tilespmem:s31+$0xFFFFFF30] =	vst v1;
	v1 =	vadd.f32 v9, v10  }
0x81: {  	v8 =	vbroadcast v3, $0x3;
	v9 =	vmul.f32 $5.000000000e-01, v6;
	[tilespmem:s1+$0x30] =	vst v5;
	v5 =	vshrl.u32 v6, $0x1  }
0x82: {  	v1 =	vadd.f32 $1.000000000e+00, v1;
	v10 =	vld [tilespmem:s31+$0xFFFFD750];
	v5 =	vsub.s32 $0x5F3759DF, v5  }
0x83: {  	v7 =	vmul.f32 v8, v7;
	v11 =	vmul.f32 v5, v9  }
0x84: {  	v12 =	vshrl.u32 v1, $0x1;
	v13 =	vmul.f32 $5.000000000e-01, v1  }
0x85: {  	v12 =	vsub.s32 $0x5F3759DF, v12;
	[tilespmem:s1+$0xFFFFFF30] =	vst v7;
	v7 =	vbroadcast v2, $0x4;
	v11 =	vmul.f32 v5, v11  }
0x86: {  	[tilespmem:s31+$0xFFFFFE40] =	vst v8;
	v8 =	vmul.f32 v12, v13  }
0x87: {  	v10 =	vmul.f32 v7, v10;
	v11 =	vsub.f32 $1.500000000e+00, v11  }
0x88: {  	[tilespmem:s31+$0xFFFFFF40] =	vst v4;
	v4 =	vmul.f32 v12, v8  }
0x89: {  	v14 =	vld [tilespmem:s31+$0xFFFFD650];
	[tilespmem:s1+$0x40] =	vst v10;
	v5 =	vmul.f32 v5, v11  }
0x8a: {  	v4 =	vsub.f32 $1.500000000e+00, v4;
	v10 =	vld [tilespmem:s31+$0xFFFFD760]  }
0x8b: {  	v9 =	vmul.f32 v5, v9  }
0x8c: {  	v8 =	vbroadcast v3, $0x4;
	v4 =	vmul.f32 v12, v4  }
0x8d: {  	v12 =	vbroadcast v2, $0x5;
	v9 =	vmul.f32 v9, v5  }
0x8e: {  	v11 =	vmul.f32 v8, v14;
	v13 =	vmul.f32 v4, v13  }
0x8f: {  	[tilespmem:s31+$0xFFFFFF50] =	vst v7;
	v10 =	vmul.f32 v12, v10;
	v9 =	vsub.f32 $1.500000000e+00, v9  }
0x90: {  	[tilespmem:s1+$0xFFFFFF40] =	vst v11;
	v7 =	vmul.f32 v13, v4  }
0x91: {  	[tilespmem:s1+$0x50] =	vst v10;
	v5 =	vmul.f32 v9, v5  }
0x92: {  	[tilespmem:s31+$0xFFFFFE50] =	vst v8;
	v7 =	vsub.f32 $1.500000000e+00, v7;
	v8 =	vld [tilespmem:s31+$0xFFFFD770]  }
0x93: {  	v9 =	vld [tilespmem:s31+$0xFFFFD660];
	v6 =	vmul.f32 v5, v6  }
0x94: {  	v4 =	vmul.f32 v7, v4  }
0x95: {  	v7 =	vbroadcast v2, $0x6;
	v6 =	vmul.f32 v6, v5  }
0x96: {  	v10 =	vbroadcast v3, $0x5;
	v1 =	vmul.f32 v4, v1  }
0x97: {  	v8 =	vmul.f32 v7, v8;
	v6 =	vsub.f32 $1.000000000e+00, v6  }
0x98: {  	[tilespmem:s31+$0xFFFFFF60] =	vst v12;
	v9 =	vmul.f32 v10, v9;
	v1 =	vmul.f32 v1, v4  }
0x99: {  	[tilespmem:s1+$0x60] =	vst v8;
	v8 =	vmul.f32 $3.750000000e-01, v6  }
0x9a: {  	[tilespmem:s1+$0xFFFFFF50] =	vst v9;
	v1 =	vsub.f32 $1.000000000e+00, v1;
	v9 =	vld [tilespmem:s31+$0xFFFFD780]  }
0x9b: {  	v8 =	vadd.f32 $5.000000000e-01, v8  }
0x9c: {  	[tilespmem:s31+$0xFFFFFE60] =	vst v10;
	v10 =	vld [tilespmem:s31+$0xFFFFD670];
	v11 =	vmul.f32 $3.750000000e-01, v1  }
0x9d: {  	v12 =	vbroadcast v2, $0x7;
	v6 =	vmul.f32 v8, v6  }
0x9e: {  	v8 =	vadd.f32 $5.000000000e-01, v11  }
0x9f: {  	s0 =	simm.s32 $0x53F0;
	v11 =	vbroadcast v3, $0x6;
	v9 =	vmul.f32 v12, v9;
	v6 =	vadd.f32 $1.000000000e+00, v6  }
0xa0: {  	v13 =	vld [tilespmem:s0+$0xFFFFD710];
	[tilespmem:s31+$0xFFFFFF70] =	vst v7;
	v7 =	vmul.f32 v8, v1  }
0xa1: {  	v8 =	vmul.f32 v11, v10;
	[tilespmem:s1+$0x70] =	vst v9;
	v1 =	vmul.f32 v6, v5  }
0xa2: {  	v5 =	vadd.f32 $1.000000000e+00, v7;
	v6 =	vld [tilespmem:s31+$0xFFFFD790]  }
0xa3: {  	[tilespmem:s1+$0xFFFFFF60] =	vst v8;
	v7 =	vld [tilespmem:s0+$0xFFFFD610];
	v9 =	vbroadcast v1, $0x0  }
0xa4: {  	v8 =	vmul.f32 v5, v4;
	v4 =	vld [tilespmem:s31+$0xFFFFD680]  }
0xa5: {  	v10 =	vbroadcast v2, $0x8;
	v5 =	vmul.f32 v9, v13  }
0xa6: {  	s19 =	simm.s32 $0x16B00;
	[tilespmem:s31+$0xFFFFFE70] =	vst v11;
	v11 =	vbroadcast v8, $0x0  }
0xa7: {  	[tilespmem:s19+$0x0] =	vst v5;
	v5 =	vmul.f32 v6, v10;
	v6 =	vbroadcast v3, $0x7  }
0xa8: {  	[tilespmem:s31+$0xFFFFFF80] =	vst v12;
	v7 =	vmul.f32 v11, v7;
	v12 =	vld [tilespmem:s0+$0xFFFFD720]  }
0xa9: {  	[tilespmem:s1+$0x80] =	vst v5;
	v4 =	vmul.f32 v6, v4  }
0xaa: {  	[tilespmem:s19+$0xFFFFFF00] =	vst v7;
	v5 =	vld [tilespmem:s31+$0xFFFFD7A0]  }
0xab: {  	v7 =	vbroadcast v1, $0x1;
	[tilespmem:s1+$0xFFFFFF70] =	vst v4;
	v4 =	vld [tilespmem:s0+$0xFFFFD620]  }
0xac: {  	[tilespmem:s0+$0xFFFFFF10] =	vst v9  }
0xad: {  	[tilespmem:s0+$0xFFFFFE10] =	vst v11;
	v11 =	vmul.f32 v7, v12;
	v12 =	vbroadcast v2, $0x9  }
0xae: {  	v13 =	vbroadcast v8, $0x1;
	[tilespmem:s31+$0xFFFFFE80] =	vst v6;
	v6 =	vld [tilespmem:s31+$0xFFFFD690]  }
0xaf: {  	[tilespmem:s19+$0x10] =	vst v11;
	v5 =	vmul.f32 v5, v12  }
0xb0: {  	[tilespmem:s31+$0xFFFFFF90] =	vst v10;
	v4 =	vmul.f32 v13, v4;
	v10 =	vld [tilespmem:s0+$0xFFFFD730]  }
0xb1: {  	v9 =	vbroadcast v3, $0x8;
	[tilespmem:s1+$0x90] =	vst v5  }
0xb2: {  	[tilespmem:s19+$0xFFFFFF10] =	vst v4;
	v4 =	vld [tilespmem:s31+$0xFFFFD7B0]  }
0xb3: {  	v11 =	vbroadcast v1, $0x2;
	[tilespmem:s0+$0xFFFFFF20] =	vst v7;
	v5 =	vmul.f32 v6, v9;
	v6 =	vld [tilespmem:s0+$0xFFFFD630]  }
0xb4: {  	s3 =	simm.s32 $0x192D0;
	[tilespmem:s0+$0xFFFFFE20] =	vst v13  }
0xb5: {  	v14 =	vld [tilespmem:s3+$0xFFFFFD80];
	[tilespmem:s1+$0xFFFFFF80] =	vst v5;
	v5 =	vmul.f32 v11, v10;
	v10 =	vbroadcast v2, $0xA  }
0xb6: {  	v13 =	vbroadcast v8, $0x2;
	[tilespmem:s31+$0xFFFFFE90] =	vst v9;
	v9 =	vld [tilespmem:s31+$0xFFFFD6A0]  }
0xb7: {  	v7 =	vld [tilespmem:s3+$0x0];
	[tilespmem:s19+$0x20] =	vst v5;
	v4 =	vmul.f32 v4, v10  }
0xb8: {  	[tilespmem:s31+$0xFFFFFFA0] =	vst v12;
	v5 =	vmul.f32 v13, v6;
	v6 =	vld [tilespmem:s0+$0xFFFFD740]  }
0xb9: {  	v15 =	vld [tilespmem:s3+$0xFFFFFFF0];
	v12 =	vbroadcast v3, $0x9;
	[tilespmem:s1+$0xA0] =	vst v4  }
0xba: {  	[tilespmem:s19+$0xFFFFFF20] =	vst v5;
	v4 =	vld [tilespmem:s31+$0xFFFFD7C0]  }
0xbb: {  	v5 =	vmul.f32 v9, v12;
	v9 =	vld [tilespmem:s3+$0xFFFFFD70];
	[tilespmem:s0+$0xFFFFFE30] =	vst v13;
	v13 =	vbroadcast v1, $0x3  }
0xbc: {  	[tilespmem:s0+$0xFFFFFF30] =	vst v11;
	v16 =	vld [tilespmem:s0+$0xFFFFD640]  }
0xbd: {  	[tilespmem:s1+$0xFFFFFF90] =	vst v5;
	v5 =	vadd.f32 v7, v14;
	v6 =	vmul.f32 v13, v6  }
0xbe: {  	v7 =	vbroadcast v2, $0xB;
	[tilespmem:s31+$0xFFFFFEA0] =	vst v12  }
0xbf: {  	v12 =	vbroadcast v8, $0x3;
	v11 =	vld [tilespmem:s31+$0xFFFFD6B0];
	v5 =	vadd.f32 $1.000000000e+00, v5;
	[tilespmem:s19+$0x30] =	vst v6  }
0xc0: {  	v4 =	vmul.f32 v4, v7;
	v6 =	vadd.f32 v15, v9;
	v9 =	vld [tilespmem:s0+$0xFFFFD750]  }
0xc1: {  	[tilespmem:s31+$0xFFFFFFB0] =	vst v10;
	v10 =	vmul.f32 v12, v16;
	v14 =	vshrl.u32 v5, $0x1;
	v15 =	vmul.f32 $5.000000000e-01, v5  }
0xc2: {  	[tilespmem:s1+$0xB0] =	vst v4;
	v4 =	vbroadcast v3, $0xA;
	v14 =	vsub.s32 $0x5F3759DF, v14;
	v6 =	vadd.f32 $1.000000000e+00, v6  }
0xc3: {  	v17 =	vbroadcast v1, $0x4;
	[tilespmem:s19+$0xFFFFFF30] =	vst v10;
	v10 =	vmul.f32 v14, v15;
	v16 =	vld [tilespmem:s31+$0xFFFFD7D0]  }
0xc4: {  	[tilespmem:s0+$0xFFFFFE40] =	vst v12;
	v11 =	vmul.f32 v11, v4;
	v12 =	vshrl.u32 v6, $0x1;
	v18 =	vmul.f32 $5.000000000e-01, v6  }
0xc5: {  	v19 =	vld [tilespmem:s0+$0xFFFFD650];
	v10 =	vmul.f32 v14, v10;
	v12 =	vsub.s32 $0x5F3759DF, v12;
	v9 =	vmul.f32 v17, v9  }
0xc6: {  	[tilespmem:s1+$0xFFFFFFA0] =	vst v11;
	v11 =	vbroadcast v2, $0xC;
	v20 =	vmul.f32 v12, v18  }
0xc7: {  	v21 =	vbroadcast v8, $0x4;
	[tilespmem:s0+$0xFFFFFF40] =	vst v13;
	v10 =	vsub.f32 $1.500000000e+00, v10  }
0xc8: {  	v13 =	vld [tilespmem:s31+$0xFFFFD6C0];
	[tilespmem:s19+$0x40] =	vst v9;
	v9 =	vmul.f32 v16, v11;
	v16 =	vmul.f32 v12, v20  }
0xc9: {  	[tilespmem:s31+$0xFFFFFFC0] =	vst v7;
	v10 =	vmul.f32 v14, v10  }
0xca: {  	v7 =	vmul.f32 v21, v19;
	v14 =	vld [tilespmem:s0+$0xFFFFD760];
	[tilespmem:s1+$0xC0] =	vst v9;
	v9 =	vsub.f32 $1.500000000e+00, v16  }
0xcb: {  	v16 =	vbroadcast v3, $0xB;
	v15 =	vmul.f32 v10, v15  }
0xcc: {  	v19 =	vbroadcast v1, $0x5;
	v9 =	vmul.f32 v12, v9  }
0xcd: {  	[tilespmem:s19+$0xFFFFFF40] =	vst v7;
	v7 =	vld [tilespmem:s31+$0xFFFFD7E0];
	v12 =	vmul.f32 v13, v16;
	v13 =	vmul.f32 v15, v10  }
0xce: {  	[tilespmem:s31+$0xFFFFFEB0] =	vst v4  }
0xcf: {  	[tilespmem:s0+$0xFFFFFF50] =	vst v17;
	v15 =	vld [tilespmem:s0+$0xFFFFD660];
	v4 =	vmul.f32 v9, v18;
	v14 =	vmul.f32 v19, v14;
	v13 =	vsub.f32 $1.500000000e+00, v13  }
0xd0: {  	[tilespmem:s1+$0xFFFFFFB0] =	vst v12;
	v12 =	vbroadcast v2, $0xD  }
0xd1: {  	v17 =	vld [tilespmem:s31+$0xFFFFD6D0];
	v4 =	vmul.f32 v4, v9;
	[tilespmem:s19+$0x50] =	vst v14;
	v10 =	vmul.f32 v13, v10  }
0xd2: {  	[tilespmem:s31+$0xFFFFFFD0] =	vst v11;
	v18 =	vbroadcast v8, $0x5;
	v7 =	vmul.f32 v7, v12;
	v13 =	vld [tilespmem:s0+$0xFFFFD770]  }
0xd3: {  	[tilespmem:s0+$0xFFFFFE50] =	vst v21;
	v14 =	vbroadcast v3, $0xC;
	v4 =	vsub.f32 $1.500000000e+00, v4;
	v5 =	vmul.f32 v10, v5  }
0xd4: {  	v11 =	vmul.f32 v18, v15;
	[tilespmem:s1+$0xD0] =	vst v7;
	v7 =	vbroadcast v1, $0x6  }
0xd5: {  	[tilespmem:s31+$0xFFFFFEC0] =	vst v16;
	v4 =	vmul.f32 v4, v9;
	v5 =	vmul.f32 v5, v10  }
0xd6: {  	v27 =	vbroadcast v3, $0xE;
	[tilespmem:s19+$0xFFFFFF50] =	vst v11;
	v9 =	vld [tilespmem:s31+$0xFFFFD7F0];
	v11 =	vmul.f32 v17, v14  }
0xd7: {  	[tilespmem:s0+$0xFFFFFF60] =	vst v19;
	v15 =	vld [tilespmem:s0+$0xFFFFD670];
	v6 =	vmul.f32 v4, v6;
	v13 =	vmul.f32 v7, v13;
	v5 =	vsub.f32 $1.000000000e+00, v5  }
0xd8: {  	v25 =	vbroadcast v1, $0x9;
	[tilespmem:s1+$0xFFFFFFC0] =	vst v11;
	v11 =	vbroadcast v2, $0xE  }
0xd9: {  	v6 =	vmul.f32 v6, v4;
	[tilespmem:s19+$0x60] =	vst v13;
	v13 =	vmul.f32 $3.750000000e-01, v5  }
0xda: {  	v30 =	vbroadcast v8, $0x8;
	v16 =	vbroadcast v8, $0x6;
	[tilespmem:s31+$0xFFFFFFE0] =	vst v12;
	v17 =	vld [tilespmem:s31+$0xFFFFD6E0]  }
0xdb: {  	[tilespmem:s0+$0xFFFFFE60] =	vst v18;
	v9 =	vmul.f32 v9, v11;
	v18 =	vld [tilespmem:s0+$0xFFFFD780];
	v6 =	vsub.f32 $1.000000000e+00, v6;
	v13 =	vadd.f32 $5.000000000e-01, v13  }
0xdc: {  	[tilespmem:s0+$0xFFFFFF70] =	vst v7;
	v12 =	vmul.f32 v16, v15;
	v15 =	vbroadcast v3, $0xD  }
0xdd: {  	[tilespmem:s1+$0xE0] =	vst v9;
	v9 =	vmul.f32 $3.750000000e-01, v6;
	v5 =	vmul.f32 v13, v5  }
0xde: {  	v20 =	vbroadcast v1, $0x7;
	v7 =	vbroadcast v3, $0xF;
	v19 =	vld [tilespmem:s31+$0xFFFFD800];
	[tilespmem:s19+$0xFFFFFF60] =	vst v12  }
0xdf: {  	[tilespmem:s31+$0xFFFFFED0] =	vst v14;
	v12 =	vmul.f32 v17, v15;
	v13 =	vld [tilespmem:s0+$0xFFFFD680];
	v9 =	vadd.f32 $5.000000000e-01, v9;
	v5 =	vadd.f32 $1.000000000e+00, v5  }
0xe0: {  	s3 =	simm.s32 $0x55F0;
	[tilespmem:s0+$0xFFFFFE70] =	vst v16;
	v16 =	vbroadcast v2, $0xF;
	v14 =	vmul.f32 v20, v18  }
0xe1: {  	[tilespmem:s1+$0xFFFFFFD0] =	vst v12;
	v6 =	vmul.f32 v9, v6;
	v9 =	vld [tilespmem:s3+$0xFFFFD710];
	v2 =	vmul.f32 v5, v10  }
0xe2: {  	v12 =	vbroadcast v8, $0x9;
	[tilespmem:s19+$0x70] =	vst v14;
	v10 =	vbroadcast v8, $0x7  }
0xe3: {  	[tilespmem:s31+$0xFFFFFFF0] =	vst v11;
	v3 =	vmul.f32 v19, v16;
	v5 =	vadd.f32 $1.000000000e+00, v6;
	v6 =	vld [tilespmem:s0+$0xFFFFD790];
	v17 =	vbroadcast v2, $0x0  }
0xe4: {  	[tilespmem:s31+$0xFFFFFEE0] =	vst v15;
	v14 =	vld [tilespmem:s3+$0xFFFFD610];
	v11 =	vmul.f32 v10, v13;
	v13 =	vbroadcast v1, $0x8  }
0xe5: {  	[tilespmem:s0+$0xFFFFFF80] =	vst v20;
	v29 =	vbroadcast v2, $0x1;
	v24 =	vmul.f32 v5, v4  }
0xe6: {  	[tilespmem:s1+$0xF0] =	vst v3;
	v31 =	vbroadcast v2, $0x2;
	v3 =	vmul.f32 v17, v9  }
0xe7: {  	s20 =	simm.s32 $0x16D00;
	[tilespmem:s31+$0x0] =	vst v16;
	v16 =	vld [tilespmem:s31+$0xFFFFD6F0];
	v5 =	vbroadcast v8, $0xD;
	v18 =	vbroadcast v24, $0x0  }
0xe8: {  	v4 =	vbroadcast v8, $0xE;
	[tilespmem:s20+$0x0] =	vst v3;
	v3 =	vmul.f32 v6, v13  }
0xe9: {  	[tilespmem:s19+$0xFFFFFF70] =	vst v11;
	v11 =	vbroadcast v8, $0xA;
	v14 =	vmul.f32 v18, v14;
	v19 =	vld [tilespmem:s3+$0xFFFFD720]  }
0xea: {  	v9 =	vbroadcast v8, $0xB;
	v28 =	vbroadcast v24, $0x1;
	[tilespmem:s19+$0x80] =	vst v3  }
0xeb: {  	v26 =	vbroadcast v24, $0x2;
	v6 =	vbroadcast v8, $0xC;
	[tilespmem:s20+$0xFFFFFF00] =	vst v14;
	v14 =	vld [tilespmem:s0+$0xFFFFD7A0]  }
0xec: {  	[tilespmem:s0+$0xFFFFFE80] =	vst v10;
	v3 =	vbroadcast v8, $0xF;
	v8 =	vmul.f32 v16, v27;
	v10 =	vld [tilespmem:s3+$0xFFFFD620]  }
0xed: {  	v20 =	vld [tilespmem:s0+$0xFFFFD690];
	v23 =	vbroadcast v24, $0x3;
	v21 =	vbroadcast v24, $0x4;
	[tilespmem:s3+$0xFFFFFF10] =	vst v17  }
0xee: {  	v22 =	vbroadcast v24, $0x9;
	[tilespmem:s1+$0xFFFFFFE0] =	vst v8;
	v8 =	vmul.f32 v29, v19  }
0xef: {  	v15 =	vbroadcast v24, $0xC;
	v17 =	vbroadcast v24, $0xB;
	[tilespmem:s0+$0xFFFFFF90] =	vst v13  }
0xf0: {  	v16 =	vbroadcast v24, $0x7;
	v32 =	vld [tilespmem:s31+$0xFFFFD700];
	[tilespmem:s20+$0x10] =	vst v8;
	v8 =	vmul.f32 v14, v25  }
0xf1: {  	v13 =	vbroadcast v24, $0xD;
	[tilespmem:s3+$0xFFFFFE10] =	vst v18;
	v10 =	vmul.f32 v28, v10  }
0xf2: {  	v18 =	vbroadcast v24, $0x6;
	v33 =	vmul.f32 v20, v30;
	v34 =	vld [tilespmem:s3+$0xFFFFD730];
	[tilespmem:s19+$0x90] =	vst v8  }
0xf3: {  	v20 =	vbroadcast v24, $0xA;
	v19 =	vbroadcast v24, $0x5;
	[tilespmem:s20+$0xFFFFFF10] =	vst v10  }
0xf4: {  	v14 =	vbroadcast v24, $0x8;
	v8 =	vbroadcast v24, $0xF;
	[tilespmem:s3+$0xFFFFFE20] =	vst v28;
	v28 =	vld [tilespmem:s0+$0xFFFFD7B0]  }
0xf5: {  	[tilespmem:s31+$0xFFFFFEF0] =	vst v27;
	v10 =	vbroadcast v24, $0xE;
	v24 =	vmul.f32 v32, v7;
	v32 =	vld [tilespmem:s3+$0xFFFFD630]  }
0xf6: {  	[tilespmem:s19+$0xFFFFFF80] =	vst v33  }
0xf7: {  	s17 =	simm.s32 $0x4;
	s5 =	simm.s32 $0x192F0;
	s26 =	simm.s32 $0x55F0;
	v27 =	vbroadcast v1, $0xA;
	[tilespmem:s0+$0xFFFFFE90] =	vst v30;
	v30 =	vld [tilespmem:s0+$0xFFFFD6A0];
	v33 =	vmul.f32 v31, v34  }
.LBB2_4:
0xf8: {  	v34 =	vld [tilespmem:s5+$0xFFFFFD80];
	[tilespmem:s3+$0xFFFFFF20] =	vst v29  }
0xf9: {  	v29 =	vld [tilespmem:s5+$0x0];
	[tilespmem:s20+$0x20] =	vst v33;
	v28 =	vmul.f32 v28, v27  }
0xfa: {  	v32 =	vmul.f32 v26, v32;
	v33 =	vld [tilespmem:s3+$0xFFFFD740];
	[tilespmem:s0+$0xFFFFFFA0] =	vst v25  }
0xfb: {  	v25 =	vld [tilespmem:s5+$0xFFFFFFF0];
	[tilespmem:s19+$0xA0] =	vst v28  }
0xfc: {  	[tilespmem:s20+$0xFFFFFF20] =	vst v32;
	v28 =	vmul.f32 v30, v12;
	v30 =	vld [tilespmem:s0+$0xFFFFD7C0]  }
0xfd: {  	s17 =	sadd.s32 $0x2, s17;
	v32 =	vld [tilespmem:s5+$0xFFFFFD70];
	[tilespmem:s3+$0xFFFFFE30] =	vst v26;
	v26 =	vbroadcast v2, $0x3  }
0xfe: {  	p1 =	slt.u32 s17, $0x26;
	v29 =	vadd.f32 v29, v34;
	v34 =	vld [tilespmem:s3+$0xFFFFD640];
	[tilespmem:s19+$0xFFFFFF90] =	vst v28  }
0xff: {  	v35 =	vbroadcast v1, $0xB;
	v28 =	vmul.f32 v26, v33;
	[tilespmem:s0+$0xFFFFFEA0] =	vst v12;
	v33 =	vld [tilespmem:s0+$0xFFFFD6B0];
	v12 =	vmov v22  }
0x100: {  	v22 =	vadd.f32 $1.000000000e+00, v29;
	[tilespmem:s3+$0xFFFFFF30] =	vst v31  }
0x101: {  	[tilespmem:s20+$0x30] =	vst v28;
	v28 =	vmul.f32 v30, v35  }
0x102: {  	v25 =	vadd.f32 v25, v32;
	v29 =	vshrl.u32 v22, $0x1;
	v30 =	vmul.f32 $5.000000000e-01, v22;
	v31 =	vld [tilespmem:s3+$0xFFFFD750];
	[tilespmem:s0+$0xFFFFFFB0] =	vst v27  }
0x103: {  	v27 =	vsub.s32 $0x5F3759DF, v29;
	v29 =	vmul.f32 v23, v34;
	[tilespmem:s19+$0xB0] =	vst v28  }
0x104: {  	v25 =	vadd.f32 $1.000000000e+00, v25;
	v28 =	vmul.f32 v27, v30;
	v32 =	vmul.f32 v33, v11;
	v33 =	vld [tilespmem:s0+$0xFFFFD7D0];
	[tilespmem:s1+$0xFFFFFFF0] =	vst v24;
	s1 =	smov.u32 s19;
	s19 =	smov.u32 s20  }
0x105: {  	v24 =	vbroadcast v2, $0x4;
	[tilespmem:s20+$0xFFFFFF30] =	vst v29  }
0x106: {  	v29 =	vshrl.u32 v25, $0x1;
	v34 =	vmul.f32 $5.000000000e-01, v25;
	v28 =	vmul.f32 v27, v28;
	[tilespmem:s3+$0xFFFFFE40] =	vst v23;
	v23 =	vld [tilespmem:s3+$0xFFFFD650]  }
0x107: {  	v29 =	vsub.s32 $0x5F3759DF, v29;
	v31 =	vmul.f32 v24, v31;
	[tilespmem:s1+$0xFFFFFFA0] =	vst v32;
	v32 =	vbroadcast v1, $0xC  }
0x108: {  	v36 =	vmul.f32 v29, v34;
	v28 =	vsub.f32 $1.500000000e+00, v28;
	[tilespmem:s3+$0xFFFFFF40] =	vst v26;
	v26 =	vld [tilespmem:s0+$0xFFFFD6C0]  }
0x109: {  	[tilespmem:s20+$0x40] =	vst v31;
	v31 =	vmul.f32 v33, v32  }
0x10a: {  	v33 =	vmul.f32 v29, v36;
	v27 =	vmul.f32 v27, v28;
	v28 =	vld [tilespmem:s3+$0xFFFFD760];
	[tilespmem:s0+$0xFFFFFFC0] =	vst v35  }
0x10b: {  	v23 =	vmul.f32 v21, v23;
	[tilespmem:s1+$0xC0] =	vst v31  }
0x10c: {  	v31 =	vsub.f32 $1.500000000e+00, v33;
	v30 =	vmul.f32 v27, v30;
	[tilespmem:s0+$0xFFFFFEB0] =	vst v11;
	v33 =	vld [tilespmem:s0+$0xFFFFD7E0];
	v11 =	vmov v20  }
0x10d: {  	v20 =	vbroadcast v2, $0x5;
	[tilespmem:s20+$0xFFFFFF40] =	vst v23;
	v23 =	vmul.f32 v26, v9  }
0x10e: {  	v26 =	vmul.f32 v29, v31;
	v29 =	vmul.f32 v30, v27;
	[tilespmem:s3+$0xFFFFFE50] =	vst v21;
	v21 =	vld [tilespmem:s3+$0xFFFFD660]  }
0x10f: {  	v28 =	vmul.f32 v20, v28;
	[tilespmem:s1+$0xFFFFFFB0] =	vst v23;
	v23 =	vbroadcast v1, $0xD  }
0x110: {  	v30 =	vmul.f32 v26, v34;
	v29 =	vsub.f32 $1.500000000e+00, v29;
	[tilespmem:s3+$0xFFFFFF50] =	vst v24;
	v24 =	vld [tilespmem:s0+$0xFFFFD6D0]  }
0x111: {  	[tilespmem:s20+$0x50] =	vst v28;
	v28 =	vmul.f32 v33, v23  }
0x112: {  	v30 =	vmul.f32 v30, v26;
	v27 =	vmul.f32 v29, v27;
	v29 =	vld [tilespmem:s3+$0xFFFFD770];
	[tilespmem:s0+$0xFFFFFFD0] =	vst v32  }
0x113: {  	v21 =	vmul.f32 v19, v21;
	[tilespmem:s1+$0xD0] =	vst v28  }
0x114: {  	v28 =	vsub.f32 $1.500000000e+00, v30;
	v22 =	vmul.f32 v27, v22;
	[tilespmem:s0+$0xFFFFFEC0] =	vst v9;
	v30 =	vld [tilespmem:s0+$0xFFFFD7F0];
	v9 =	vmov v17  }
0x115: {  	v17 =	vbroadcast v2, $0x6;
	[tilespmem:s20+$0xFFFFFF50] =	vst v21;
	v21 =	vmul.f32 v24, v6  }
0x116: {  	v24 =	vmul.f32 v28, v26;
	v22 =	vmul.f32 v22, v27;
	[tilespmem:s3+$0xFFFFFE60] =	vst v19;
	v19 =	vld [tilespmem:s3+$0xFFFFD670]  }
0x117: {  	v26 =	vmul.f32 v17, v29;
	[tilespmem:s1+$0xFFFFFFC0] =	vst v21;
	v21 =	vbroadcast v1, $0xE  }
0x118: {  	v25 =	vmul.f32 v24, v25;
	v22 =	vsub.f32 $1.000000000e+00, v22;
	[tilespmem:s3+$0xFFFFFF60] =	vst v20;
	v20 =	vld [tilespmem:s0+$0xFFFFD6E0]  }
0x119: {  	[tilespmem:s20+$0x60] =	vst v26;
	v26 =	vmul.f32 v30, v21  }
0x11a: {  	v25 =	vmul.f32 v25, v24;
	v28 =	vmul.f32 $3.750000000e-01, v22;
	v29 =	vld [tilespmem:s3+$0xFFFFD780];
	[tilespmem:s0+$0xFFFFFFE0] =	vst v23  }
0x11b: {  	v19 =	vmul.f32 v18, v19;
	[tilespmem:s1+$0xE0] =	vst v26  }
0x11c: {  	v23 =	vsub.f32 $1.000000000e+00, v25;
	v25 =	vadd.f32 $5.000000000e-01, v28;
	[tilespmem:s0+$0xFFFFFED0] =	vst v6;
	v26 =	vld [tilespmem:s0+$0xFFFFD800];
	v6 =	vmov v15  }
0x11d: {  	v15 =	vbroadcast v2, $0x7;
	[tilespmem:s20+$0xFFFFFF60] =	vst v19;
	v19 =	vmul.f32 v20, v5  }
0x11e: {  	v20 =	vmul.f32 $3.750000000e-01, v23;
	v22 =	vmul.f32 v25, v22;
	[tilespmem:s3+$0xFFFFFE70] =	vst v18;
	v18 =	vld [tilespmem:s3+$0xFFFFD680]  }
0x11f: {  	v25 =	vmul.f32 v15, v29;
	[tilespmem:s1+$0xFFFFFFD0] =	vst v19;
	v19 =	vbroadcast v1, $0xF;
	v1 =	vmov v2  }
0x120: {  	v2 =	vadd.f32 $5.000000000e-01, v20;
	[tilespmem:s3+$0xFFFFFF70] =	vst v17;
	v17 =	vld [tilespmem:s0+$0xFFFFD6F0]  }
0x121: {  	v20 =	vadd.f32 $1.000000000e+00, v22;
	s3 =	sadd.s32 $0x200, s3;
	[tilespmem:s20+$0x70] =	vst v25;
	v22 =	vmul.f32 v26, v19  }
0x122: {  	v23 =	vmul.f32 v2, v23;
	v25 =	vld [tilespmem:s3+$0xFFFFD710];
	[tilespmem:s0+$0xFFFFFFF0] =	vst v21  }
0x123: {  	v2 =	vmul.f32 v20, v27;
	v21 =	vld [tilespmem:s3+$0xFFFFD610];
	v18 =	vmul.f32 v16, v18;
	[tilespmem:s1+$0xF0] =	vst v22  }
0x124: {  	v20 =	vadd.f32 $1.000000000e+00, v23;
	v22 =	vld [tilespmem:s26+$0xFFFFD790];
	[tilespmem:s0+$0x0] =	vst v19  }
0x125: {  	v27 =	vbroadcast v2, $0x0;
	[tilespmem:s20+$0xFFFFFF70] =	vst v18;
	v17 =	vmul.f32 v17, v4  }
0x126: {  	v24 =	vmul.f32 v20, v24;
	[tilespmem:s26+$0xFFFFFE80] =	vst v16;
	v20 =	vld [tilespmem:s26+$0xFFFFD690]  }
0x127: {  	v28 =	vbroadcast v1, $0x8;
	v16 =	vmul.f32 v27, v25;
	[tilespmem:s0+$0xFFFFFEE0] =	vst v5;
	v5 =	vmov v13  }
0x128: {  	s20 =	sadd.s32 $0x200, s20;
	v13 =	vbroadcast v24, $0x0;
	v30 =	vbroadcast v24, $0x1;
	[tilespmem:s1+$0xFFFFFFE0] =	vst v17  }
0x129: {  	v26 =	vbroadcast v24, $0x2;
	[tilespmem:s20+$0x0] =	vst v16;
	v16 =	vmul.f32 v22, v28;
	v31 =	vld [tilespmem:s0+$0xFFFFD700]  }
0x12a: {  	v23 =	vbroadcast v24, $0x3;
	v17 =	vmul.f32 v13, v21;
	v25 =	vld [tilespmem:s3+$0xFFFFD720];
	[tilespmem:s26+$0xFFFFFF80] =	vst v15  }
0x12b: {  	v19 =	vbroadcast v24, $0x5;
	v21 =	vbroadcast v24, $0x4;
	[tilespmem:s19+$0x80] =	vst v16  }
0x12c: {  	v18 =	vbroadcast v24, $0x6;
	v16 =	vbroadcast v24, $0x7;
	[tilespmem:s20+$0xFFFFFF00] =	vst v17;
	v32 =	vld [tilespmem:s26+$0xFFFFD7A0]  }
0x12d: {  	v29 =	vbroadcast v2, $0x1;
	v34 =	vbroadcast v24, $0x8;
	[tilespmem:s3+$0xFFFFFE10] =	vst v13;
	v13 =	vld [tilespmem:s3+$0xFFFFD620]  }
0x12e: {  	v22 =	vbroadcast v24, $0x9;
	v33 =	vmul.f32 v20, v14;
	[tilespmem:s0+$0xFFFFFEF0] =	vst v4;
	v4 =	vmov v10  }
0x12f: {  	v10 =	vmul.f32 v29, v25;
	v25 =	vbroadcast v1, $0x9;
	[tilespmem:s31+$0xFFFFFF00] =	vst v7;
	v7 =	vmovc v3;
	v3 =	vmov v8;
	s31 =	smov.u32 s0;
	s0 =	smov.u32 s26;
	s26 =	smov.u32 s3  }
0x130: {  	v20 =	vbroadcast v24, $0xA;
	v17 =	vbroadcast v24, $0xB;
	[tilespmem:s3+$0xFFFFFF10] =	vst v27  }
0x131: {  	v15 =	vbroadcast v24, $0xC;
	[tilespmem:s20+$0x10] =	vst v10;
	v27 =	vmul.f32 v32, v25  }
0x132: {  	v32 =	vmul.f32 v30, v13;
	v13 =	vbroadcast v24, $0xD;
	v35 =	vld [tilespmem:s3+$0xFFFFD730];
	[tilespmem:s0+$0xFFFFFF90] =	vst v28  }
.Ltmp1:
0x133: {  	v8 =	vbroadcast v24, $0xF;
	v10 =	vbroadcast v24, $0xE;
	[tilespmem:s19+$0x90] =	vst v27;
	(pc) =	sbr.rel @p1 .LBB2_4-.Ltmp1, $4  }
0x134: {  	v24 =	vmul.f32 v31, v7;
	[tilespmem:s20+$0xFFFFFF10] =	vst v32;
	v28 =	vld [tilespmem:s0+$0xFFFFD7B0]  }
0x135: {  	v31 =	vbroadcast v2, $0x2;
	[tilespmem:s3+$0xFFFFFE20] =	vst v30;
	v32 =	vld [tilespmem:s3+$0xFFFFD630]  }
0x136: {  	[tilespmem:s19+$0xFFFFFF80] =	vst v33  }
0x137: {  	s5 =	sadd.s32 $0x20, s5;
	v27 =	vbroadcast v1, $0xA;
	v33 =	vmul.f32 v31, v35;
	[tilespmem:s0+$0xFFFFFE90] =	vst v14;
	v30 =	vld [tilespmem:s0+$0xFFFFD6A0];
	v14 =	vmov v34  }
0x138: {  	_ = 	snop  }
0x139: {  	[tilespmem:s3+$0xFFFFFF20] =	vst v29  }
0x13a: {  	[tilespmem:s20+$0x20] =	vst v33;
	v45 =	vmul.f32 v26, v32  }
0x13b: {  	v46 =	vld [tilespmem:s3+$0xFFFFD740]  }
0x13c: {  	[tilespmem:s20+$0xFFFFFF20] =	vst v45  }
0x13d: {  	v47 =	vld [tilespmem:s3+$0xFFFFD640]  }
0x13e: {  	v48 =	vbroadcast v2, $0x3;
	_ =	sdelay $0x1  }
0x13f: {  	[tilespmem:s3+$0xFFFFFF30] =	vst v31;
	v29 =	vmul.f32 v48, v46  }
0x140: {  	[tilespmem:s3+$0xFFFFFE30] =	vst v26  }
0x141: {  	[tilespmem:s20+$0x30] =	vst v29;
	v26 =	vmul.f32 v23, v47  }
0x142: {  	v49 =	vld [tilespmem:s3+$0xFFFFD750]  }
0x143: {  	[tilespmem:s20+$0xFFFFFF30] =	vst v26  }
0x144: {  	v50 =	vld [tilespmem:s3+$0xFFFFD650]  }
0x145: {  	v51 =	vbroadcast v2, $0x4;
	_ =	sdelay $0x1  }
0x146: {  	[tilespmem:s3+$0xFFFFFF40] =	vst v48;
	v26 =	vmul.f32 v51, v49  }
0x147: {  	[tilespmem:s3+$0xFFFFFE40] =	vst v23  }
0x148: {  	[tilespmem:s20+$0x40] =	vst v26;
	v23 =	vmul.f32 v21, v50  }
0x149: {  	v52 =	vld [tilespmem:s3+$0xFFFFD760]  }
0x14a: {  	[tilespmem:s20+$0xFFFFFF40] =	vst v23  }
0x14b: {  	v53 =	vld [tilespmem:s3+$0xFFFFD660]  }
0x14c: {  	v54 =	vbroadcast v2, $0x5;
	_ =	sdelay $0x1  }
0x14d: {  	[tilespmem:s3+$0xFFFFFF50] =	vst v51;
	v23 =	vmul.f32 v54, v52  }
0x14e: {  	[tilespmem:s3+$0xFFFFFE50] =	vst v21  }
0x14f: {  	[tilespmem:s20+$0x50] =	vst v23;
	v21 =	vmul.f32 v19, v53  }
0x150: {  	v55 =	vld [tilespmem:s3+$0xFFFFD770]  }
0x151: {  	[tilespmem:s20+$0xFFFFFF50] =	vst v21  }
0x152: {  	v56 =	vld [tilespmem:s3+$0xFFFFD670]  }
0x153: {  	v57 =	vbroadcast v2, $0x6;
	_ =	sdelay $0x1  }
0x154: {  	[tilespmem:s3+$0xFFFFFF60] =	vst v54;
	v21 =	vmul.f32 v57, v55  }
0x155: {  	[tilespmem:s3+$0xFFFFFE60] =	vst v19  }
0x156: {  	[tilespmem:s20+$0x60] =	vst v21;
	v19 =	vmul.f32 v18, v56  }
0x157: {  	v58 =	vld [tilespmem:s3+$0xFFFFD780]  }
0x158: {  	[tilespmem:s20+$0xFFFFFF60] =	vst v19  }
0x159: {  	v59 =	vld [tilespmem:s3+$0xFFFFD680]  }
0x15a: {  	v60 =	vbroadcast v2, $0x7;
	_ =	sdelay $0x1  }
0x15b: {  	[tilespmem:s3+$0xFFFFFF70] =	vst v57;
	v19 =	vmul.f32 v60, v58  }
0x15c: {  	[tilespmem:s3+$0xFFFFFE70] =	vst v18  }
0x15d: {  	[tilespmem:s20+$0x70] =	vst v19;
	v18 =	vmul.f32 v16, v59  }
0x15e: {  	v19 =	vld [tilespmem:s26+$0xFFFFD790]  }
0x15f: {  	[tilespmem:s20+$0xFFFFFF70] =	vst v18  }
0x160: {  	v63 =	vmul.f32 v30, v12;
	v61 =	vld [tilespmem:s26+$0xFFFFD690]  }
0x161: {  	v62 =	vbroadcast v2, $0x8  }
0x162: {  	[tilespmem:s19+$0xFFFFFF90] =	vst v63  }
0x163: {  	v29 =	vld [tilespmem:s0+$0xFFFFD6B0];
	[tilespmem:s26+$0xFFFFFF80] =	vst v60;
	v19 =	vmul.f32 v19, v62  }
0x164: {  	[tilespmem:s26+$0xFFFFFE80] =	vst v16  }
0x165: {  	[tilespmem:s20+$0x80] =	vst v19;
	v16 =	vmul.f32 v61, v14  }
0x166: {  	[tilespmem:s0+$0xFFFFFFA0] =	vst v25;
	v19 =	vld [tilespmem:s26+$0xFFFFD7A0]  }
0x167: {  	[tilespmem:s20+$0xFFFFFF80] =	vst v16  }
0x168: {  	[tilespmem:s0+$0xFFFFFEA0] =	vst v12;
	v12 =	vmul.f32 v29, v11;
	v16 =	vld [tilespmem:s26+$0xFFFFD6A0]  }
0x169: {  	[tilespmem:s1+$0xFFFFFFF0] =	vst v24;
	v26 =	vbroadcast v2, $0x9  }
0x16a: {  	[tilespmem:s19+$0xFFFFFFA0] =	vst v12  }
0x16b: {  	[tilespmem:s31+$0xFFFFFF00] =	vst v7;
	v36 =	vld [tilespmem:s0+$0xFFFFD6C0];
	v19 =	vmul.f32 v19, v26  }
0x16c: {  	[tilespmem:s26+$0xFFFFFF90] =	vst v62  }
0x16d: {  	[tilespmem:s20+$0x90] =	vst v19;
	v16 =	vmul.f32 v16, v22  }
0x16e: {  	v30 =	vmul.f32 v28, v27;
	[tilespmem:s26+$0xFFFFFE90] =	vst v14;
	v31 =	vld [tilespmem:s26+$0xFFFFD7B0]  }
0x16f: {  	[tilespmem:s20+$0xFFFFFF90] =	vst v16  }
0x170: {  	[tilespmem:s19+$0xA0] =	vst v30;
	v39 =	vmul.f32 v36, v9;
	v35 =	vld [tilespmem:s26+$0xFFFFD6B0]  }
0x171: {  	v33 =	vbroadcast v2, $0xA;
	[tilespmem:s0+$0xFFFFFEB0] =	vst v11  }
0x172: {  	v32 =	vld [tilespmem:s0+$0xFFFFD7C0];
	[tilespmem:s19+$0xFFFFFFB0] =	vst v39  }
0x173: {  	[tilespmem:s0+$0xFFFFFFB0] =	vst v27;
	v43 =	vld [tilespmem:s0+$0xFFFFD6D0];
	v18 =	vmul.f32 v31, v33  }
0x174: {  	[tilespmem:s26+$0xFFFFFFA0] =	vst v26  }
0x175: {  	v34 =	vbroadcast v1, $0xB;
	[tilespmem:s20+$0xA0] =	vst v18;
	v12 =	vmul.f32 v35, v20  }
0x176: {  	[tilespmem:s26+$0xFFFFFEA0] =	vst v22;
	v37 =	vld [tilespmem:s26+$0xFFFFD7C0]  }
0x177: {  	v19 =	vmul.f32 v32, v34;
	[tilespmem:s20+$0xFFFFFFA0] =	vst v12  }
0x178: {  	[tilespmem:s0+$0xFFFFFEC0] =	vst v9;
	v47 =	vmul.f32 v43, v6;
	v42 =	vld [tilespmem:s26+$0xFFFFD6C0]  }
0x179: {  	v40 =	vbroadcast v2, $0xB;
	[tilespmem:s19+$0xB0] =	vst v19  }
0x17a: {  	[tilespmem:s19+$0xFFFFFFC0] =	vst v47;
	v38 =	vld [tilespmem:s0+$0xFFFFD7D0]  }
0x17b: {  	v51 =	vld [tilespmem:s0+$0xFFFFD6E0];
	[tilespmem:s0+$0xFFFFFED0] =	vst v6;
	v14 =	vmul.f32 v37, v40  }
0x17c: {  	[tilespmem:s26+$0xFFFFFFB0] =	vst v33  }
0x17d: {  	v41 =	vbroadcast v1, $0xC;
	[tilespmem:s20+$0xB0] =	vst v14;
	v46 =	vmul.f32 v42, v17  }
0x17e: {  	[tilespmem:s26+$0xFFFFFEB0] =	vst v20;
	v44 =	vld [tilespmem:s26+$0xFFFFD7D0]  }
0x17f: {  	v7 =	vmul.f32 v38, v41;
	[tilespmem:s20+$0xFFFFFFB0] =	vst v46  }
0x180: {  	v53 =	vmul.f32 v51, v5;
	[tilespmem:s0+$0xFFFFFFC0] =	vst v34;
	v50 =	vld [tilespmem:s26+$0xFFFFD6D0]  }
0x181: {  	v48 =	vbroadcast v2, $0xC;
	[tilespmem:s19+$0xC0] =	vst v7  }
0x182: {  	[tilespmem:s19+$0xFFFFFFD0] =	vst v53;
	v45 =	vld [tilespmem:s0+$0xFFFFD7E0]  }
0x183: {  	v57 =	vld [tilespmem:s0+$0xFFFFD6F0];
	[tilespmem:s0+$0xFFFFFEE0] =	vst v5;
	v7 =	vmul.f32 v44, v48  }
0x184: {  	[tilespmem:s26+$0xFFFFFFC0] =	vst v40  }
0x185: {  	v49 =	vbroadcast v1, $0xD;
	[tilespmem:s20+$0xC0] =	vst v7;
	v52 =	vmul.f32 v50, v15  }
0x186: {  	[tilespmem:s26+$0xFFFFFEC0] =	vst v17;
	v7 =	vld [tilespmem:s26+$0xFFFFD7E0]  }
0x187: {  	v14 =	vmul.f32 v45, v49;
	[tilespmem:s20+$0xFFFFFFC0] =	vst v52  }
0x188: {  	v9 =	vmul.f32 v57, v4;
	[tilespmem:s0+$0xFFFFFFD0] =	vst v41;
	v56 =	vld [tilespmem:s26+$0xFFFFD6E0]  }
0x189: {  	v54 =	vbroadcast v2, $0xD;
	[tilespmem:s19+$0xD0] =	vst v14  }
0x18a: {  	[tilespmem:s19+$0xFFFFFFE0] =	vst v9;
	v14 =	vld [tilespmem:s0+$0xFFFFD7F0]  }
0x18b: {  	v60 =	vld [tilespmem:s0+$0xFFFFD700];
	[tilespmem:s0+$0xFFFFFEF0] =	vst v4;
	v7 =	vmul.f32 v7, v54  }
0x18c: {  	[tilespmem:s26+$0xFFFFFFD0] =	vst v48  }
0x18d: {  	v55 =	vbroadcast v1, $0xE;
	[tilespmem:s20+$0xD0] =	vst v7;
	v58 =	vmul.f32 v56, v13  }
0x18e: {  	[tilespmem:s26+$0xFFFFFED0] =	vst v15;
	v7 =	vld [tilespmem:s26+$0xFFFFD7F0]  }
0x18f: {  	v14 =	vmul.f32 v14, v55;
	[tilespmem:s20+$0xFFFFFFD0] =	vst v58  }
0x190: {  	v63 =	vmul.f32 v60, v3;
	[tilespmem:s0+$0xFFFFFFE0] =	vst v49;
	v5 =	vld [tilespmem:s26+$0xFFFFD6F0]  }
0x191: {  	v59 =	vbroadcast v2, $0xE;
	[tilespmem:s19+$0xE0] =	vst v14  }
0x192: {  	[tilespmem:s19+$0xFFFFFFF0] =	vst v63;
	v14 =	vld [tilespmem:s0+$0xFFFFD800]  }
0x193: {  	[tilespmem:s0+$0xFFFFFF00] =	vst v3;
	v7 =	vmul.f32 v7, v59  }
0x194: {  	[tilespmem:s26+$0xFFFFFFE0] =	vst v54  }
0x195: {  	v1 =	vbroadcast v1, $0xF;
	[tilespmem:s20+$0xE0] =	vst v7;
	v62 =	vmul.f32 v5, v10  }
0x196: {  	[tilespmem:s26+$0xFFFFFEE0] =	vst v13;
	v7 =	vld [tilespmem:s26+$0xFFFFD800]  }
0x197: {  	v61 =	vmul.f32 v14, v1;
	[tilespmem:s20+$0xFFFFFFE0] =	vst v62  }
0x198: {  	[tilespmem:s0+$0xFFFFFFF0] =	vst v55;
	v4 =	vld [tilespmem:s26+$0xFFFFD700]  }
0x199: {  	v2 =	vbroadcast v2, $0xF;
	[tilespmem:s19+$0xF0] =	vst v61  }
0x19a: {  	[tilespmem:s0+$0x0] =	vst v1  }
0x19b: {  	[tilespmem:s26+$0xFFFFFFF0] =	vst v59;
	v1 =	vmul.f32 v7, v2  }
0x19c: {  	[tilespmem:s26+$0xFFFFFEF0] =	vst v10  }
0x19d: {  	[tilespmem:s20+$0xF0] =	vst v1;
	v1 =	vmul.f32 v4, v8  }
0x19e: {  	[tilespmem:s26+$0x0] =	vst v2  }
0x19f: {  	[tilespmem:s20+$0xFFFFFFF0] =	vst v1  }
0x1a0: {  	[tilespmem:s26+$0xFFFFFF00] =	vst v8  }
0x1a1: {  	[spmem:s11] =	stream.linear.scatter [tilespmem:s23], [sflag:$0x4], $0x2800, $0x38;
	[tilespmem:$0x1E500] =	vst v63  }
0x1a2: {  	_ =	swait.ge [sflag:s16], $0x2800  }
0x1a3: {  	[sflag:s16] =	ssyncset.done $0x0  }
0x1a4: {  	s1 =	simm.s32 @!p0 $0x16800;
	s0 =	simm.s32 @!p0 $0x0;
	[sflag:s16] =	ssyncadd.s32 $0xFFFFD800  }
0x1a5: {  	[hbm4b:s12+s0] =	stream.linear.scatter @!p0 [tilespmem:s1], [sflag:$0x4], $0x2800, $0x38;
	[tilespmem:$0x1E500] =	vst v63  }
0x1a6: {  	s1 =	simm.s32 @!p0 $0x4  }
0x1a7: {  	_ =	swait.ge @!p0 [sflag:s1], $0x2800  }
0x1a8: {  	[sflag:s1] =	ssyncset.done @!p0 $0x0  }
0x1a9: {  	s3 =	simm.s32 @!p0 $0x5000;
	[sflag:s1] =	ssyncadd.s32 @!p0 $0xFFFFD800  }
0x1aa: {  	[hbm4b:s13+s0] =	stream.linear.scatter @!p0 [tilespmem:s3], [sflag:$0x4], $0x2800, $0x38;
	[tilespmem:$0x1E500] =	vst v63  }
0x1ab: {  	_ =	swait.ge @!p0 [sflag:s1], $0x2800  }
0x1ac: {  	[sflag:s1] =	ssyncset.done @!p0 $0x0  }
0x1ad: {  	[sflag:s1] =	ssyncadd.s32 @!p0 $0xFFFFD800  }
0x1ae: {  	[bflag:$0x0] =	sbarrier.arrive $0xFFFF  }
0x1af: {  	s17 =	rddreg [dreg:$0x3]  }
0x1b0: {  	[tilespmem:s18], [sflag:$0x1] =	stream.indirect.gather [spmem:s17], $0x10, s4, s24, $0xb8;
	[tilespmem:$0x1E500] =	vst v63  }
0x1b1: {  	_ = 	snop  }
0x1b2: {  	[tilespmem:s21], [sflag:$0x2] =	stream.indirect.gather [spmem:s17], $0x10, s24, s24, $0xb8;
	[tilespmem:$0x1E500] =	vst v63  }
0x1b3: {  	_ =	swait.ge [sflag:s22], $0xA000  }
0x1b4: {  	[sflag:s22] =	ssyncset.done $0x0  }
0x1b5: {  	s1 =	simm.s32 $0x1400;
	[sflag:s22] =	ssyncadd.s32 $0xFFFF6000  }
0x1b6: {  	[spmem:s2] =	stream.indirect.scatter.add.f32 [tilespmem:s18], [sflag:$0x3], $0x10, s1, s25, $0xb8;
	[tilespmem:$0x1E500] =	vst v63  }
0x1b7: {  	s19 =	simm.s32 $0x1480;
	s20 =	simm.s32 $0x3000  }
0x1b8: {  	[spmem:s2] =	stream.indirect.scatter.add.f32 [tilespmem:s20], [sflag:$0x3], $0x10, s19, s25, $0xb8;
	[tilespmem:$0x1E500] =	vst v63  }
0x1b9: {  	s31 =	simm.s32 $0x3800;
	s26 =	simm.s32 $0x1500  }
0x1ba: {  	[spmem:s2] =	stream.indirect.scatter.add.f32 [tilespmem:s31], [sflag:$0x3], $0x10, s26, s25, $0xb8;
	[tilespmem:$0x1E500] =	vst v63  }
0x1bb: {  	s5 =	simm.s32 $0x1580;
	s17 =	simm.s32 $0x4000  }
0x1bc: {  	[spmem:s2] =	stream.indirect.scatter.add.f32 [tilespmem:s17], [sflag:$0x3], $0x10, s5, s25, $0xb8;
	[tilespmem:$0x1E500] =	vst v63  }
0x1bd: {  	s19 =	simm.s32 $0x1600;
	s20 =	simm.s32 $0x4800  }
0x1be: {  	[spmem:s2] =	stream.indirect.scatter.add.f32 [tilespmem:s20], [sflag:$0x3], $0x10, s19, s25, $0xb8;
	[tilespmem:$0x1E500] =	vst v63  }
0x1bf: {  	s26 =	simm.s32 $0x1680;
	s31 =	simm.s32 $0x5000  }
0x1c0: {  	[spmem:s2] =	stream.indirect.scatter.add.f32 [tilespmem:s31], [sflag:$0x3], $0x10, s26, s25, $0xb8;
	[tilespmem:$0x1E500] =	vst v63  }
0x1c1: {  	s5 =	simm.s32 $0x1700;
	s17 =	simm.s32 $0x5800  }
0x1c2: {  	[spmem:s2] =	stream.indirect.scatter.add.f32 [tilespmem:s17], [sflag:$0x3], $0x10, s5, s25, $0xb8;
	[tilespmem:$0x1E500] =	vst v63  }
0x1c3: {  	s19 =	simm.s32 $0x1780;
	s20 =	simm.s32 $0x6000  }
0x1c4: {  	[spmem:s2] =	stream.indirect.scatter.add.f32 [tilespmem:s20], [sflag:$0x3], $0x10, s19, s25, $0xb8;
	[tilespmem:$0x1E500] =	vst v63  }
0x1c5: {  	s26 =	simm.s32 $0x1800;
	s31 =	simm.s32 $0x6800  }
0x1c6: {  	[spmem:s2] =	stream.indirect.scatter.add.f32 [tilespmem:s31], [sflag:$0x3], $0x10, s26, s25, $0xb8;
	[tilespmem:$0x1E500] =	vst v63  }
0x1c7: {  	s5 =	simm.s32 $0x1880;
	s17 =	simm.s32 $0x7000  }
0x1c8: {  	[spmem:s2] =	stream.indirect.scatter.add.f32 [tilespmem:s17], [sflag:$0x3], $0x10, s5, s25, $0xb8;
	[tilespmem:$0x1E500] =	vst v63  }
0x1c9: {  	s19 =	simm.s32 $0x1900;
	s20 =	simm.s32 $0x7800  }
0x1ca: {  	[spmem:s2] =	stream.indirect.scatter.add.f32 [tilespmem:s20], [sflag:$0x3], $0x10, s19, s25, $0xb8;
	[tilespmem:$0x1E500] =	vst v63  }
0x1cb: {  	s26 =	simm.s32 $0x1980;
	s31 =	simm.s32 $0x8000  }
0x1cc: {  	[spmem:s2] =	stream.indirect.scatter.add.f32 [tilespmem:s31], [sflag:$0x3], $0x10, s26, s25, $0xb8;
	[tilespmem:$0x1E500] =	vst v63  }
0x1cd: {  	s5 =	simm.s32 $0x1A00;
	s17 =	simm.s32 $0x8800  }
0x1ce: {  	[spmem:s2] =	stream.indirect.scatter.add.f32 [tilespmem:s17], [sflag:$0x3], $0x10, s5, s25, $0xb8;
	[tilespmem:$0x1E500] =	vst v63  }
0x1cf: {  	s19 =	simm.s32 $0x1A80;
	s20 =	simm.s32 $0x9000  }
0x1d0: {  	[spmem:s2] =	stream.indirect.scatter.add.f32 [tilespmem:s20], [sflag:$0x3], $0x10, s19, s25, $0xb8;
	[tilespmem:$0x1E500] =	vst v63  }
0x1d1: {  	s26 =	simm.s32 $0x1B00;
	s31 =	simm.s32 $0x9800  }
0x1d2: {  	[spmem:s2] =	stream.indirect.scatter.add.f32 [tilespmem:s31], [sflag:$0x3], $0x10, s26, s25, $0xb8;
	[tilespmem:$0x1E500] =	vst v63  }
0x1d3: {  	s5 =	simm.s32 $0x1B80;
	s17 =	simm.s32 $0xA000  }
0x1d4: {  	[spmem:s2] =	stream.indirect.scatter.add.f32 [tilespmem:s17], [sflag:$0x3], $0x10, s5, s25, $0xb8;
	[tilespmem:$0x1E500] =	vst v63  }
0x1d5: {  	s19 =	simm.s32 $0x1C00;
	s20 =	simm.s32 $0xA800  }
0x1d6: {  	[spmem:s2] =	stream.indirect.scatter.add.f32 [tilespmem:s20], [sflag:$0x3], $0x10, s19, s25, $0xb8;
	[tilespmem:$0x1E500] =	vst v63  }
0x1d7: {  	s26 =	simm.s32 $0x1C80;
	s31 =	simm.s32 $0xB000  }
0x1d8: {  	[spmem:s2] =	stream.indirect.scatter.add.f32 [tilespmem:s31], [sflag:$0x3], $0x10, s26, s25, $0xb8;
	[tilespmem:$0x1E500] =	vst v63  }
0x1d9: {  	s3 =	simm.s32 $0x1D00;
	s5 =	simm.s32 $0xB800  }
0x1da: {  	[spmem:s2] =	stream.indirect.scatter.add.f32 [tilespmem:s5], [sflag:$0x3], $0x10, s3, s25, $0xb8;
	[tilespmem:$0x1E500] =	vst v63  }
0x1db: {  	s17 =	simm.s32 $0x1D80;
	s19 =	simm.s32 $0xC000  }
0x1dc: {  	[spmem:s2] =	stream.indirect.scatter.add.f32 [tilespmem:s19], [sflag:$0x3], $0x10, s17, s25, $0xb8;
	[tilespmem:$0x1E500] =	vst v63  }
0x1dd: {  	_ =	swait.ge [sflag:s29], $0xA000  }
0x1de: {  	[sflag:s29] =	ssyncset.done $0x0  }
0x1df: {  	s20 =	simm.s32 $0x1E00;
	[sflag:s29] =	ssyncadd.s32 $0xFFFF6000  }
0x1e0: {  	[spmem:s2] =	stream.indirect.scatter.add.f32 [tilespmem:s21], [sflag:$0x3], $0x10, s20, s25, $0xb8;
	[tilespmem:$0x1E500] =	vst v63  }
0x1e1: {  	s26 =	simm.s32 $0x1E80;
	s31 =	simm.s32 $0xD000  }
0x1e2: {  	[spmem:s2] =	stream.indirect.scatter.add.f32 [tilespmem:s31], [sflag:$0x3], $0x10, s26, s25, $0xb8;
	[tilespmem:$0x1E500] =	vst v63  }
0x1e3: {  	s5 =	simm.s32 $0x1F00;
	s17 =	simm.s32 $0xD800  }
0x1e4: {  	[spmem:s2] =	stream.indirect.scatter.add.f32 [tilespmem:s17], [sflag:$0x3], $0x10, s5, s25, $0xb8;
	[tilespmem:$0x1E500] =	vst v63  }
0x1e5: {  	s19 =	simm.s32 $0x1F80;
	s20 =	simm.s32 $0xE000  }
0x1e6: {  	[spmem:s2] =	stream.indirect.scatter.add.f32 [tilespmem:s20], [sflag:$0x3], $0x10, s19, s25, $0xb8;
	[tilespmem:$0x1E500] =	vst v63  }
0x1e7: {  	s26 =	simm.s32 $0x2000;
	s31 =	simm.s32 $0xE800  }
0x1e8: {  	[spmem:s2] =	stream.indirect.scatter.add.f32 [tilespmem:s31], [sflag:$0x3], $0x10, s26, s25, $0xb8;
	[tilespmem:$0x1E500] =	vst v63  }
0x1e9: {  	s5 =	simm.s32 $0x2080;
	s17 =	simm.s32 $0xF000  }
0x1ea: {  	[spmem:s2] =	stream.indirect.scatter.add.f32 [tilespmem:s17], [sflag:$0x3], $0x10, s5, s25, $0xb8;
	[tilespmem:$0x1E500] =	vst v63  }
0x1eb: {  	s19 =	simm.s32 $0x2100;
	s20 =	simm.s32 $0xF800  }
0x1ec: {  	[spmem:s2] =	stream.indirect.scatter.add.f32 [tilespmem:s20], [sflag:$0x3], $0x10, s19, s25, $0xb8;
	[tilespmem:$0x1E500] =	vst v63  }
0x1ed: {  	s26 =	simm.s32 $0x2180;
	s31 =	simm.s32 $0x10000  }
0x1ee: {  	[spmem:s2] =	stream.indirect.scatter.add.f32 [tilespmem:s31], [sflag:$0x3], $0x10, s26, s25, $0xb8;
	[tilespmem:$0x1E500] =	vst v63  }
0x1ef: {  	s5 =	simm.s32 $0x2200;
	s17 =	simm.s32 $0x10800  }
0x1f0: {  	[spmem:s2] =	stream.indirect.scatter.add.f32 [tilespmem:s17], [sflag:$0x3], $0x10, s5, s25, $0xb8;
	[tilespmem:$0x1E500] =	vst v63  }
0x1f1: {  	s19 =	simm.s32 $0x2280;
	s20 =	simm.s32 $0x11000  }
0x1f2: {  	[spmem:s2] =	stream.indirect.scatter.add.f32 [tilespmem:s20], [sflag:$0x3], $0x10, s19, s25, $0xb8;
	[tilespmem:$0x1E500] =	vst v63  }
0x1f3: {  	s26 =	simm.s32 $0x2300;
	s31 =	simm.s32 $0x11800  }
0x1f4: {  	[spmem:s2] =	stream.indirect.scatter.add.f32 [tilespmem:s31], [sflag:$0x3], $0x10, s26, s25, $0xb8;
	[tilespmem:$0x1E500] =	vst v63  }
0x1f5: {  	s5 =	simm.s32 $0x2380;
	s17 =	simm.s32 $0x12000  }
0x1f6: {  	[spmem:s2] =	stream.indirect.scatter.add.f32 [tilespmem:s17], [sflag:$0x3], $0x10, s5, s25, $0xb8;
	[tilespmem:$0x1E500] =	vst v63  }
0x1f7: {  	s19 =	simm.s32 $0x2400;
	s20 =	simm.s32 $0x12800  }
0x1f8: {  	[spmem:s2] =	stream.indirect.scatter.add.f32 [tilespmem:s20], [sflag:$0x3], $0x10, s19, s25, $0xb8;
	[tilespmem:$0x1E500] =	vst v63  }
0x1f9: {  	s26 =	simm.s32 $0x2480;
	s31 =	simm.s32 $0x13000  }
0x1fa: {  	[spmem:s2] =	stream.indirect.scatter.add.f32 [tilespmem:s31], [sflag:$0x3], $0x10, s26, s25, $0xb8;
	[tilespmem:$0x1E500] =	vst v63  }
0x1fb: {  	s5 =	simm.s32 $0x2500;
	s17 =	simm.s32 $0x13800  }
0x1fc: {  	[spmem:s2] =	stream.indirect.scatter.add.f32 [tilespmem:s17], [sflag:$0x3], $0x10, s5, s25, $0xb8;
	[tilespmem:$0x1E500] =	vst v63  }
0x1fd: {  	s19 =	simm.s32 $0x2580;
	s20 =	simm.s32 $0x14000  }
0x1fe: {  	[spmem:s2] =	stream.indirect.scatter.add.f32 [tilespmem:s20], [sflag:$0x3], $0x10, s19, s25, $0xb8;
	[tilespmem:$0x1E500] =	vst v63  }
0x1ff: {  	s26 =	simm.s32 $0x2600;
	s31 =	simm.s32 $0x14800  }
0x200: {  	[spmem:s2] =	stream.indirect.scatter.add.f32 [tilespmem:s31], [sflag:$0x3], $0x10, s26, s25, $0xb8;
	[tilespmem:$0x1E500] =	vst v63  }
0x201: {  	s5 =	simm.s32 $0x2680;
	s17 =	simm.s32 $0x15000  }
0x202: {  	[spmem:s2] =	stream.indirect.scatter.add.f32 [tilespmem:s17], [sflag:$0x3], $0x10, s5, s25, $0xb8;
	[tilespmem:$0x1E500] =	vst v63  }
0x203: {  	s19 =	simm.s32 $0x2700;
	s20 =	simm.s32 $0x15800  }
0x204: {  	[spmem:s2] =	stream.indirect.scatter.add.f32 [tilespmem:s20], [sflag:$0x3], $0x10, s19, s25, $0xb8;
	[tilespmem:$0x1E500] =	vst v63  }
0x205: {  	s26 =	simm.s32 $0x2780;
	s31 =	simm.s32 $0x16000  }
0x206: {  	[spmem:s2] =	stream.indirect.scatter.add.f32 [tilespmem:s31], [sflag:$0x3], $0x10, s26, s25, $0xb8;
	[tilespmem:$0x1E500] =	vst v63  }
0x207: {  	_ =	swait.ge [sflag:s28], $0x800  }
0x208: {  	s0 =	simm.s32 $0x27;
	[sflag:s28] =	ssyncset.done $0x0  }
.LBB2_6:
0x209: {  	p1 =	sne.s32 s0, $0x1;
	s0 =	sadd.s32 $0xFFFFFFFF, s0;
	[sflag:s28] =	ssyncadd.s32 $0xFFFFF800  }
.Ltmp2:
0x20a: {  	(pc) =	sbr.rel @p1 .LBB2_6-.Ltmp2, $3  }
0x20b: {  	_ =	sdelay $0x1  }
0x20c: {  	_ =	swait.ge [sflag:s28], $0x800  }
0x20d: {  	[sflag:s28] =	ssyncset.done $0x0  }
0x20e: {  	[sflag:s28] =	ssyncadd.s32 $0xFFFFF800  }
0x20f: {  	[bflag:$0x0] =	sbarrier.arrive $0xFFFF  }
0x210: {  	[tilespmem:s23], [sflag:$0x4] =	stream.linear.gather [spmem:s10], $0x2800, $0x38;
	[tilespmem:$0x1E500] =	vst v63  }
0x211: {  	s30 =	sadd.s32 $0x1, s30;
	_ =	swait.ge [sflag:s16], $0x2800  }
0x212: {  	p1 =	sne.s32 s30, s15;
	[sflag:s16] =	ssyncset.done $0x0  }
.Ltmp3:
0x213: {  	[sflag:s16] =	ssyncadd.s32 $0xFFFFD800;
	(pc) =	sbr.rel @p1 .LBB2_1-.Ltmp3, $4  }
0x214: {  	[hbm4b:s14+s4] =	stream.linear.scatter [tilespmem:s23], [sflag:$0x4], $0x2800, $0x38;
	[tilespmem:$0x1E500] =	vst v63  }
0x215: {  	_ =	swait.ge [sflag:s16], $0x2800  }
0x216: {  	[sflag:s16] =	ssyncset.done $0x0  }
0x217: {  	[sflag:s16] =	ssyncadd.s32 $0xFFFFD800  }
0x218: {  	_ =	sfence.sel $0x180000  }
0x219: {  	[bflag:$0x0] =	sbarrier.arrive $0xFFFF  }
0x21a: {  	_ =	strace $0x9000004A  }
0x21b: {  	s0 =	stileid.u32;
	[bflag:$0x2] =	sbarrier.arrive $0xFFFF  }
0x21c: {  	p0 =	sne.s32 s0, $0x0;
	s0 =	rddreg [dreg:$0x4]  }
0x21d: {  	s0 =	sadd.s32 @!p0 $0x100000, s0  }
0x21e: {  	[sflag:s0] =	ssyncadd.tile.s32 @!p0 $0x1;
	_ =	shalt  }
.Lfunc_end2:
_tile_overlayer_lowered:
.L_overlay_start_2:
0x21f: {  	(tag) =	ssettag $0x2  }
0x220: {  	s0 =	rddreg [dreg:$0x0];
	s2 =	stileid.u32  }
0x221: {  	s1 =	rddreg [dreg:$0x1];
	p0 =	sne.s32 s2, $0x0  }
0x222: {  	s3 =	rddreg [dreg:$0x2];
	[bflag:$0x3] =	sbarrier.arrive $0xFFFF;
	s2 =	simm.s32 @!p0 $0x1C04  }
0x223: {  	[timem:s3], [sflag:s2] =	dma.local @!p0 [hbm:s0], s1  }
0x224: {  	s0 =	simm.s32 @!p0 $0x4  }
0x225: {  	_ =	swait.ge @!p0 [sflag:s0], s1  }
0x226: {  	s1 =	ssub.s32 @!p0 $0x0, s1;
	[sflag:s0] =	ssyncset.done @!p0 $0x0  }
0x227: {  	[sflag:s0] =	ssyncadd.s32 @!p0 s1  }
0x228: {  	[bflag:$0x3] =	sbarrier.arrive $0xFFFF  }
0x229: {  	_ =	shalt  }

// kernel: kernel.13.cloned.1.call-start
scs
__scs_entry_jumppad:
0x0: {  	(pc) =	sbr.rel $0x88, $3  }
0x1: {  	(tag) =	ssettag $0x0;
	lr =	simm.s32 $0x1  }
0x2: {  	[smem:$0x3F9B] =	sst lr;
	_ =	strace $0xD0000000  }
0x3: {  	_ = 	snop  }
0x4: {  	_ = 	snop  }
0x5: {  	_ = 	snop  }
0x6: {  	_ = 	snop  }
0x7: {  	_ = 	snop  }
__scs_overlays_trampoline_lowered:
0x8: {  	[smem:$0x3FAA] =	sst s0  }
0x9: {  	[smem:$0x3FAB] =	sst s1  }
0xa: {  	[smem:$0x3FAC] =	sst s2  }
0xb: {  	[smem:$0x3FAD] =	sst s3  }
0xc: {  	[smem:$0x3FAE] =	sst s4  }
0xd: {  	[smem:$0x3FAF] =	sst s5  }
0xe: {  	[smem:$0x3FB0] =	sst s6  }
0xf: {  	[smem:$0x3FB1] =	sst s7  }
0x10: {  	[smem:$0x3FB2] =	sst s8  }
0x11: {  	[smem:$0x3FB3] =	sst s9;
	s0 =	simm.s32 @!p0 $0x0  }
0x12: {  	s1 =	sld [smem:$0x3F99];
	s0 =	simm.s32 @p0 $0x1  }
0x13: {  	[smem:$0x3FB4] =	sst s0;
	s0 =	simm.s32 @!p1 $0x0  }
0x14: {  	s2 =	sld [smem:$0x3F98];
	s0 =	simm.s32 @p1 $0x1  }
0x15: {  	[smem:$0x3FB5] =	sst s0;
	s0 =	simm.s32 @!p2 $0x0  }
0x16: {  	s3 =	sld [smem:$0x3FDB];
	s0 =	simm.s32 @p2 $0x1  }
0x17: {  	s4 =	simm.s32 $0x1BF5;
	[smem:$0x3FB7] =	sst s0  }
0x18: {  	s0 =	sld [smem:$0x3F9A];
	_ =	swait.ge [sflag:s4], $0x0  }
0x19: {  	s7 =	sld [smem:$0x3F9B]  }
0x1a: {  	s8 =	sadd.s32 $0xFFFFE003, lr  }
0x1b: {  	s9 =	sadd.s32 $0xFFFFFEF7, lr;
	s5 =	simm.s32 $0xFFFFFFFF;
	p2 =	slt.u32 s8, $0xFFFFF086  }
0x1c: {  	p1 =	slt.u32 s9, $0xF7A;
	s5 =	simm.s32 @!p2 $0x0  }
0x1d: {  	s5 =	simm.s32 @p1 $0x1;
	p0 =	seq.s32 s7, s2  }
0x1e: {  	s7 =	smul.u32 @!p0 $0xF7A, s2;
	p2 =	seq.s32 @!p0 s5, $0x0  }
0x1f: {  	s9 =	smul.u32 $0xF7A, s1;
	s8 =	simm.s32 @!p0 $0x1BF5;
	p2 =	por !p2, p0  }
0x20: {  	[sflag:s8] =	ssyncset.s32 @!p0 $0xFFFFF086;
	s6 =	sadd.s32 @!p0 s3, s7;
	s7 =	simm.s32 @!p0 $0x108  }
0x21: {  	s3 =	sadd.s32 s3, s9;
	s6 =	sadd.s32 @!p0 $0x88, s6;
	s7 =	simm.s32 @p2 $0x1082  }
0x22: {  	[simem:s7], [sflag:s8] =	dma.local @!p0 [hbm:s6], $0xF7A  }
0x23: {  	s9 =	sor.u32 $0xD0000000, s2;
	s6 =	simm.s32 $0x108;
	_ =	swait.ge @!p0 [sflag:s8], $0x0  }
0x24: {  	s3 =	sadd.s32 $0x88, s3;
	s6 =	simm.s32 @!p1 $0x1082;
	[sflag:s4] =	ssyncset.s32 $0xFFFFF086  }
0x25: {  	[simem:s6], [sflag:s4] =	dma.local [hbm:s3], $0xF7A  }
0x26: {  	[smem:$0x3F9B] =	sst s1;
	(tag) =	ssettag s2;
	_ =	strace s9  }
0x27: {  	s1 =	sld [smem:$0x3FAB]  }
0x28: {  	s2 =	sld [smem:$0x3FAC]  }
0x29: {  	s4 =	sld [smem:$0x3FAE]  }
0x2a: {  	p0 =	seq.s32 s5, $0x0;
	s5 =	sld [smem:$0x3FAF]  }
0x2b: {  	s6 =	sld [smem:$0x3FB0]  }
0x2c: {  	s7 =	sld [smem:$0x3FB1]  }
0x2d: {  	s3 =	simm.s32 $0x108;
	s8 =	sld [smem:$0x3FB2]  }
0x2e: {  	s3 =	simm.s32 @!p0 $0x1082;
	s9 =	sld [smem:$0x3FB3]  }
0x2f: {  	lr =	sadd.s32 s0, s3;
	s0 =	sld [smem:$0x3FAA]  }
0x30: {  	s3 =	sld [smem:$0x3FAD]  }
0x31: {  	[smem:$0x3FB6] =	sst s10  }
0x32: {  	s10 =	sld [smem:$0x3FB4];
	_ =	sdelay $0x3  }
0x33: {  	p0 =	seq.s32 s10, $0x1;
	s10 =	sld [smem:$0x3FB6];
	_ =	sdelay $0x3  }
0x34: {  	[smem:$0x3FB6] =	sst s10  }
0x35: {  	s10 =	sld [smem:$0x3FB5];
	_ =	sdelay $0x3  }
0x36: {  	p1 =	seq.s32 s10, $0x1;
	s10 =	sld [smem:$0x3FB6];
	_ =	sdelay $0x3  }
0x37: {  	[smem:$0x3FB6] =	sst s10  }
0x38: {  	s10 =	sld [smem:$0x3FB7]  }
0x39: {  	_ = 	snop;
	(pc) =	sbr.ind lr, $3  }
0x3a: {  	_ = 	snop  }
0x3b: {  	_ = 	snop  }
0x3c: {  	p2 =	seq.s32 s10, $0x1;
	s10 =	sld [smem:$0x3FB6]  }
0x3d: {  	_ =	shalt  }
0x3e: {  	_ =	shalt  }
0x3f: {  	_ =	shalt  }
0x40: {  	_ =	shalt  }
0x41: {  	_ =	shalt  }
0x42: {  	_ =	shalt  }
0x43: {  	_ =	shalt  }
0x44: {  	_ =	shalt  }
0x45: {  	_ =	shalt  }
0x46: {  	_ =	shalt  }
0x47: {  	_ =	shalt  }
0x48: {  	_ =	shalt  }
0x49: {  	_ =	shalt  }
0x4a: {  	_ =	shalt  }
0x4b: {  	_ =	shalt  }
0x4c: {  	_ =	shalt  }
0x4d: {  	_ =	shalt  }
0x4e: {  	_ =	shalt  }
0x4f: {  	_ =	shalt  }
0x50: {  	_ =	shalt  }
0x51: {  	_ =	shalt  }
0x52: {  	_ =	shalt  }
0x53: {  	_ =	shalt  }
0x54: {  	_ =	shalt  }
0x55: {  	_ =	shalt  }
0x56: {  	_ =	shalt  }
0x57: {  	_ =	shalt  }
0x58: {  	_ =	shalt  }
0x59: {  	_ =	shalt  }
0x5a: {  	_ =	shalt  }
0x5b: {  	_ =	shalt  }
0x5c: {  	_ =	shalt  }
0x5d: {  	_ =	shalt  }
0x5e: {  	_ =	shalt  }
0x5f: {  	_ =	shalt  }
0x60: {  	_ =	shalt  }
0x61: {  	_ =	shalt  }
0x62: {  	_ =	shalt  }
0x63: {  	_ =	shalt  }
0x64: {  	_ =	shalt  }
0x65: {  	_ =	shalt  }
0x66: {  	_ =	shalt  }
0x67: {  	_ =	shalt  }
0x68: {  	_ =	shalt  }
0x69: {  	_ =	shalt  }
0x6a: {  	_ =	shalt  }
0x6b: {  	_ =	shalt  }
0x6c: {  	_ =	shalt  }
0x6d: {  	_ =	shalt  }
0x6e: {  	_ =	shalt  }
0x6f: {  	_ =	shalt  }
0x70: {  	_ =	shalt  }
0x71: {  	_ =	shalt  }
0x72: {  	_ =	shalt  }
0x73: {  	_ =	shalt  }
0x74: {  	_ =	shalt  }
0x75: {  	_ =	shalt  }
0x76: {  	_ =	shalt  }
0x77: {  	_ =	shalt  }
0x78: {  	_ =	shalt  }
0x79: {  	_ =	shalt  }
0x7a: {  	_ =	shalt  }
0x7b: {  	_ =	shalt  }
0x7c: {  	_ =	shalt  }
0x7d: {  	_ =	shalt  }
0x7e: {  	_ =	shalt  }
0x7f: {  	_ =	shalt  }
0x80: {  	_ =	shalt  }
0x81: {  	_ =	shalt  }
0x82: {  	_ =	shalt  }
0x83: {  	_ =	shalt  }
0x84: {  	_ =	shalt  }
0x85: {  	_ =	shalt  }
0x86: {  	_ =	shalt  }
0x87: {  	_ =	shalt  }
.Lfunc_end0:
.L_simem_size_0:
called_computation.2_lowered:
.L_overlay_start_0:
0x88: {  	s2 =	sld [smem:$0x3FD9]  }
0x89: {  	s3 =	sld [smem:$0x3FFE];
	_ =	sdelay $0x1  }
0x8a: {  	s1 =	srdreg.scid  }
0x8b: {  	s0 =	sand.u32 $0x1, s1  }
0x8c: {  	s17 =	sshll.u32 s0, $0xA;
	s2 =	sadd.s32 s3, s2  }
0x8d: {  	s2 =	sadd.s32 s2, s17  }
0x8e: {  	[smem:$0x3FC2] =	sst s2  }
0x8f: {  	_ = 	snop  }
0x90: {  	s2 =	sld [smem:$0x3FC6]  }
0x91: {  	s18 =	sld [smem:$0x3FD0];
	(tm) =	ssettm $0x1  }
0x92: {  	s4 =	sld [smem:$0x3FFB];
	_ =	sdelay $0x3  }
0x93: {  	_ =	strace s4  }
0x94: {  	s4 =	sld [smem:$0x3FFC];
	_ =	sdelay $0x3  }
0x95: {  	_ =	strace s4  }
0x96: {  	s4 =	sld [smem:$0x3FFD];
	_ =	sdelay $0x3  }
0x97: {  	_ =	strace s4  }
0x98: {  	_ =	strace $0x8FFFFFFF  }
0x99: {  	s19 =	sld [smem:$0x3FDB];
	_ =	sdelay $0x1  }
0x9a: {  	s5 =	simm.s32 $_scs_section_size  }
0x9b: {  	s6 =	simm.s32 $_size__tile_overlayer_lowered;
	s7 =	simm.s32 $_tile_overlayer_lowered  }
0x9c: {  	s22 =	simm.s32 $0x1BFF;
	s21 =	sshll.u32 s7, $0x1;
	s4 =	sadd.s32 s5, s19  }
0x9d: {  	s8 =	simm.s32 $0x0;
	s20 =	sshll.u32 s6, $0x1;
	s6 =	sadd.s32 s21, s4  }
0x9e: {  	[timem:s8], [sflag:s22] =	dma.local [hbm:s6], s20  }
0x9f: {  	_ =	swait.ge [sflag:s22], s20  }
0xa0: {  	s5 =	ssub.s32 $0x0, s20;
	[sflag:s22] =	ssyncset.done $0x0  }
0xa1: {  	[sflag:s22] =	ssyncadd.s32 s5;
	_ =	sdelay $0x1  }
0xa2: {  	s23 =	simm.s32 $0x1B8B  }
0xa3: {  	_ =	swait.ge [sflag:s23], $0x1  }
0xa4: {  	[sflag:s23] =	ssyncset.done $0x0  }
0xa5: {  	s25 =	simm.s32 $0x1B8E;
	s24 =	sld [smem:$0x3FFE];
	[sflag:s23] =	ssyncadd.s32 $0xFFFFFFFF  }
0xa6: {  	s26 =	simm.s32 $execute0_lowered;
	[smem:$0x3FD2] =	sst s25  }
0xa7: {  	s6 =	sshll.u32 s26, $0x1;
	_ =	strace $0x8000004C;
	[dreg:$0x1] =	wrdreg $0xFFFFFFFF  }
0xa8: {  	s28 =	simm.s32 $_size_execute0_lowered;
	s4 =	sadd.s32 s4, s6;
	[dreg:$0x0] =	wrdreg $0x0  }
0xa9: {  	s6 =	sshll.u32 s28, $0x1;
	[dreg:$0x2] =	wrdreg s4  }
0xaa: {  	[dreg:$0x3] =	wrdreg s6  }
0xab: {  	[dreg:$0x4] =	wrdreg $0xC0  }
0xac: {  	_ =	task [dreg:s8], $0x5FFFF  }
0xad: {  	[dreg:$0x1] =	wrdreg $0xFFFFFFFF  }
0xae: {  	[dreg:$0x0] =	wrdreg $0x60  }
0xaf: {  	[dreg:$0x2] =	wrdreg s24  }
0xb0: {  	[dreg:$0x3] =	wrdreg s2  }
0xb1: {  	[dreg:$0x4] =	wrdreg s18  }
0xb2: {  	[dreg:$0x5] =	wrdreg $0x1B8100  }
0xb3: {  	[dreg:$0x6] =	wrdreg $0x190100  }
0xb4: {  	[dreg:$0x7] =	wrdreg $0x9  }
0xb5: {  	_ =	task.clear_ibuf [dreg:s8], $0x8FFFF;
	_ =	strace $0x9000004C  }
0xb6: {  	s29 =	simm.s32 $0x9;
	_ =	strace $0x8000004E  }
0xb7: {  	_ =	swait.ge [sflag:s29], $0x1  }
0xb8: {  	[sflag:s29] =	ssyncadd.s32 $0xFFFFFFFF  }
0xb9: {  	_ =	strace $0x9000004E  }
0xba: {  	_ =	sfence  }
0xbb: {  	s30 =	sld [smem:$0x0];
	_ =	sdelay $0x2  }
0xbc: {  	s31 =	sshll.u32 s1, $0xD;
	s1 =	sshrl.u32 s1, $0x2  }
0xbd: {  	s3 =	sand.u32 $0x4000, s31;
	s1 =	sadd.s32 s1, s30  }
0xbe: {  	s0 =	sor.u32 s3, s0;
	s1 =	sshll.u32 s1, $0x11  }
0xbf: {  	s0 =	sor.u32 s1, s0  }
0xc0: {  	s0 =	sadd.s32 $0x8F2B, s0  }
0xc1: {  	[sflag:s0] =	ssyncadd.remote.s32 $0x1  }
0xc2: {  	_ =	sfence.sel $0xFFFF  }
0xc3: {  	[dreg:$0x0] =	wrdreg $0xFFFFFFFF;
	(pc) =	sbr.abs _section_cstart, $3  }
0xc4: {  	[dreg:$0x1] =	wrdreg $0xFFFFFFFF  }
0xc5: {  	_ =	task.clear_ibuf [dreg:s8], $0x2FFFF;
	_ =	strace $0x9FFFFFFF  }
0xc6: {  	(tm) =	ssettm $0x7FFFFFFF  }
0xc7: {  	_ =	shalt  }
tec
execute0_lowered:
.L_overlay_start_1:
0x0: {  	(tag) =	ssettag $0x1  }
0x1: {  	s0 =	rddreg [dreg:$0x0]  }
0x2: {  	s1 =	rddreg [dreg:$0x2]  }
0x3: {  	s2 =	rddreg [dreg:$0x3];
	s3 =	srdreg.scid  }
0x4: {  	s14 =	rddreg [dreg:$0x4];
	s6 =	stileid.u32;
	s5 =	simm.s32 $0x0  }
0x5: {  	s17 =	simm.s32 $0x4;
	s18 =	simm.s32 $0x1400;
	s20 =	simm.s32 $0x2800  }
0x6: {  	s21 =	simm.s32 $0x5000;
	s22 =	simm.s32 $0x7800;
	s23 =	simm.s32 $0xA000  }
0x7: {  	s24 =	simm.s32 $0xC800;
	s25 =	simm.s32 $0x1;
	s28 =	simm.s32 $0xA00  }
0x8: {  	s29 =	simm.s32 $0x80;
	s19 =	simm.s32 $0x2;
	s30 =	simm.s32 $0x0  }
0x9: {  	s3 =	sand.u32 $0x1, s3;
	s13 =	smul.u32 $0x2800, s6;
	[smem:$0x7FF] =	sst s5  }
0xa: {  	s4 =	sshll.u32 s3, $0x4;
	_ =	strace $0x8000004D;
	s7 =	ssub.s32 $0x2, s3  }
0xb: {  	s12 =	smul.u32 $0x28000, s3;
	p0 =	sne.s32 s3, $0x0;
	s4 =	sor.u32 s6, s4  }
0xc: {  	s6 =	sshrl.u32 s13, $0x3;
	s26 =	sshrl.u32 s7, $0x1;
	s4 =	smul.u32 $0x280, s4  }
0xd: {  	s16 =	ssub.s32 s7, s26;
	s31 =	sadd.s32 s13, s12;
	s12 =	sadd.s32 s13, s2  }
0xe: {  	s13 =	sadd.s32 s13, s14;
	s26 =	simm.s32 $0x16800;
	s4 =	sadd.s32 s4, s0  }
0xf: {  	s16 =	smax.u32 s16, $0x1;
	s0 =	sadd.s32 s6, s0;
	s6 =	sadd.s32 $0x1A00, s4  }
0x10: {  	s7 =	sadd.s32 $0x6A00, s4;
	s8 =	sadd.s32 $0xC600, s0;
	s9 =	sadd.s32 $0x11600, s0  }
0x11: {  	s10 =	sadd.s32 $0x16600, s0;
	s11 =	sadd.s32 $0x1B600, s0;
	s4 =	sshrl.u32 s31, $0x3  }
0x12: {  	v0 =	vimm.f32 $0.0e+00;
	s14 =	sadd.s32 $0x20600, s0;
	s15 =	sadd.s32 s1, s4;
	s1 =	simm.s32 $0x3  }
.LBB2_1:
0x13: {  	[tilespmem:s5], [sflag:$0x4] =	stream.linear.gather [hbm4b:s6+s5], $0x1400, $0x38;
	[tilespmem:$0x1E010] =	vst v63  }
0x14: {  	_ =	swait.ge [sflag:s17], $0x1400  }
0x15: {  	[sflag:s17] =	ssyncset.done $0x0  }
0x16: {  	[sflag:s17] =	ssyncadd.s32 $0xFFFFEC00  }
0x17: {  	[tilespmem:s18], [sflag:$0x4] =	stream.linear.gather [hbm4b:s7+s5], $0x1400, $0x38;
	[tilespmem:$0x1E010] =	vst v63  }
0x18: {  	_ =	swait.ge [sflag:s17], $0x1400  }
0x19: {  	[sflag:s17] =	ssyncset.done $0x0  }
0x1a: {  	[sflag:s17] =	ssyncadd.s32 $0xFFFFEC00  }
0x1b: {  	s3 =	simm.s32 $0x19000;
	s0 =	rddreg [dreg:$0x1]  }
0x1c: {  	[tilespmem:s3], [sflag:$0x4] =	stream.linear.gather [hbm4b:s0+s5], $0x10, $0x38;
	[tilespmem:$0x1E010] =	vst v63  }
0x1d: {  	_ =	swait.ge [sflag:s17], $0x10  }
0x1e: {  	[sflag:s17] =	ssyncset.done $0x0  }
0x1f: {  	[sflag:s17] =	ssyncadd.s32 $0xFFFFFFF0  }
0x20: {  	[tilespmem:s20], [sflag:$0x1] =	stream.linear.gather [hbm4b:s8+s5], $0x2800, $0x38;
	[tilespmem:$0x1E010] =	vst v63  }
0x21: {  	_ = 	snop  }
0x22: {  	[tilespmem:s21], [sflag:$0x1] =	stream.linear.gather [hbm4b:s9+s5], $0x2800, $0x38;
	[tilespmem:$0x1E010] =	vst v63  }
0x23: {  	_ = 	snop  }
0x24: {  	[tilespmem:s22], [sflag:$0x1] =	stream.linear.gather [hbm4b:s10+s5], $0x2800, $0x38;
	[tilespmem:$0x1E010] =	vst v63  }
0x25: {  	s0 =	simm.s32 $0xC840  }
0x26: {  	[tilespmem:s23], [sflag:$0x1] =	stream.linear.gather [hbm4b:s11+s5], $0x2800, $0x38;
	[tilespmem:$0x1E010] =	vst v63  }
0x27: {  	[tilespmem:s0+$0xFFFFFFC0] =	vst v0  }
0x28: {  	[tilespmem:s0+$0x30] =	vst v0  }
0x29: {  	[tilespmem:s0+$0x20] =	vst v0  }
0x2a: {  	[tilespmem:s0+$0x10] =	vst v0  }
0x2b: {  	[tilespmem:s0+$0x0] =	vst v0  }
0x2c: {  	[tilespmem:s0+$0xFFFFFFF0] =	vst v0  }
0x2d: {  	s3 =	simm.s32 $0x0;
	[tilespmem:s0+$0xFFFFFFE0] =	vst v0  }
.LBB2_2:
0x2e: {  	s3 =	sadd.s32 $0x8, s3;
	[tilespmem:s0+$0xFFFFFFD0] =	vst v0;
	s0 =	sadd.s32 $0x80, s0  }
0x2f: {  	[tilespmem:s0+$0xFFFFFFC0] =	vst v0;
	p1 =	slt.u32 s3, $0x278  }
0x30: {  	[tilespmem:s0+$0x30] =	vst v0  }
.Ltmp0:
0x31: {  	[tilespmem:s0+$0x20] =	vst v0;
	(pc) =	sbr.rel @p1 .LBB2_2-.Ltmp0, $4  }
0x32: {  	[tilespmem:s0+$0x10] =	vst v0  }
0x33: {  	[tilespmem:s0+$0x0] =	vst v0  }
0x34: {  	[tilespmem:s0+$0xFFFFFFF0] =	vst v0  }
0x35: {  	[tilespmem:s0+$0xFFFFFFE0] =	vst v0  }
0x36: {  	[tilespmem:s0+$0xFFFFFFD0] =	vst v0  }
0x37: {  	[spmem:s12] =	stream.linear.scatter [tilespmem:s24], [sflag:$0x4], $0x2800, $0x38;
	[tilespmem:$0x1E010] =	vst v63  }
0x38: {  	_ =	swait.ge [sflag:s17], $0x2800  }
0x39: {  	[sflag:s17] =	ssyncset.done $0x0  }
0x3a: {  	[sflag:s17] =	ssyncadd.s32 $0xFFFFD800  }
0x3b: {  	_ =	swait.ge [sflag:s25], $0x2800  }
0x3c: {  	[sflag:s25] =	ssyncset.done $0x0  }
0x3d: {  	[sflag:s25] =	ssyncadd.s32 $0xFFFFD800  }
0x3e: {  	_ =	swait.ge [sflag:s25], $0x2800  }
0x3f: {  	[sflag:s25] =	ssyncset.done $0x0  }
0x40: {  	[sflag:s25] =	ssyncadd.s32 $0xFFFFD800  }
0x41: {  	_ =	swait.ge [sflag:s25], $0x2800  }
0x42: {  	[sflag:s25] =	ssyncset.done $0x0  }
0x43: {  	[sflag:s25] =	ssyncadd.s32 $0xFFFFD800  }
0x44: {  	_ =	swait.ge [sflag:s25], $0x2800  }
0x45: {  	[sflag:s25] =	ssyncset.done $0x0  }
0x46: {  	[sflag:s25] =	ssyncadd.s32 $0xFFFFD800  }
0x47: {  	s31 =	simm.s32 $0x0;
	v1 =	vld [tilespmem:$0x19000]  }
0x48: {  	v2 =	vld [tilespmem:s31+$0x2870]  }
0x49: {  	v3 =	vld [tilespmem:s31+$0x5070]  }
0x4a: {  	v4 =	vld [tilespmem:s31+$0x2800]  }
0x4b: {  	v5 =	vld [tilespmem:s31+$0x7870]  }
0x4c: {  	v6 =	vld [tilespmem:s31+$0x5000]  }
0x4d: {  	v8 =	vld [tilespmem:s31+$0xA070]  }
0x4e: {  	v7 =	vld [tilespmem:s31+$0x2810]  }
0x4f: {  	v9 =	vld [tilespmem:s31+$0x5010]  }
0x50: {  	v10 =	vld [tilespmem:s31+$0x2820]  }
0x51: {  	v11 =	vld [tilespmem:s31+$0x5020]  }
0x52: {  	v12 =	vld [tilespmem:s31+$0x2830]  }
0x53: {  	v13 =	vld [tilespmem:s31+$0x5030]  }
0x54: {  	v14 =	vld [tilespmem:s31+$0x2840]  }
0x55: {  	v15 =	vld [tilespmem:s31+$0x5040]  }
0x56: {  	v16 =	vld [tilespmem:s31+$0x2850]  }
0x57: {  	v17 =	vld [tilespmem:s31+$0x5050]  }
0x58: {  	v18 =	vld [tilespmem:s31+$0x2860]  }
0x59: {  	v19 =	vld [tilespmem:s31+$0x5060]  }
0x5a: {  	v20 =	vld [tilespmem:s31+$0x7800]  }
0x5b: {  	v21 =	vld [tilespmem:s31+$0x7810];
	v2 =	vadd.f32 v3, v2  }
0x5c: {  	v22 =	vld [tilespmem:s31+$0x7820]  }
0x5d: {  	v23 =	vld [tilespmem:s31+$0x7830];
	v2 =	vadd.f32 v5, v2  }
0x5e: {  	v24 =	vld [tilespmem:s31+$0x7840]  }
0x5f: {  	v25 =	vld [tilespmem:s31+$0x7860];
	v4 =	vadd.f32 v6, v4;
	v2 =	vmul.f32 v2, v8  }
0x60: {  	v6 =	vld [tilespmem:s31+$0x7850];
	v9 =	vadd.f32 v9, v7;
	v10 =	vadd.f32 v11, v10  }
0x61: {  	v11 =	vadd.f32 v13, v12;
	v7 =	vld [tilespmem:s31+$0xA000];
	v2 =	vadd.f32 v2, v1  }
0x62: {  	v14 =	vadd.f32 v15, v14;
	v15 =	vadd.f32 v17, v16;
	v3 =	vld [tilespmem:s31+$0xA010]  }
0x63: {  	v62 =	vadd.f32 v19, v18;
	v63 =	vadd.f32 v20, v4;
	v5 =	vld [tilespmem:s31+$0xA020];
	v2 =	vmax.f32 v2, $0.0e+00  }
0x64: {  	v13 =	vadd.f32 v21, v9;
	v12 =	vadd.f32 v22, v10;
	v4 =	vld [tilespmem:s31+$0xA030];
	v8 =	vmul.f32 v2, v8  }
0x65: {  	v11 =	vadd.f32 v23, v11;
	v10 =	vadd.f32 v24, v14;
	v2 =	vld [tilespmem:s31+$0xA040]  }
0x66: {  	s0 =	simm.s32 $0x0;
	s3 =	simm.s32 $0x200;
	v9 =	vadd.f32 v6, v15;
	v14 =	vmul.f32 v63, v7;
	v6 =	vld [tilespmem:s31+$0xA050];
	[tilespmem:s31+$0x16870] =	vst v8;
	v8 =	vadd.f32 v25, v62  }
.LBB2_4:
0x67: {  	s4 =	sshra.s32 s3, $0x2;
	v13 =	vmul.f32 v13, v3;
	v15 =	vld [tilespmem:s31+$0xA060]  }
0x68: {  	s0 =	sadd.s32 $0x8, s0;
	v16 =	vld [tilespmem:s4+$0x2870];
	v14 =	vadd.f32 v14, v1;
	v12 =	vmul.f32 v12, v5  }
0x69: {  	p1 =	slt.u32 s0, $0x278;
	v17 =	vld [tilespmem:s4+$0x5070];
	v13 =	vadd.f32 v13, v1;
	v11 =	vmul.f32 v11, v4  }
0x6a: {  	v18 =	vld [tilespmem:s4+$0x2800];
	v14 =	vmax.f32 v14, $0.0e+00;
	v12 =	vadd.f32 v12, v1;
	v10 =	vmul.f32 v10, v2  }
0x6b: {  	v19 =	vld [tilespmem:s4+$0x7870];
	v13 =	vmax.f32 v13, $0.0e+00;
	v11 =	vadd.f32 v11, v1;
	v9 =	vmul.f32 v9, v6  }
0x6c: {  	v20 =	vld [tilespmem:s4+$0x5000];
	v12 =	vmax.f32 v12, $0.0e+00;
	v10 =	vadd.f32 v10, v1;
	v8 =	vmul.f32 v8, v15  }
0x6d: {  	v7 =	vmul.f32 v14, v7;
	v21 =	vld [tilespmem:s4+$0xA070];
	v11 =	vmax.f32 v11, $0.0e+00;
	v9 =	vadd.f32 v9, v1  }
0x6e: {  	v14 =	vld [tilespmem:s4+$0x2810];
	v16 =	vadd.f32 v17, v16;
	v10 =	vmax.f32 v10, $0.0e+00;
	v8 =	vadd.f32 v8, v1  }
0x6f: {  	v3 =	vmul.f32 v13, v3;
	v5 =	vmul.f32 v12, v5;
	v17 =	vld [tilespmem:s4+$0x5010];
	[tilespmem:s31+$0x16800] =	vst v7;
	v7 =	vmax.f32 v9, $0.0e+00  }
0x70: {  	v4 =	vmul.f32 v11, v4;
	v9 =	vld [tilespmem:s4+$0x2820];
	v12 =	vadd.f32 v19, v16;
	v8 =	vmax.f32 v8, $0.0e+00  }
0x71: {  	v2 =	vmul.f32 v10, v2;
	v11 =	vadd.f32 v20, v18;
	v13 =	vld [tilespmem:s4+$0x5020];
	[tilespmem:s31+$0x16810] =	vst v3;
	v3 =	vmul.f32 v7, v6  }
0x72: {  	v6 =	vld [tilespmem:s4+$0x2830];
	v7 =	vmul.f32 v12, v21;
	[tilespmem:s31+$0x16820] =	vst v5;
	v5 =	vmul.f32 v8, v15  }
0x73: {  	v8 =	vld [tilespmem:s4+$0x5030];
	[tilespmem:s31+$0x16830] =	vst v4  }
0x74: {  	v4 =	vadd.f32 v17, v14;
	v10 =	vld [tilespmem:s4+$0x2840];
	v7 =	vadd.f32 v7, v1;
	[tilespmem:s31+$0x16840] =	vst v2  }
0x75: {  	v2 =	vld [tilespmem:s4+$0x5040];
	[tilespmem:s31+$0x16850] =	vst v3  }
0x76: {  	v3 =	vadd.f32 v13, v9;
	v9 =	vld [tilespmem:s4+$0x2850];
	v7 =	vmax.f32 v7, $0.0e+00;
	[tilespmem:s31+$0x16860] =	vst v5;
	s31 =	smov.u32 s4  }
0x77: {  	v5 =	vld [tilespmem:s31+$0x5050];
	v7 =	vmul.f32 v7, v21  }
0x78: {  	v6 =	vadd.f32 v8, v6;
	v8 =	vld [tilespmem:s31+$0x2860]  }
0x79: {  	v12 =	vld [tilespmem:s31+$0x5060];
	[tilespmem:s31+$0x16870] =	vst v7  }
0x7a: {  	v7 =	vld [tilespmem:s31+$0x7800];
	v2 =	vadd.f32 v2, v10  }
0x7b: {  	v10 =	vld [tilespmem:s31+$0x7810]  }
0x7c: {  	v14 =	vld [tilespmem:s31+$0x7820];
	v9 =	vadd.f32 v5, v9  }
0x7d: {  	v5 =	vld [tilespmem:s31+$0x7830]  }
0x7e: {  	v15 =	vld [tilespmem:s31+$0x7840];
	v8 =	vadd.f32 v12, v8  }
0x7f: {  	v16 =	vadd.f32 v7, v11;
	v17 =	vld [tilespmem:s31+$0x7850]  }
0x80: {  	v13 =	vadd.f32 v10, v4;
	v18 =	vld [tilespmem:s31+$0x7860]  }
0x81: {  	v7 =	vld [tilespmem:s31+$0xA000];
	v12 =	vadd.f32 v14, v3  }
.Ltmp1:
0x82: {  	v3 =	vld [tilespmem:s31+$0xA010];
	v11 =	vadd.f32 v5, v6;
	(pc) =	sbr.rel @p1 .LBB2_4-.Ltmp1, $4  }
0x83: {  	v5 =	vld [tilespmem:s31+$0xA020];
	v10 =	vadd.f32 v15, v2  }
0x84: {  	v4 =	vld [tilespmem:s31+$0xA030];
	v9 =	vadd.f32 v17, v9  }
0x85: {  	v2 =	vld [tilespmem:s31+$0xA040];
	v8 =	vadd.f32 v18, v8  }
0x86: {  	s3 =	sadd.s32 $0x200, s3;
	v14 =	vmul.f32 v16, v7;
	v6 =	vld [tilespmem:s31+$0xA050]  }
0x87: {  	v13 =	vmul.f32 v13, v3  }
0x88: {  	v15 =	vld [tilespmem:s31+$0xA060];
	v14 =	vadd.f32 v14, v1;
	v12 =	vmul.f32 v12, v5  }
0x89: {  	v13 =	vadd.f32 v13, v1;
	v11 =	vmul.f32 v11, v4  }
0x8a: {  	v14 =	vmax.f32 v14, $0.0e+00;
	v12 =	vadd.f32 v12, v1  }
0x8b: {  	v10 =	vmul.f32 v10, v2;
	v13 =	vmax.f32 v13, $0.0e+00;
	v11 =	vadd.f32 v11, v1  }
0x8c: {  	v9 =	vmul.f32 v9, v6;
	v7 =	vmul.f32 v14, v7;
	v12 =	vmax.f32 v12, $0.0e+00  }
0x8d: {  	v10 =	vadd.f32 v10, v1;
	v8 =	vmul.f32 v8, v15;
	v3 =	vmul.f32 v13, v3  }
0x8e: {  	v11 =	vmax.f32 v11, $0.0e+00;
	v9 =	vadd.f32 v9, v1;
	[tilespmem:s31+$0x16800] =	vst v7;
	v61 =	vmul.f32 v12, v5  }
0x8f: {  	v62 =	vmax.f32 v10, $0.0e+00;
	v1 =	vadd.f32 v8, v1;
	v63 =	vmul.f32 v11, v4;
	[tilespmem:s31+$0x16810] =	vst v3  }
0x90: {  	v3 =	vmax.f32 v9, $0.0e+00;
	v2 =	vmul.f32 v62, v2;
	[tilespmem:s31+$0x16820] =	vst v61  }
0x91: {  	v1 =	vmax.f32 v1, $0.0e+00;
	v3 =	vmul.f32 v3, v6;
	[tilespmem:s31+$0x16830] =	vst v63  }
0x92: {  	v1 =	vmul.f32 v1, v15;
	[tilespmem:s31+$0x16840] =	vst v2  }
0x93: {  	[tilespmem:s31+$0x16850] =	vst v3  }
0x94: {  	[tilespmem:s31+$0x16860] =	vst v1  }
0x95: {  	[spmem:s13] =	stream.linear.scatter [tilespmem:s26], [sflag:$0x4], $0x2800, $0x38;
	[tilespmem:$0x1E010] =	vst v63  }
0x96: {  	_ =	swait.ge [sflag:s17], $0x2800  }
0x97: {  	[sflag:s17] =	ssyncset.done $0x0  }
0x98: {  	s0 =	simm.s32 @!p0 $0x0;
	s3 =	simm.s32 @!p0 $0x16800;
	[sflag:s17] =	ssyncadd.s32 $0xFFFFD800  }
0x99: {  	[hbm4b:s14+s0] =	stream.linear.scatter @!p0 [tilespmem:s3], [sflag:$0x4], $0x2800, $0x38;
	[tilespmem:$0x1E010] =	vst v63  }
0x9a: {  	s0 =	simm.s32 @!p0 $0x4  }
0x9b: {  	_ =	swait.ge @!p0 [sflag:s0], $0x2800  }
0x9c: {  	[sflag:s0] =	ssyncset.done @!p0 $0x0  }
0x9d: {  	[sflag:s0] =	ssyncadd.s32 @!p0 $0xFFFFD800  }
0x9e: {  	[bflag:$0x0] =	sbarrier.arrive $0xFFFF  }
0x9f: {  	s3 =	rddreg [dreg:$0x4]  }
0xa0: {  	[tilespmem:s20], [sflag:$0x1] =	stream.indirect.gather [spmem:s3], $0x10, s5, s28, $0xb8;
	[tilespmem:$0x1E010] =	vst v63  }
0xa1: {  	_ = 	snop  }
0xa2: {  	[tilespmem:s24], [sflag:$0x2] =	stream.indirect.gather [spmem:s3], $0x10, s28, s28, $0xb8;
	[tilespmem:$0x1E010] =	vst v63  }
0xa3: {  	_ =	swait.ge [sflag:s25], $0xA000  }
0xa4: {  	[sflag:s25] =	ssyncset.done $0x0  }
0xa5: {  	[sflag:s25] =	ssyncadd.s32 $0xFFFF6000  }
0xa6: {  	[spmem:s2] =	stream.indirect.scatter.add.f32 [tilespmem:s20], [sflag:$0x3], $0x10, s18, s29, $0xb8;
	[tilespmem:$0x1E010] =	vst v63  }
0xa7: {  	s4 =	simm.s32 $0x1480;
	s31 =	simm.s32 $0x3000  }
0xa8: {  	[spmem:s2] =	stream.indirect.scatter.add.f32 [tilespmem:s31], [sflag:$0x3], $0x10, s4, s29, $0xb8;
	[tilespmem:$0x1E010] =	vst v63  }
0xa9: {  	s4 =	simm.s32 $0x1500;
	s31 =	simm.s32 $0x3800  }
0xaa: {  	[spmem:s2] =	stream.indirect.scatter.add.f32 [tilespmem:s31], [sflag:$0x3], $0x10, s4, s29, $0xb8;
	[tilespmem:$0x1E010] =	vst v63  }
0xab: {  	s4 =	simm.s32 $0x1580;
	s31 =	simm.s32 $0x4000  }
0xac: {  	[spmem:s2] =	stream.indirect.scatter.add.f32 [tilespmem:s31], [sflag:$0x3], $0x10, s4, s29, $0xb8;
	[tilespmem:$0x1E010] =	vst v63  }
0xad: {  	s4 =	simm.s32 $0x1600;
	s31 =	simm.s32 $0x4800  }
0xae: {  	[spmem:s2] =	stream.indirect.scatter.add.f32 [tilespmem:s31], [sflag:$0x3], $0x10, s4, s29, $0xb8;
	[tilespmem:$0x1E010] =	vst v63  }
0xaf: {  	s3 =	simm.s32 $0x1680  }
0xb0: {  	[spmem:s2] =	stream.indirect.scatter.add.f32 [tilespmem:s21], [sflag:$0x3], $0x10, s3, s29, $0xb8;
	[tilespmem:$0x1E010] =	vst v63  }
0xb1: {  	s4 =	simm.s32 $0x1700;
	s31 =	simm.s32 $0x5800  }
0xb2: {  	[spmem:s2] =	stream.indirect.scatter.add.f32 [tilespmem:s31], [sflag:$0x3], $0x10, s4, s29, $0xb8;
	[tilespmem:$0x1E010] =	vst v63  }
0xb3: {  	s4 =	simm.s32 $0x1780;
	s31 =	simm.s32 $0x6000  }
0xb4: {  	[spmem:s2] =	stream.indirect.scatter.add.f32 [tilespmem:s31], [sflag:$0x3], $0x10, s4, s29, $0xb8;
	[tilespmem:$0x1E010] =	vst v63  }
0xb5: {  	s4 =	simm.s32 $0x1800;
	s31 =	simm.s32 $0x6800  }
0xb6: {  	[spmem:s2] =	stream.indirect.scatter.add.f32 [tilespmem:s31], [sflag:$0x3], $0x10, s4, s29, $0xb8;
	[tilespmem:$0x1E010] =	vst v63  }
0xb7: {  	s4 =	simm.s32 $0x1880;
	s31 =	simm.s32 $0x7000  }
0xb8: {  	[spmem:s2] =	stream.indirect.scatter.add.f32 [tilespmem:s31], [sflag:$0x3], $0x10, s4, s29, $0xb8;
	[tilespmem:$0x1E010] =	vst v63  }
0xb9: {  	s3 =	simm.s32 $0x1900  }
0xba: {  	[spmem:s2] =	stream.indirect.scatter.add.f32 [tilespmem:s22], [sflag:$0x3], $0x10, s3, s29, $0xb8;
	[tilespmem:$0x1E010] =	vst v63  }
0xbb: {  	s4 =	simm.s32 $0x1980;
	s31 =	simm.s32 $0x8000  }
0xbc: {  	[spmem:s2] =	stream.indirect.scatter.add.f32 [tilespmem:s31], [sflag:$0x3], $0x10, s4, s29, $0xb8;
	[tilespmem:$0x1E010] =	vst v63  }
0xbd: {  	s4 =	simm.s32 $0x1A00;
	s31 =	simm.s32 $0x8800  }
0xbe: {  	[spmem:s2] =	stream.indirect.scatter.add.f32 [tilespmem:s31], [sflag:$0x3], $0x10, s4, s29, $0xb8;
	[tilespmem:$0x1E010] =	vst v63  }
0xbf: {  	s4 =	simm.s32 $0x1A80;
	s31 =	simm.s32 $0x9000  }
0xc0: {  	[spmem:s2] =	stream.indirect.scatter.add.f32 [tilespmem:s31], [sflag:$0x3], $0x10, s4, s29, $0xb8;
	[tilespmem:$0x1E010] =	vst v63  }
0xc1: {  	s4 =	simm.s32 $0x1B00;
	s31 =	simm.s32 $0x9800  }
0xc2: {  	[spmem:s2] =	stream.indirect.scatter.add.f32 [tilespmem:s31], [sflag:$0x3], $0x10, s4, s29, $0xb8;
	[tilespmem:$0x1E010] =	vst v63  }
0xc3: {  	s3 =	simm.s32 $0x1B80  }
0xc4: {  	[spmem:s2] =	stream.indirect.scatter.add.f32 [tilespmem:s23], [sflag:$0x3], $0x10, s3, s29, $0xb8;
	[tilespmem:$0x1E010] =	vst v63  }
0xc5: {  	s4 =	simm.s32 $0x1C00;
	s31 =	simm.s32 $0xA800  }
0xc6: {  	[spmem:s2] =	stream.indirect.scatter.add.f32 [tilespmem:s31], [sflag:$0x3], $0x10, s4, s29, $0xb8;
	[tilespmem:$0x1E010] =	vst v63  }
0xc7: {  	s4 =	simm.s32 $0x1C80;
	s31 =	simm.s32 $0xB000  }
0xc8: {  	[spmem:s2] =	stream.indirect.scatter.add.f32 [tilespmem:s31], [sflag:$0x3], $0x10, s4, s29, $0xb8;
	[tilespmem:$0x1E010] =	vst v63  }
0xc9: {  	s4 =	simm.s32 $0x1D00;
	s31 =	simm.s32 $0xB800  }
0xca: {  	[spmem:s2] =	stream.indirect.scatter.add.f32 [tilespmem:s31], [sflag:$0x3], $0x10, s4, s29, $0xb8;
	[tilespmem:$0x1E010] =	vst v63  }
0xcb: {  	s4 =	simm.s32 $0x1D80;
	s31 =	simm.s32 $0xC000  }
0xcc: {  	[spmem:s2] =	stream.indirect.scatter.add.f32 [tilespmem:s31], [sflag:$0x3], $0x10, s4, s29, $0xb8;
	[tilespmem:$0x1E010] =	vst v63  }
0xcd: {  	_ =	swait.ge [sflag:s19], $0xA000  }
0xce: {  	[sflag:s19] =	ssyncset.done $0x0  }
0xcf: {  	s3 =	simm.s32 $0x1E00;
	[sflag:s19] =	ssyncadd.s32 $0xFFFF6000  }
0xd0: {  	[spmem:s2] =	stream.indirect.scatter.add.f32 [tilespmem:s24], [sflag:$0x3], $0x10, s3, s29, $0xb8;
	[tilespmem:$0x1E010] =	vst v63  }
0xd1: {  	s4 =	simm.s32 $0x1E80;
	s31 =	simm.s32 $0xD000  }
0xd2: {  	[spmem:s2] =	stream.indirect.scatter.add.f32 [tilespmem:s31], [sflag:$0x3], $0x10, s4, s29, $0xb8;
	[tilespmem:$0x1E010] =	vst v63  }
0xd3: {  	s4 =	simm.s32 $0x1F00;
	s31 =	simm.s32 $0xD800  }
0xd4: {  	[spmem:s2] =	stream.indirect.scatter.add.f32 [tilespmem:s31], [sflag:$0x3], $0x10, s4, s29, $0xb8;
	[tilespmem:$0x1E010] =	vst v63  }
0xd5: {  	s4 =	simm.s32 $0x1F80;
	s31 =	simm.s32 $0xE000  }
0xd6: {  	[spmem:s2] =	stream.indirect.scatter.add.f32 [tilespmem:s31], [sflag:$0x3], $0x10, s4, s29, $0xb8;
	[tilespmem:$0x1E010] =	vst v63  }
0xd7: {  	s4 =	simm.s32 $0x2000;
	s31 =	simm.s32 $0xE800  }
0xd8: {  	[spmem:s2] =	stream.indirect.scatter.add.f32 [tilespmem:s31], [sflag:$0x3], $0x10, s4, s29, $0xb8;
	[tilespmem:$0x1E010] =	vst v63  }
0xd9: {  	s4 =	simm.s32 $0x2080;
	s31 =	simm.s32 $0xF000  }
0xda: {  	[spmem:s2] =	stream.indirect.scatter.add.f32 [tilespmem:s31], [sflag:$0x3], $0x10, s4, s29, $0xb8;
	[tilespmem:$0x1E010] =	vst v63  }
0xdb: {  	s4 =	simm.s32 $0x2100;
	s31 =	simm.s32 $0xF800  }
0xdc: {  	[spmem:s2] =	stream.indirect.scatter.add.f32 [tilespmem:s31], [sflag:$0x3], $0x10, s4, s29, $0xb8;
	[tilespmem:$0x1E010] =	vst v63  }
0xdd: {  	s4 =	simm.s32 $0x2180;
	s31 =	simm.s32 $0x10000  }
0xde: {  	[spmem:s2] =	stream.indirect.scatter.add.f32 [tilespmem:s31], [sflag:$0x3], $0x10, s4, s29, $0xb8;
	[tilespmem:$0x1E010] =	vst v63  }
0xdf: {  	s4 =	simm.s32 $0x2200;
	s31 =	simm.s32 $0x10800  }
0xe0: {  	[spmem:s2] =	stream.indirect.scatter.add.f32 [tilespmem:s31], [sflag:$0x3], $0x10, s4, s29, $0xb8;
	[tilespmem:$0x1E010] =	vst v63  }
0xe1: {  	s4 =	simm.s32 $0x2280;
	s31 =	simm.s32 $0x11000  }
0xe2: {  	[spmem:s2] =	stream.indirect.scatter.add.f32 [tilespmem:s31], [sflag:$0x3], $0x10, s4, s29, $0xb8;
	[tilespmem:$0x1E010] =	vst v63  }
0xe3: {  	s4 =	simm.s32 $0x2300;
	s31 =	simm.s32 $0x11800  }
0xe4: {  	[spmem:s2] =	stream.indirect.scatter.add.f32 [tilespmem:s31], [sflag:$0x3], $0x10, s4, s29, $0xb8;
	[tilespmem:$0x1E010] =	vst v63  }
0xe5: {  	s4 =	simm.s32 $0x2380;
	s31 =	simm.s32 $0x12000  }
0xe6: {  	[spmem:s2] =	stream.indirect.scatter.add.f32 [tilespmem:s31], [sflag:$0x3], $0x10, s4, s29, $0xb8;
	[tilespmem:$0x1E010] =	vst v63  }
0xe7: {  	s4 =	simm.s32 $0x2400;
	s31 =	simm.s32 $0x12800  }
0xe8: {  	[spmem:s2] =	stream.indirect.scatter.add.f32 [tilespmem:s31], [sflag:$0x3], $0x10, s4, s29, $0xb8;
	[tilespmem:$0x1E010] =	vst v63  }
0xe9: {  	s4 =	simm.s32 $0x2480;
	s31 =	simm.s32 $0x13000  }
0xea: {  	[spmem:s2] =	stream.indirect.scatter.add.f32 [tilespmem:s31], [sflag:$0x3], $0x10, s4, s29, $0xb8;
	[tilespmem:$0x1E010] =	vst v63  }
0xeb: {  	s4 =	simm.s32 $0x2500;
	s31 =	simm.s32 $0x13800  }
0xec: {  	[spmem:s2] =	stream.indirect.scatter.add.f32 [tilespmem:s31], [sflag:$0x3], $0x10, s4, s29, $0xb8;
	[tilespmem:$0x1E010] =	vst v63  }
0xed: {  	s4 =	simm.s32 $0x2580;
	s31 =	simm.s32 $0x14000  }
0xee: {  	[spmem:s2] =	stream.indirect.scatter.add.f32 [tilespmem:s31], [sflag:$0x3], $0x10, s4, s29, $0xb8;
	[tilespmem:$0x1E010] =	vst v63  }
0xef: {  	s4 =	simm.s32 $0x2600;
	s31 =	simm.s32 $0x14800  }
0xf0: {  	[spmem:s2] =	stream.indirect.scatter.add.f32 [tilespmem:s31], [sflag:$0x3], $0x10, s4, s29, $0xb8;
	[tilespmem:$0x1E010] =	vst v63  }
0xf1: {  	s4 =	simm.s32 $0x2680;
	s31 =	simm.s32 $0x15000  }
0xf2: {  	[spmem:s2] =	stream.indirect.scatter.add.f32 [tilespmem:s31], [sflag:$0x3], $0x10, s4, s29, $0xb8;
	[tilespmem:$0x1E010] =	vst v63  }
0xf3: {  	s4 =	simm.s32 $0x2700;
	s31 =	simm.s32 $0x15800  }
0xf4: {  	[spmem:s2] =	stream.indirect.scatter.add.f32 [tilespmem:s31], [sflag:$0x3], $0x10, s4, s29, $0xb8;
	[tilespmem:$0x1E010] =	vst v63  }
0xf5: {  	s4 =	simm.s32 $0x2780;
	s31 =	simm.s32 $0x16000  }
0xf6: {  	[spmem:s2] =	stream.indirect.scatter.add.f32 [tilespmem:s31], [sflag:$0x3], $0x10, s4, s29, $0xb8;
	[tilespmem:$0x1E010] =	vst v63  }
0xf7: {  	_ =	swait.ge [sflag:s1], $0x800  }
0xf8: {  	s0 =	simm.s32 $0x27;
	[sflag:s1] =	ssyncset.done $0x0  }
.LBB2_6:
0xf9: {  	p1 =	sne.s32 s0, $0x1;
	s0 =	sadd.s32 $0xFFFFFFFF, s0;
	[sflag:s1] =	ssyncadd.s32 $0xFFFFF800  }
.Ltmp2:
0xfa: {  	(pc) =	sbr.rel @p1 .LBB2_6-.Ltmp2, $3  }
0xfb: {  	_ =	sdelay $0x1  }
0xfc: {  	_ =	swait.ge [sflag:s1], $0x800  }
0xfd: {  	[sflag:s1] =	ssyncset.done $0x0  }
0xfe: {  	[sflag:s1] =	ssyncadd.s32 $0xFFFFF800  }
0xff: {  	[bflag:$0x0] =	sbarrier.arrive $0xFFFF  }
0x100: {  	[tilespmem:s26], [sflag:$0x4] =	stream.linear.gather [spmem:s12], $0x2800, $0x38;
	[tilespmem:$0x1E010] =	vst v63  }
0x101: {  	s30 =	sadd.s32 $0x1, s30;
	_ =	swait.ge [sflag:s17], $0x2800  }
0x102: {  	p1 =	sne.s32 s30, s16;
	[sflag:s17] =	ssyncset.done $0x0  }
.Ltmp3:
0x103: {  	[sflag:s17] =	ssyncadd.s32 $0xFFFFD800;
	(pc) =	sbr.rel @p1 .LBB2_1-.Ltmp3, $4  }
0x104: {  	[hbm4b:s15+s5] =	stream.linear.scatter [tilespmem:s26], [sflag:$0x4], $0x2800, $0x38;
	[tilespmem:$0x1E010] =	vst v63  }
0x105: {  	_ =	swait.ge [sflag:s17], $0x2800  }
0x106: {  	[sflag:s17] =	ssyncset.done $0x0  }
0x107: {  	[sflag:s17] =	ssyncadd.s32 $0xFFFFD800  }
0x108: {  	_ =	sfence.sel $0x180000  }
0x109: {  	[bflag:$0x0] =	sbarrier.arrive $0xFFFF  }
0x10a: {  	_ =	strace $0x9000004D  }
0x10b: {  	s0 =	stileid.u32;
	[bflag:$0x2] =	sbarrier.arrive $0xFFFF  }
0x10c: {  	p0 =	sne.s32 s0, $0x0;
	s0 =	rddreg [dreg:$0x5]  }
0x10d: {  	s0 =	sadd.s32 @!p0 $0x100000, s0  }
0x10e: {  	[sflag:s0] =	ssyncadd.tile.s32 @!p0 $0x1;
	_ =	shalt  }
.Lfunc_end2:
_tile_overlayer_lowered:
.L_overlay_start_2:
0x10f: {  	(tag) =	ssettag $0x2  }
0x110: {  	s0 =	rddreg [dreg:$0x0];
	s2 =	stileid.u32  }
0x111: {  	s1 =	rddreg [dreg:$0x1];
	p0 =	sne.s32 s2, $0x0  }
0x112: {  	s3 =	rddreg [dreg:$0x2];
	[bflag:$0x3] =	sbarrier.arrive $0xFFFF;
	s2 =	simm.s32 @!p0 $0x1C04  }
0x113: {  	[timem:s3], [sflag:s2] =	dma.local @!p0 [hbm:s0], s1  }
0x114: {  	s0 =	simm.s32 @!p0 $0x4  }
0x115: {  	_ =	swait.ge @!p0 [sflag:s0], s1  }
0x116: {  	s1 =	ssub.s32 @!p0 $0x0, s1;
	[sflag:s0] =	ssyncset.done @!p0 $0x0  }
0x117: {  	[sflag:s0] =	ssyncadd.s32 @!p0 s1  }
0x118: {  	[bflag:$0x3] =	sbarrier.arrive $0xFFFF  }
0x119: {  	_ =	shalt  }

// kernel: kernel.7.cloned.1.call-start
scs
__scs_entry_jumppad:
0x0: {  	(pc) =	sbr.rel $0x88, $3  }
0x1: {  	(tag) =	ssettag $0x0;
	lr =	simm.s32 $0x1  }
0x2: {  	[smem:$0x3F9B] =	sst lr;
	_ =	strace $0xD0000000  }
0x3: {  	_ = 	snop  }
0x4: {  	_ = 	snop  }
0x5: {  	_ = 	snop  }
0x6: {  	_ = 	snop  }
0x7: {  	_ = 	snop  }
__scs_overlays_trampoline_lowered:
0x8: {  	[smem:$0x3FAA] =	sst s0  }
0x9: {  	[smem:$0x3FAB] =	sst s1  }
0xa: {  	[smem:$0x3FAC] =	sst s2  }
0xb: {  	[smem:$0x3FAD] =	sst s3  }
0xc: {  	[smem:$0x3FAE] =	sst s4  }
0xd: {  	[smem:$0x3FAF] =	sst s5  }
0xe: {  	[smem:$0x3FB0] =	sst s6  }
0xf: {  	[smem:$0x3FB1] =	sst s7  }
0x10: {  	[smem:$0x3FB2] =	sst s8  }
0x11: {  	[smem:$0x3FB3] =	sst s9;
	s0 =	simm.s32 @!p0 $0x0  }
0x12: {  	s1 =	sld [smem:$0x3F99];
	s0 =	simm.s32 @p0 $0x1  }
0x13: {  	[smem:$0x3FB4] =	sst s0;
	s0 =	simm.s32 @!p1 $0x0  }
0x14: {  	s2 =	sld [smem:$0x3F98];
	s0 =	simm.s32 @p1 $0x1  }
0x15: {  	[smem:$0x3FB5] =	sst s0;
	s0 =	simm.s32 @!p2 $0x0  }
0x16: {  	s3 =	sld [smem:$0x3FDB];
	s0 =	simm.s32 @p2 $0x1  }
0x17: {  	s4 =	simm.s32 $0x1BF5;
	[smem:$0x3FB7] =	sst s0  }
0x18: {  	s0 =	sld [smem:$0x3F9A];
	_ =	swait.ge [sflag:s4], $0x0  }
0x19: {  	s7 =	sld [smem:$0x3F9B]  }
0x1a: {  	s8 =	sadd.s32 $0xFFFFE003, lr  }
0x1b: {  	s9 =	sadd.s32 $0xFFFFFEF7, lr;
	s5 =	simm.s32 $0xFFFFFFFF;
	p2 =	slt.u32 s8, $0xFFFFF086  }
0x1c: {  	p1 =	slt.u32 s9, $0xF7A;
	s5 =	simm.s32 @!p2 $0x0  }
0x1d: {  	s5 =	simm.s32 @p1 $0x1;
	p0 =	seq.s32 s7, s2  }
0x1e: {  	s7 =	smul.u32 @!p0 $0xF7A, s2;
	p2 =	seq.s32 @!p0 s5, $0x0  }
0x1f: {  	s9 =	smul.u32 $0xF7A, s1;
	s8 =	simm.s32 @!p0 $0x1BF5;
	p2 =	por !p2, p0  }
0x20: {  	[sflag:s8] =	ssyncset.s32 @!p0 $0xFFFFF086;
	s6 =	sadd.s32 @!p0 s3, s7;
	s7 =	simm.s32 @!p0 $0x108  }
0x21: {  	s3 =	sadd.s32 s3, s9;
	s6 =	sadd.s32 @!p0 $0x88, s6;
	s7 =	simm.s32 @p2 $0x1082  }
0x22: {  	[simem:s7], [sflag:s8] =	dma.local @!p0 [hbm:s6], $0xF7A  }
0x23: {  	s9 =	sor.u32 $0xD0000000, s2;
	s6 =	simm.s32 $0x108;
	_ =	swait.ge @!p0 [sflag:s8], $0x0  }
0x24: {  	s3 =	sadd.s32 $0x88, s3;
	s6 =	simm.s32 @!p1 $0x1082;
	[sflag:s4] =	ssyncset.s32 $0xFFFFF086  }
0x25: {  	[simem:s6], [sflag:s4] =	dma.local [hbm:s3], $0xF7A  }
0x26: {  	[smem:$0x3F9B] =	sst s1;
	(tag) =	ssettag s2;
	_ =	strace s9  }
0x27: {  	s1 =	sld [smem:$0x3FAB]  }
0x28: {  	s2 =	sld [smem:$0x3FAC]  }
0x29: {  	s4 =	sld [smem:$0x3FAE]  }
0x2a: {  	p0 =	seq.s32 s5, $0x0;
	s5 =	sld [smem:$0x3FAF]  }
0x2b: {  	s6 =	sld [smem:$0x3FB0]  }
0x2c: {  	s7 =	sld [smem:$0x3FB1]  }
0x2d: {  	s3 =	simm.s32 $0x108;
	s8 =	sld [smem:$0x3FB2]  }
0x2e: {  	s3 =	simm.s32 @!p0 $0x1082;
	s9 =	sld [smem:$0x3FB3]  }
0x2f: {  	lr =	sadd.s32 s0, s3;
	s0 =	sld [smem:$0x3FAA]  }
0x30: {  	s3 =	sld [smem:$0x3FAD]  }
0x31: {  	[smem:$0x3FB6] =	sst s10  }
0x32: {  	s10 =	sld [smem:$0x3FB4];
	_ =	sdelay $0x3  }
0x33: {  	p0 =	seq.s32 s10, $0x1;
	s10 =	sld [smem:$0x3FB6];
	_ =	sdelay $0x3  }
0x34: {  	[smem:$0x3FB6] =	sst s10  }
0x35: {  	s10 =	sld [smem:$0x3FB5];
	_ =	sdelay $0x3  }
0x36: {  	p1 =	seq.s32 s10, $0x1;
	s10 =	sld [smem:$0x3FB6];
	_ =	sdelay $0x3  }
0x37: {  	[smem:$0x3FB6] =	sst s10  }
0x38: {  	s10 =	sld [smem:$0x3FB7]  }
0x39: {  	_ = 	snop;
	(pc) =	sbr.ind lr, $3  }
0x3a: {  	_ = 	snop  }
0x3b: {  	_ = 	snop  }
0x3c: {  	p2 =	seq.s32 s10, $0x1;
	s10 =	sld [smem:$0x3FB6]  }
0x3d: {  	_ =	shalt  }
0x3e: {  	_ =	shalt  }
0x3f: {  	_ =	shalt  }
0x40: {  	_ =	shalt  }
0x41: {  	_ =	shalt  }
0x42: {  	_ =	shalt  }
0x43: {  	_ =	shalt  }
0x44: {  	_ =	shalt  }
0x45: {  	_ =	shalt  }
0x46: {  	_ =	shalt  }
0x47: {  	_ =	shalt  }
0x48: {  	_ =	shalt  }
0x49: {  	_ =	shalt  }
0x4a: {  	_ =	shalt  }
0x4b: {  	_ =	shalt  }
0x4c: {  	_ =	shalt  }
0x4d: {  	_ =	shalt  }
0x4e: {  	_ =	shalt  }
0x4f: {  	_ =	shalt  }
0x50: {  	_ =	shalt  }
0x51: {  	_ =	shalt  }
0x52: {  	_ =	shalt  }
0x53: {  	_ =	shalt  }
0x54: {  	_ =	shalt  }
0x55: {  	_ =	shalt  }
0x56: {  	_ =	shalt  }
0x57: {  	_ =	shalt  }
0x58: {  	_ =	shalt  }
0x59: {  	_ =	shalt  }
0x5a: {  	_ =	shalt  }
0x5b: {  	_ =	shalt  }
0x5c: {  	_ =	shalt  }
0x5d: {  	_ =	shalt  }
0x5e: {  	_ =	shalt  }
0x5f: {  	_ =	shalt  }
0x60: {  	_ =	shalt  }
0x61: {  	_ =	shalt  }
0x62: {  	_ =	shalt  }
0x63: {  	_ =	shalt  }
0x64: {  	_ =	shalt  }
0x65: {  	_ =	shalt  }
0x66: {  	_ =	shalt  }
0x67: {  	_ =	shalt  }
0x68: {  	_ =	shalt  }
0x69: {  	_ =	shalt  }
0x6a: {  	_ =	shalt  }
0x6b: {  	_ =	shalt  }
0x6c: {  	_ =	shalt  }
0x6d: {  	_ =	shalt  }
0x6e: {  	_ =	shalt  }
0x6f: {  	_ =	shalt  }
0x70: {  	_ =	shalt  }
0x71: {  	_ =	shalt  }
0x72: {  	_ =	shalt  }
0x73: {  	_ =	shalt  }
0x74: {  	_ =	shalt  }
0x75: {  	_ =	shalt  }
0x76: {  	_ =	shalt  }
0x77: {  	_ =	shalt  }
0x78: {  	_ =	shalt  }
0x79: {  	_ =	shalt  }
0x7a: {  	_ =	shalt  }
0x7b: {  	_ =	shalt  }
0x7c: {  	_ =	shalt  }
0x7d: {  	_ =	shalt  }
0x7e: {  	_ =	shalt  }
0x7f: {  	_ =	shalt  }
0x80: {  	_ =	shalt  }
0x81: {  	_ =	shalt  }
0x82: {  	_ =	shalt  }
0x83: {  	_ =	shalt  }
0x84: {  	_ =	shalt  }
0x85: {  	_ =	shalt  }
0x86: {  	_ =	shalt  }
0x87: {  	_ =	shalt  }
.Lfunc_end0:
.L_simem_size_0:
called_computation_lowered:
.L_overlay_start_0:
0x88: {  	s2 =	sld [smem:$0x3FD9]  }
0x89: {  	s3 =	sld [smem:$0x3FFE];
	_ =	sdelay $0x1  }
0x8a: {  	s1 =	srdreg.scid  }
0x8b: {  	s0 =	sand.u32 $0x1, s1  }
0x8c: {  	s16 =	sshll.u32 s0, $0xA;
	s2 =	sadd.s32 s3, s2  }
0x8d: {  	s2 =	sadd.s32 s2, s16  }
0x8e: {  	[smem:$0x3FC2] =	sst s2  }
0x8f: {  	_ = 	snop  }
0x90: {  	(tm) =	ssettm $0x1  }
0x91: {  	s17 =	sld [smem:$0x3FFB];
	_ =	sdelay $0x3  }
0x92: {  	_ =	strace s17  }
0x93: {  	s2 =	sld [smem:$0x3FFC];
	_ =	sdelay $0x3  }
0x94: {  	_ =	strace s2  }
0x95: {  	s2 =	sld [smem:$0x3FFD];
	_ =	sdelay $0x3  }
0x96: {  	_ =	strace s2  }
0x97: {  	_ =	strace $0x8FFFFFFF  }
0x98: {  	s18 =	sld [smem:$0x3FDB];
	_ =	sdelay $0x1  }
0x99: {  	s19 =	simm.s32 $_scs_section_size  }
0x9a: {  	s4 =	simm.s32 $_size__tile_overlayer_lowered;
	s5 =	simm.s32 $_tile_overlayer_lowered  }
0x9b: {  	s22 =	simm.s32 $0x1BFF;
	s21 =	sshll.u32 s5, $0x1;
	s2 =	sadd.s32 s19, s18  }
0x9c: {  	s6 =	simm.s32 $0x0;
	s20 =	sshll.u32 s4, $0x1;
	s4 =	sadd.s32 s21, s2  }
0x9d: {  	[timem:s6], [sflag:s22] =	dma.local [hbm:s4], s20  }
0x9e: {  	_ =	swait.ge [sflag:s22], s20  }
0x9f: {  	s3 =	ssub.s32 $0x0, s20;
	[sflag:s22] =	ssyncset.done $0x0  }
0xa0: {  	[sflag:s22] =	ssyncadd.s32 s3;
	_ =	sdelay $0x1  }
0xa1: {  	s23 =	simm.s32 $0x1B8B  }
0xa2: {  	_ =	swait.ge [sflag:s23], $0x1  }
0xa3: {  	[sflag:s23] =	ssyncset.done $0x0  }
0xa4: {  	s25 =	simm.s32 $0x1B8E;
	s24 =	sld [smem:$0x3FFE];
	[sflag:s23] =	ssyncadd.s32 $0xFFFFFFFF  }
0xa5: {  	s26 =	simm.s32 $execute0_lowered;
	[smem:$0x3FD2] =	sst s25  }
0xa6: {  	s4 =	sshll.u32 s26, $0x1;
	_ =	strace $0x80000046;
	[dreg:$0x1] =	wrdreg $0xFFFFFFFF  }
0xa7: {  	s28 =	simm.s32 $_size_execute0_lowered;
	s2 =	sadd.s32 s2, s4;
	[dreg:$0x0] =	wrdreg $0x0  }
0xa8: {  	s4 =	sshll.u32 s28, $0x1;
	[dreg:$0x2] =	wrdreg s2  }
0xa9: {  	[dreg:$0x3] =	wrdreg s4  }
0xaa: {  	[dreg:$0x4] =	wrdreg $0xC0  }
0xab: {  	_ =	task [dreg:s6], $0x5FFFF  }
0xac: {  	[dreg:$0x1] =	wrdreg $0xFFFFFFFF  }
0xad: {  	[dreg:$0x0] =	wrdreg $0x60  }
0xae: {  	[dreg:$0x2] =	wrdreg s24  }
0xaf: {  	[dreg:$0x3] =	wrdreg $0x17000  }
0xb0: {  	[dreg:$0x4] =	wrdreg $0x9  }
0xb1: {  	_ =	task.clear_ibuf [dreg:s6], $0x5FFFF;
	_ =	strace $0x90000046  }
0xb2: {  	s29 =	simm.s32 $0x9;
	_ =	strace $0x80000048  }
0xb3: {  	_ =	swait.ge [sflag:s29], $0x1  }
0xb4: {  	[sflag:s29] =	ssyncadd.s32 $0xFFFFFFFF  }
0xb5: {  	_ =	strace $0x90000048  }
0xb6: {  	_ =	sfence  }
0xb7: {  	s30 =	sld [smem:$0x0];
	_ =	sdelay $0x2  }
0xb8: {  	s31 =	sshll.u32 s1, $0xD;
	s1 =	sshrl.u32 s1, $0x2  }
0xb9: {  	s3 =	sand.u32 $0x4000, s31;
	s1 =	sadd.s32 s1, s30  }
0xba: {  	s0 =	sor.u32 s3, s0;
	s1 =	sshll.u32 s1, $0x11  }
0xbb: {  	s0 =	sor.u32 s1, s0  }
0xbc: {  	s0 =	sadd.s32 $0x8F2B, s0  }
0xbd: {  	[sflag:s0] =	ssyncadd.remote.s32 $0x1  }
0xbe: {  	_ =	sfence.sel $0xFFFF  }
0xbf: {  	[dreg:$0x0] =	wrdreg $0xFFFFFFFF;
	(pc) =	sbr.abs _section_cstart, $3  }
0xc0: {  	[dreg:$0x1] =	wrdreg $0xFFFFFFFF  }
0xc1: {  	_ =	task.clear_ibuf [dreg:s6], $0x2FFFF;
	_ =	strace $0x9FFFFFFF  }
0xc2: {  	(tm) =	ssettm $0x7FFFFFFF  }
0xc3: {  	_ =	shalt  }
tec
execute0_lowered:
.L_overlay_start_1:
0x0: {  	(tag) =	ssettag $0x1  }
0x1: {  	s0 =	rddreg [dreg:$0x0]  }
0x2: {  	s2 =	rddreg [dreg:$0x1]  }
0x3: {  	s1 =	srdreg.scid;
	s7 =	stileid.u32;
	s3 =	simm.s32 $0x0  }
0x4: {  	s9 =	simm.s32 $0x2;
	s10 =	simm.s32 $0x1400;
	s11 =	simm.s32 $0x1480  }
0x5: {  	s12 =	simm.s32 $0x80;
	s15 =	simm.s32 $0xC00;
	s16 =	simm.s32 $0xC80  }
0x6: {  	s17 =	simm.s32 $0xD00;
	s18 =	simm.s32 $0xD80;
	s19 =	simm.s32 $0xE00  }
0x7: {  	s20 =	simm.s32 $0xE80;
	s21 =	simm.s32 $0xF00;
	s22 =	simm.s32 $0xF80  }
0x8: {  	s23 =	simm.s32 $0x1000;
	s24 =	simm.s32 $0x1080;
	s25 =	simm.s32 $0x1100  }
0x9: {  	s26 =	simm.s32 $0x1180;
	s28 =	simm.s32 $0x1200;
	s29 =	simm.s32 $0x1280  }
0xa: {  	s30 =	simm.s32 $0x1300;
	s31 =	simm.s32 $0x1380;
	s1 =	sand.u32 $0x1, s1  }
0xb: {  	s6 =	smul.u32 $0x280, s7;
	[smem:$0x7FF] =	sst s3;
	s4 =	sshll.u32 s1, $0x4  }
0xc: {  	s5 =	smul.u32 $0x2800, s1;
	s1 =	ssub.s32 $0x2, s1;
	s4 =	sor.u32 s7, s4  }
0xd: {  	_ =	strace $0x80000047;
	s8 =	sshrl.u32 s1, $0x1;
	s7 =	smul.u32 $0x280, s4  }
0xe: {  	s5 =	sadd.s32 s6, s5;
	s4 =	sadd.s32 $0xBA00, s0;
	s1 =	ssub.s32 s1, s8  }
0xf: {  	s6 =	sadd.s32 s6, s2;
	s5 =	sshrl.u32 s5, $0x3;
	s8 =	smax.u32 s1, $0x1  }
0x10: {  	s1 =	simm.s32 $0x0;
	s7 =	sadd.s32 s7, s0;
	s0 =	sadd.s32 s5, s0  }
0x11: {  	v0 =	vimm.f32 $0.0e+00;
	s5 =	sadd.s32 $0x6A00, s7;
	s7 =	sadd.s32 $0xBC00, s0;
	s0 =	simm.s32 $0x1  }
.LBB2_1:
0x12: {  	[tilespmem:s3], [sflag:$0x2] =	stream.linear.gather [hbm4b:s5+s3], $0x1400, $0x38;
	[tilespmem:$0x1980] =	vst v63  }
0x13: {  	_ =	swait.ge [sflag:s9], $0x1400  }
0x14: {  	[sflag:s9] =	ssyncset.done $0x0  }
0x15: {  	[sflag:s9] =	ssyncadd.s32 $0xFFFFEC00  }
0x16: {  	[tilespmem:s10], [sflag:$0x2] =	stream.linear.gather [hbm4b:s4+s3], $0x80, $0x38;
	[tilespmem:$0x1980] =	vst v63  }
0x17: {  	_ =	swait.ge [sflag:s9], $0x80  }
0x18: {  	[sflag:s9] =	ssyncset.done $0x0  }
0x19: {  	s13 =	simm.s32 $0x14C0;
	[sflag:s9] =	ssyncadd.s32 $0xFFFFFF80  }
0x1a: {  	[tilespmem:s13+$0xFFFFFFC0] =	vst v0  }
0x1b: {  	[tilespmem:s13+$0x30] =	vst v0  }
0x1c: {  	[tilespmem:s13+$0x20] =	vst v0  }
0x1d: {  	[tilespmem:s13+$0x10] =	vst v0  }
0x1e: {  	[tilespmem:s13+$0x0] =	vst v0  }
0x1f: {  	[tilespmem:s13+$0xFFFFFFF0] =	vst v0  }
0x20: {  	s14 =	simm.s32 $0x0;
	[tilespmem:s13+$0xFFFFFFE0] =	vst v0  }
.LBB2_2:
0x21: {  	s14 =	sadd.s32 $0x8, s14;
	[tilespmem:s13+$0xFFFFFFD0] =	vst v0;
	s13 =	sadd.s32 $0x80, s13  }
0x22: {  	[tilespmem:s13+$0xFFFFFFC0] =	vst v0;
	p0 =	slt.u32 s14, $0x20  }
0x23: {  	[tilespmem:s13+$0x30] =	vst v0  }
.Ltmp0:
0x24: {  	[tilespmem:s13+$0x20] =	vst v0;
	(pc) =	sbr.rel @p0 .LBB2_2-.Ltmp0, $4  }
0x25: {  	[tilespmem:s13+$0x10] =	vst v0  }
0x26: {  	[tilespmem:s13+$0x0] =	vst v0  }
0x27: {  	[tilespmem:s13+$0xFFFFFFF0] =	vst v0  }
0x28: {  	[tilespmem:s13+$0xFFFFFFE0] =	vst v0  }
0x29: {  	[tilespmem:s13+$0xFFFFFFD0] =	vst v0  }
0x2a: {  	[spmem:s6] =	stream.linear.scatter [tilespmem:s11], [sflag:$0x2], $0x280, $0x38;
	[tilespmem:$0x1980] =	vst v63  }
0x2b: {  	_ =	swait.ge [sflag:s9], $0x280  }
0x2c: {  	[sflag:s9] =	ssyncset.done $0x0  }
0x2d: {  	[sflag:s9] =	ssyncadd.s32 $0xFFFFFD80  }
0x2e: {  	[bflag:$0x0] =	sbarrier.arrive $0xFFFF  }
0x2f: {  	[spmem:s2] =	stream.indirect.scatter.add.f32 [tilespmem:s10], [sflag:$0x1], $0x1, s3, s12, $0xb8;
	[tilespmem:$0x1980] =	vst v63  }
0x30: {  	_ = 	snop  }
0x31: {  	[spmem:s2] =	stream.indirect.scatter.add.f32 [tilespmem:s10], [sflag:$0x1], $0x1, s12, s12, $0xb8;
	[tilespmem:$0x1980] =	vst v63  }
0x32: {  	s14 =	simm.s32 $0x100  }
0x33: {  	[spmem:s2] =	stream.indirect.scatter.add.f32 [tilespmem:s10], [sflag:$0x1], $0x1, s14, s12, $0xb8;
	[tilespmem:$0x1980] =	vst v63  }
0x34: {  	s14 =	simm.s32 $0x180  }
0x35: {  	[spmem:s2] =	stream.indirect.scatter.add.f32 [tilespmem:s10], [sflag:$0x1], $0x1, s14, s12, $0xb8;
	[tilespmem:$0x1980] =	vst v63  }
0x36: {  	s14 =	simm.s32 $0x200  }
0x37: {  	[spmem:s2] =	stream.indirect.scatter.add.f32 [tilespmem:s10], [sflag:$0x1], $0x1, s14, s12, $0xb8;
	[tilespmem:$0x1980] =	vst v63  }
0x38: {  	s14 =	simm.s32 $0x280  }
0x39: {  	[spmem:s2] =	stream.indirect.scatter.add.f32 [tilespmem:s10], [sflag:$0x1], $0x1, s14, s12, $0xb8;
	[tilespmem:$0x1980] =	vst v63  }
0x3a: {  	s14 =	simm.s32 $0x300  }
0x3b: {  	[spmem:s2] =	stream.indirect.scatter.add.f32 [tilespmem:s10], [sflag:$0x1], $0x1, s14, s12, $0xb8;
	[tilespmem:$0x1980] =	vst v63  }
0x3c: {  	s14 =	simm.s32 $0x380  }
0x3d: {  	[spmem:s2] =	stream.indirect.scatter.add.f32 [tilespmem:s10], [sflag:$0x1], $0x1, s14, s12, $0xb8;
	[tilespmem:$0x1980] =	vst v63  }
0x3e: {  	s14 =	simm.s32 $0x400  }
0x3f: {  	[spmem:s2] =	stream.indirect.scatter.add.f32 [tilespmem:s10], [sflag:$0x1], $0x1, s14, s12, $0xb8;
	[tilespmem:$0x1980] =	vst v63  }
0x40: {  	s14 =	simm.s32 $0x480  }
0x41: {  	[spmem:s2] =	stream.indirect.scatter.add.f32 [tilespmem:s10], [sflag:$0x1], $0x1, s14, s12, $0xb8;
	[tilespmem:$0x1980] =	vst v63  }
0x42: {  	s14 =	simm.s32 $0x500  }
0x43: {  	[spmem:s2] =	stream.indirect.scatter.add.f32 [tilespmem:s10], [sflag:$0x1], $0x1, s14, s12, $0xb8;
	[tilespmem:$0x1980] =	vst v63  }
0x44: {  	s14 =	simm.s32 $0x580  }
0x45: {  	[spmem:s2] =	stream.indirect.scatter.add.f32 [tilespmem:s10], [sflag:$0x1], $0x1, s14, s12, $0xb8;
	[tilespmem:$0x1980] =	vst v63  }
0x46: {  	s14 =	simm.s32 $0x600  }
0x47: {  	[spmem:s2] =	stream.indirect.scatter.add.f32 [tilespmem:s10], [sflag:$0x1], $0x1, s14, s12, $0xb8;
	[tilespmem:$0x1980] =	vst v63  }
0x48: {  	s14 =	simm.s32 $0x680  }
0x49: {  	[spmem:s2] =	stream.indirect.scatter.add.f32 [tilespmem:s10], [sflag:$0x1], $0x1, s14, s12, $0xb8;
	[tilespmem:$0x1980] =	vst v63  }
0x4a: {  	s14 =	simm.s32 $0x700  }
0x4b: {  	[spmem:s2] =	stream.indirect.scatter.add.f32 [tilespmem:s10], [sflag:$0x1], $0x1, s14, s12, $0xb8;
	[tilespmem:$0x1980] =	vst v63  }
0x4c: {  	s14 =	simm.s32 $0x780  }
0x4d: {  	[spmem:s2] =	stream.indirect.scatter.add.f32 [tilespmem:s10], [sflag:$0x1], $0x1, s14, s12, $0xb8;
	[tilespmem:$0x1980] =	vst v63  }
0x4e: {  	s14 =	simm.s32 $0x800  }
0x4f: {  	[spmem:s2] =	stream.indirect.scatter.add.f32 [tilespmem:s10], [sflag:$0x1], $0x1, s14, s12, $0xb8;
	[tilespmem:$0x1980] =	vst v63  }
0x50: {  	s14 =	simm.s32 $0x880  }
0x51: {  	[spmem:s2] =	stream.indirect.scatter.add.f32 [tilespmem:s10], [sflag:$0x1], $0x1, s14, s12, $0xb8;
	[tilespmem:$0x1980] =	vst v63  }
0x52: {  	s14 =	simm.s32 $0x900  }
0x53: {  	[spmem:s2] =	stream.indirect.scatter.add.f32 [tilespmem:s10], [sflag:$0x1], $0x1, s14, s12, $0xb8;
	[tilespmem:$0x1980] =	vst v63  }
0x54: {  	s14 =	simm.s32 $0x980  }
0x55: {  	[spmem:s2] =	stream.indirect.scatter.add.f32 [tilespmem:s10], [sflag:$0x1], $0x1, s14, s12, $0xb8;
	[tilespmem:$0x1980] =	vst v63  }
0x56: {  	s14 =	simm.s32 $0xA00  }
0x57: {  	[spmem:s2] =	stream.indirect.scatter.add.f32 [tilespmem:s10], [sflag:$0x1], $0x1, s14, s12, $0xb8;
	[tilespmem:$0x1980] =	vst v63  }
0x58: {  	s14 =	simm.s32 $0xA80  }
0x59: {  	[spmem:s2] =	stream.indirect.scatter.add.f32 [tilespmem:s10], [sflag:$0x1], $0x1, s14, s12, $0xb8;
	[tilespmem:$0x1980] =	vst v63  }
0x5a: {  	s14 =	simm.s32 $0xB00  }
0x5b: {  	[spmem:s2] =	stream.indirect.scatter.add.f32 [tilespmem:s10], [sflag:$0x1], $0x1, s14, s12, $0xb8;
	[tilespmem:$0x1980] =	vst v63  }
0x5c: {  	s14 =	simm.s32 $0xB80  }
0x5d: {  	[spmem:s2] =	stream.indirect.scatter.add.f32 [tilespmem:s10], [sflag:$0x1], $0x1, s14, s12, $0xb8;
	[tilespmem:$0x1980] =	vst v63  }
0x5e: {  	_ = 	snop  }
0x5f: {  	[spmem:s2] =	stream.indirect.scatter.add.f32 [tilespmem:s10], [sflag:$0x1], $0x1, s15, s12, $0xb8;
	[tilespmem:$0x1980] =	vst v63  }
0x60: {  	_ = 	snop  }
0x61: {  	[spmem:s2] =	stream.indirect.scatter.add.f32 [tilespmem:s10], [sflag:$0x1], $0x1, s16, s12, $0xb8;
	[tilespmem:$0x1980] =	vst v63  }
0x62: {  	_ = 	snop  }
0x63: {  	[spmem:s2] =	stream.indirect.scatter.add.f32 [tilespmem:s10], [sflag:$0x1], $0x1, s17, s12, $0xb8;
	[tilespmem:$0x1980] =	vst v63  }
0x64: {  	_ = 	snop  }
0x65: {  	[spmem:s2] =	stream.indirect.scatter.add.f32 [tilespmem:s10], [sflag:$0x1], $0x1, s18, s12, $0xb8;
	[tilespmem:$0x1980] =	vst v63  }
0x66: {  	_ = 	snop  }
0x67: {  	[spmem:s2] =	stream.indirect.scatter.add.f32 [tilespmem:s10], [sflag:$0x1], $0x1, s19, s12, $0xb8;
	[tilespmem:$0x1980] =	vst v63  }
0x68: {  	_ = 	snop  }
0x69: {  	[spmem:s2] =	stream.indirect.scatter.add.f32 [tilespmem:s10], [sflag:$0x1], $0x1, s20, s12, $0xb8;
	[tilespmem:$0x1980] =	vst v63  }
0x6a: {  	_ = 	snop  }
0x6b: {  	[spmem:s2] =	stream.indirect.scatter.add.f32 [tilespmem:s10], [sflag:$0x1], $0x1, s21, s12, $0xb8;
	[tilespmem:$0x1980] =	vst v63  }
0x6c: {  	_ = 	snop  }
0x6d: {  	[spmem:s2] =	stream.indirect.scatter.add.f32 [tilespmem:s10], [sflag:$0x1], $0x1, s22, s12, $0xb8;
	[tilespmem:$0x1980] =	vst v63  }
0x6e: {  	_ = 	snop  }
0x6f: {  	[spmem:s2] =	stream.indirect.scatter.add.f32 [tilespmem:s10], [sflag:$0x1], $0x1, s23, s12, $0xb8;
	[tilespmem:$0x1980] =	vst v63  }
0x70: {  	_ = 	snop  }
0x71: {  	[spmem:s2] =	stream.indirect.scatter.add.f32 [tilespmem:s10], [sflag:$0x1], $0x1, s24, s12, $0xb8;
	[tilespmem:$0x1980] =	vst v63  }
0x72: {  	_ = 	snop  }
0x73: {  	[spmem:s2] =	stream.indirect.scatter.add.f32 [tilespmem:s10], [sflag:$0x1], $0x1, s25, s12, $0xb8;
	[tilespmem:$0x1980] =	vst v63  }
0x74: {  	_ = 	snop  }
0x75: {  	[spmem:s2] =	stream.indirect.scatter.add.f32 [tilespmem:s10], [sflag:$0x1], $0x1, s26, s12, $0xb8;
	[tilespmem:$0x1980] =	vst v63  }
0x76: {  	_ = 	snop  }
0x77: {  	[spmem:s2] =	stream.indirect.scatter.add.f32 [tilespmem:s10], [sflag:$0x1], $0x1, s28, s12, $0xb8;
	[tilespmem:$0x1980] =	vst v63  }
0x78: {  	_ = 	snop  }
0x79: {  	[spmem:s2] =	stream.indirect.scatter.add.f32 [tilespmem:s10], [sflag:$0x1], $0x1, s29, s12, $0xb8;
	[tilespmem:$0x1980] =	vst v63  }
0x7a: {  	_ = 	snop  }
0x7b: {  	[spmem:s2] =	stream.indirect.scatter.add.f32 [tilespmem:s10], [sflag:$0x1], $0x1, s30, s12, $0xb8;
	[tilespmem:$0x1980] =	vst v63  }
0x7c: {  	_ = 	snop  }
0x7d: {  	[spmem:s2] =	stream.indirect.scatter.add.f32 [tilespmem:s10], [sflag:$0x1], $0x1, s31, s12, $0xb8;
	[tilespmem:$0x1980] =	vst v63  }
0x7e: {  	_ =	swait.ge [sflag:s0], $0x80  }
0x7f: {  	s13 =	simm.s32 $0x27;
	[sflag:s0] =	ssyncset.done $0x0  }
.LBB2_4:
0x80: {  	p0 =	sne.s32 s13, $0x1;
	s13 =	sadd.s32 $0xFFFFFFFF, s13;
	[sflag:s0] =	ssyncadd.s32 $0xFFFFFF80  }
.Ltmp1:
0x81: {  	(pc) =	sbr.rel @p0 .LBB2_4-.Ltmp1, $3  }
0x82: {  	_ =	sdelay $0x1  }
0x83: {  	_ =	swait.ge [sflag:s0], $0x80  }
0x84: {  	[sflag:s0] =	ssyncset.done $0x0  }
0x85: {  	[sflag:s0] =	ssyncadd.s32 $0xFFFFFF80  }
0x86: {  	[bflag:$0x0] =	sbarrier.arrive $0xFFFF  }
0x87: {  	[tilespmem:s11], [sflag:$0x2] =	stream.linear.gather [spmem:s6], $0x280, $0x38;
	[tilespmem:$0x1980] =	vst v63  }
0x88: {  	s1 =	sadd.s32 $0x1, s1;
	_ =	swait.ge [sflag:s9], $0x280  }
0x89: {  	p0 =	sne.s32 s1, s8;
	[sflag:s9] =	ssyncset.done $0x0  }
.Ltmp2:
0x8a: {  	[sflag:s9] =	ssyncadd.s32 $0xFFFFFD80;
	(pc) =	sbr.rel @p0 .LBB2_1-.Ltmp2, $4  }
0x8b: {  	[hbm4b:s7+s3] =	stream.linear.scatter [tilespmem:s11], [sflag:$0x2], $0x280, $0x38;
	[tilespmem:$0x1980] =	vst v63  }
0x8c: {  	_ =	swait.ge [sflag:s9], $0x280  }
0x8d: {  	[sflag:s9] =	ssyncset.done $0x0  }
0x8e: {  	[sflag:s9] =	ssyncadd.s32 $0xFFFFFD80  }
0x8f: {  	_ =	sfence.sel $0x180000  }
0x90: {  	[bflag:$0x0] =	sbarrier.arrive $0xFFFF  }
0x91: {  	_ =	strace $0x90000047  }
0x92: {  	s0 =	stileid.u32;
	[bflag:$0x2] =	sbarrier.arrive $0xFFFF  }
0x93: {  	p0 =	sne.s32 s0, $0x0;
	s0 =	rddreg [dreg:$0x2]  }
0x94: {  	s0 =	sadd.s32 @!p0 $0x100000, s0  }
0x95: {  	[sflag:s0] =	ssyncadd.tile.s32 @!p0 $0x1;
	_ =	shalt  }
.Lfunc_end2:
_tile_overlayer_lowered:
.L_overlay_start_2:
0x96: {  	(tag) =	ssettag $0x2  }
0x97: {  	s0 =	rddreg [dreg:$0x0];
	s2 =	stileid.u32  }
0x98: {  	s1 =	rddreg [dreg:$0x1];
	p0 =	sne.s32 s2, $0x0  }
0x99: {  	s3 =	rddreg [dreg:$0x2];
	[bflag:$0x3] =	sbarrier.arrive $0xFFFF;
	s2 =	simm.s32 @!p0 $0x1C02  }
0x9a: {  	[timem:s3], [sflag:s2] =	dma.local @!p0 [hbm:s0], s1  }
0x9b: {  	s0 =	simm.s32 @!p0 $0x2  }
0x9c: {  	_ =	swait.ge @!p0 [sflag:s0], s1  }
0x9d: {  	s1 =	ssub.s32 @!p0 $0x0, s1;
	[sflag:s0] =	ssyncset.done @!p0 $0x0  }
0x9e: {  	[sflag:s0] =	ssyncadd.s32 @!p0 s1  }
0x9f: {  	[bflag:$0x3] =	sbarrier.arrive $0xFFFF  }
0xa0: {  	_ =	shalt  }

</sc_bundles>
